<compile_context>
chip_gen: v7x
topology: tpu7x:2x2x1
jax: 0.10.2.dev20260603
libtpu: 0.0.44.dev20260713+nightly
codegen_flags: <defaults>
</compile_context>

<pallas_src>
import functools

import jax
import jax.numpy as jnp
from jax import lax
from jax.experimental import pallas as pl
from jax.experimental.pallas import tpu as pltpu
from jax.experimental.pallas import tpu_sc as plsc

NUM = 20
TEMP = 0.07
B, C, H, W = 16, 256, 65, 65
HW = H * W
NPIX = B * HW
IN_HW = 513
KPAD = 32

NC, NS = 2, 16
NW = NC * NS
WCHUNK = 2176
GOUT = NW * WCHUNK


def _sc_gather_body(prop_hbm, out_hbm, val_v, sem):
    wid = lax.axis_index("s") * NC + lax.axis_index("c")
    base16 = wid * (WCHUNK // 16)
    i0 = base16 // H

    def inner(buf):
        descs = []
        for rr in range(4):
            i = jnp.minimum(i0 + rr, H - 1)
            r = (i * IN_HW) // H
            for tb in range(2):
                for tc in range(4):
                    k = (rr * 2 + tb) * 4 + tc
                    descs.append(pltpu.async_copy(
                        prop_hbm.at[r, pl.ds(tb * 8, 8), pl.ds(tc * 128, 128)],
                        buf.at[pl.ds(k * 8, 8), :], sem))
        for d in descs:
            d.wait()

        tbv32 = (lax.iota(jnp.int32, 16) >> 3) * 32
        b8v = jnp.bitwise_and(lax.iota(jnp.int32, 16), 7)
        vconst = tbv32 + b8v

        def _pick(u, carry):
            for dt in range(8):
                t = u * 8 + dt
                ij = jnp.minimum(base16 + t, HW - 1)
                i = ij // H
                j = ij - i * H
                iw = (j * IN_HW) // H
                rr = i - i0
                row_idx = vconst + (rr * 64 + (iw // 128) * 8)
                col_idx = jnp.broadcast_to(iw % 128, (16,)).astype(jnp.int32)
                val_v[pl.ds(128 * u + 16 * dt, 16)] = plsc.load_gather(
                    buf, [row_idx, col_idx])
            return carry

        lax.fori_loop(0, WCHUNK // 128, _pick, 0)
        pltpu.sync_copy(val_v, out_hbm.at[pl.ds(wid * WCHUNK, WCHUNK)])

    pl.run_scoped(inner, pltpu.VMEM((256, 128), jnp.int32))


@jax.jit
def _sc_downsample(propT):
    fn = functools.partial(
        pl.kernel,
        mesh=plsc.VectorSubcoreMesh(core_axis_name="c", subcore_axis_name="s"),
        compiler_params=pltpu.CompilerParams(needs_layout_passes=False),
        out_type=jax.ShapeDtypeStruct((GOUT,), jnp.int32),
        scratch_types=[
            pltpu.VMEM((WCHUNK,), jnp.int32),
            pltpu.SemaphoreType.DMA,
        ],
    )(_sc_gather_body)
    return fn(propT)


HB = 5
NSTEP = H // HB
PB = HB * W * B


def _tc_body(feats_ref, prev_ref, lab_ref, out_ref, acc_anc, acc_con, cnt_ref):
    step = pl.program_id(0)

    @pl.when(step == 0)
    def _init():
        acc_anc[...] = jnp.zeros_like(acc_anc)
        acc_con[...] = jnp.zeros_like(acc_con)
        cnt_ref[...] = jnp.zeros_like(cnt_ref)

    lab = lab_ref[0]
    kiota = lax.broadcasted_iota(jnp.int32, (KPAD, PB), 0)
    oh = (lab == kiota).astype(jnp.float32)
    ones_c = jnp.ones((1, C), jnp.float32)
    ones_p = jnp.ones((PB, 1), jnp.float32)

    x = feats_ref[...].reshape(PB, C)
    xx = x * x
    sumsq = lax.dot_general(ones_c, xx, (((1,), (1,)), ((), ())),
                            preferred_element_type=jnp.float32)
    inv = 1.0 / jnp.maximum(jnp.sqrt(sumsq), 1e-12)
    acc_anc[...] += lax.dot_general(oh * inv, x, (((1,), (0,)), ((), ())),
                                    preferred_element_type=jnp.float32)

    xp = prev_ref[...].reshape(PB, C)
    xxp = xp * xp
    sumsqp = lax.dot_general(ones_c, xxp, (((1,), (1,)), ((), ())),
                             preferred_element_type=jnp.float32)
    invp = 1.0 / jnp.maximum(jnp.sqrt(sumsqp), 1e-12)
    acc_con[...] += lax.dot_general(oh * invp, xp, (((1,), (0,)), ((), ())),
                                    preferred_element_type=jnp.float32)

    cnt_ref[...] += jnp.dot(oh, ones_p,
                            preferred_element_type=jnp.float32)

    @pl.when(step == NSTEP - 1)
    def _finish():
        denom = jnp.maximum(cnt_ref[...], 1.0)
        kvalid = lax.broadcasted_iota(jnp.int32, (KPAD, 1), 0) < NUM
        anc = jnp.where(kvalid, acc_anc[...] / denom, 0.0)
        con = jnp.where(kvalid, acc_con[...] / denom, 0.0)
        contrast = jnp.concatenate([anc, con], axis=0)
        adc = lax.dot_general(anc, contrast, (((1,), (1,)), ((), ())),
                              preferred_element_type=jnp.float32) / TEMP

        ii = lax.broadcasted_iota(jnp.int32, (KPAD, 2 * KPAD), 0)
        jj = lax.broadcasted_iota(jnp.int32, (KPAD, 2 * KPAD), 1)
        jlab = jnp.where(jj < KPAD, jj, jj - KPAD)
        ivalid = ii < NUM
        jvalid = jlab < NUM
        vvalid = ivalid & jvalid
        r_mask = (vvalid & (ii == jlab)).astype(jnp.float32)
        eye = (vvalid & (jj < KPAD) & (ii == jj)).astype(jnp.float32)
        pos_mask = r_mask - eye
        neg_mask = jnp.where(vvalid, 1.0 - r_mask, 0.0)

        neg_contrast = jnp.sum(jnp.exp(adc) * neg_mask, axis=1, keepdims=True)
        logits_max = jnp.max(jnp.where(jvalid, adc, -1e30), axis=1,
                             keepdims=True)
        adc2 = adc - logits_max
        pos_contrast = (adc2 * pos_mask
                        - jnp.log(jnp.exp(adc2) + neg_contrast) * pos_mask)
        npos = jnp.sum(pos_mask, axis=1, keepdims=True)
        per = jnp.sum(pos_contrast, axis=1, keepdims=True)
        has = npos > 0
        loss_vec = jnp.where(has, -per / jnp.maximum(npos, 1.0), 0.0)
        num = jnp.sum(loss_vec, axis=0, keepdims=True)
        den = jnp.sum(has.astype(jnp.float32), axis=0, keepdims=True)
        out_ref[...] = num / jnp.maximum(den, 1.0)


@jax.jit
def _tc_main(featsT, featsT_prev, labels):
    return pl.pallas_call(
        _tc_body,
        grid=(NSTEP,),
        in_specs=[
            pl.BlockSpec((HB, W, B, C), lambda s: (s, 0, 0, 0)),
            pl.BlockSpec((HB, W, B, C), lambda s: (s, 0, 0, 0)),
            pl.BlockSpec((1, 1, PB), lambda s: (s, 0, 0)),
        ],
        out_specs=pl.BlockSpec((1, 1), lambda s: (0, 0)),
        out_shape=jax.ShapeDtypeStruct((1, 1), jnp.float32),
        scratch_shapes=[
            pltpu.VMEM((KPAD, C), jnp.float32),
            pltpu.VMEM((KPAD, C), jnp.float32),
            pltpu.VMEM((KPAD, 1), jnp.float32),
        ],
    )(featsT, featsT_prev, labels)


def kernel(pre_logits, pre_logits_prev, proposal):
    propT = jnp.transpose(proposal, (1, 0, 2))
    labels = _sc_downsample(propT)[:NPIX].reshape(NSTEP, 1, PB)
    featsT = jnp.transpose(pre_logits, (2, 3, 0, 1))
    featsT_prev = jnp.transpose(pre_logits_prev, (2, 3, 0, 1))
    return _tc_main(featsT, featsT_prev, labels)[0, 0]

# --- scband reference (transcript-rebuilt; emitter-appended) ---
"""Pipeline reference for scband-conloss-proposal-76639396429951 (READ-ONLY COPY).

The authoritative reference and input builder live on the scoring server;
editing this copy changes nothing except your own understanding.
"""

import jax, jax.numpy as jnp
import numpy as np

NUM = 20
TEMP = 0.07


def _l2norm(x):
    n = jnp.sqrt(jnp.sum(x * x, axis=1, keepdims=True))
    return x / jnp.maximum(n, 1e-12)


def setup_inputs(seed: int = 0) -> dict:
    key = jax.random.key(seed)
    k1, k2, k3 = jax.random.split(key, 3)
    pre_logits = jax.random.normal(k1, (16, 256, 65, 65), dtype=jnp.float32)
    pre_logits_prev = jax.random.normal(k2, (16, 256, 65, 65), dtype=jnp.float32)
    proposal = jax.random.randint(k3, (16, 513, 513), 0, 21, dtype=jnp.int32)
    return {"pre_logits": pre_logits, "pre_logits_prev": pre_logits_prev, "proposal": proposal}


def reference(pre_logits, pre_logits_prev, proposal):
    B, C, H, W = pre_logits.shape
    in_h, in_w = proposal.shape[1], proposal.shape[2]
    # nearest-neighbor downsample matching torch F.interpolate(mode='nearest'): idx = floor(i * in/out)
    ih = jnp.floor(jnp.arange(H) * (in_h / H)).astype(jnp.int32)
    iw = jnp.floor(jnp.arange(W) * (in_w / W)).astype(jnp.int32)
    prop = proposal[:, ih, :][:, :, iw]
    labels = prop.reshape(-1)
    feats = jnp.transpose(pre_logits, (0, 2, 3, 1)).reshape(-1, C)
    feats_prev = jnp.transpose(pre_logits_prev, (0, 2, 3, 1)).reshape(-1, C)
    valid = (labels >= 0) & (labels < NUM)
    feat_anc = _l2norm(feats)
    conts = _l2norm(feats_prev)
    # route dummy/invalid pixels to an extra segment NUM that is discarded
    seg = jnp.where(valid, labels, NUM).astype(jnp.int32)
    ones = jnp.ones((labels.shape[0],), dtype=pre_logits.dtype)
    counts = jax.ops.segment_sum(ones, seg, num_segments=NUM + 1)[:NUM]
    denom = jnp.maximum(counts, 1.0)[:, None]
    anc_proto = jax.ops.segment_sum(feat_anc, seg, num_segments=NUM + 1)[:NUM] / denom
    con_proto_prev = jax.ops.segment_sum(conts, seg, num_segments=NUM + 1)[:NUM] / denom
    con_proto = jax.lax.stop_gradient(jnp.concatenate([anc_proto, con_proto_prev], axis=0))
    anchor_labels = jnp.arange(NUM)
    contrast_labels = jnp.concatenate([anchor_labels, anchor_labels], axis=0)
    R = (anchor_labels[:, None] == contrast_labels[None, :]).astype(pre_logits.dtype)
    eye_pad = jnp.concatenate([jnp.eye(NUM, dtype=pre_logits.dtype), jnp.zeros((NUM, NUM), dtype=pre_logits.dtype)], axis=1)
    pos_mask = R - eye_pad
    neg_mask = 1.0 - R
    adc = jnp.matmul(anc_proto, con_proto.T) / TEMP
    # NOTE: faithful to the torch code, neg_contrast uses pre-max-shift logits
    neg_contrast = jnp.sum(jnp.exp(adc) * neg_mask, axis=1, keepdims=True)
    logits_max = jax.lax.stop_gradient(jnp.max(adc, axis=1, keepdims=True))
    adc2 = adc - logits_max
    pos_contrast = adc2 * pos_mask - jnp.log(jnp.exp(adc2) + neg_contrast) * pos_mask
    npos = jnp.sum(pos_mask, axis=1)
    per = jnp.sum(pos_contrast, axis=1)
    has = npos > 0
    loss_vec = jnp.where(has, -per / jnp.maximum(npos, 1.0), 0.0)
    loss = jnp.sum(loss_vec) / jnp.maximum(jnp.sum(has.astype(pre_logits.dtype)), 1.0)
    return loss

if __name__ == "__main__":
    import jax
    _d = setup_inputs()
    print(jax.jit(kernel)(*tuple(_d.values())))

</pallas_src>

<mosaic_0001>
#map = affine_map<(d0, d1) -> (0, 0, 0)>
#map1 = affine_map<(d0, d1) -> (0)>
module attributes {stable_mosaic.version = 14 : i64} {
  func.func @_sc_gather_body(%arg0: i32, %arg1: i32, %arg2: memref<513x16x513xi32, #tpu.memory_space<hbm>>, %arg3: memref<69632xi32, #tpu.memory_space<hbm>>, %arg4: memref<2176xi32, #tpu.memory_space<vmem>>, %arg5: memref<!tpu.dma_semaphore, #tpu.memory_space<semaphore_mem>>) attributes {dimension_semantics = [#tpu.dimension_semantics<core_parallel>, #tpu.dimension_semantics<subcore_parallel>], iteration_bounds = array<i64: 2, 16>, scalar_prefetch = 0 : i64, scratch_operands = 2 : i64, tpu.core_type = #tpu.core_type<sc_vector_subcore>, window_params = [{transform_indices = #map}, {transform_indices = #map1}]} {
    %mul3A = arith.constant 2 : i32
    %mul3A_0 = arith.muli %arg1, %mul3A : i32
    %add3A = arith.addi %mul3A_0, %arg0 : i32
    %mul3A_1 = arith.constant 136 : i32
    %mul3A_2 = arith.muli %add3A, %mul3A_1 : i32
    %jit3A = arith.constant 65 : i32
    %div3A = arith.divsi %mul3A_2, %jit3A : i32
    %sign3A = arith.constant 0 : i32
    %sign3A_3 = arith.cmpi sgt, %mul3A_2, %sign3A : i32
    %sign3A_4 = arith.extui %sign3A_3 : i1 to i32
    %sign3A_5 = arith.constant 0 : i32
    %sign3A_6 = arith.cmpi slt, %mul3A_2, %sign3A_5 : i32
    %sign3A_7 = arith.extui %sign3A_6 : i1 to i32
    %sign3A_8 = arith.subi %sign3A_4, %sign3A_7 : i32
    %sign3A_9 = arith.constant 0 : i32
    %sign3A_10 = arith.cmpi sgt, %jit3A, %sign3A_9 : i32
    %sign3A_11 = arith.extui %sign3A_10 : i1 to i32
    %sign3A_12 = arith.constant 0 : i32
    %sign3A_13 = arith.cmpi slt, %jit3A, %sign3A_12 : i32
    %sign3A_14 = arith.extui %sign3A_13 : i1 to i32
    %sign3A_15 = arith.subi %sign3A_11, %sign3A_14 : i32
    %ne3A = arith.cmpi ne, %sign3A_8, %sign3A_15 : i32
    %rem3A = arith.remsi %mul3A_2, %jit3A : i32
    %ne3A_16 = arith.constant 0 : i32
    %ne3A_17 = arith.cmpi ne, %rem3A, %ne3A_16 : i32
    %and3A = arith.andi %ne3A, %ne3A_17 : i1
    %sub3A = arith.constant 1 : i32
    %sub3A_18 = arith.subi %div3A, %sub3A : i32
    %select_n3A = arith.select %and3A, %sub3A_18, %div3A : i32
    "tpu.region"() ({
      %run_scoped3A = memref.alloca() : memref<256x128xi32, #tpu.memory_space<vmem>>
      %add3A_19 = arith.constant 0 : i32
      %add3A_20 = arith.addi %select_n3A, %add3A_19 : i32
      %min3A = arith.constant 64 : i32
      %min3A_21 = arith.minsi %add3A_20, %min3A : i32
      %mul3A_22 = arith.constant 513 : i32
      %mul3A_23 = arith.muli %min3A_21, %mul3A_22 : i32
      %jit3A_24 = arith.constant 65 : i32
      %div3A_25 = arith.divsi %mul3A_23, %jit3A_24 : i32
      %sign3A_26 = arith.constant 0 : i32
      %sign3A_27 = arith.cmpi sgt, %mul3A_23, %sign3A_26 : i32
      %sign3A_28 = arith.extui %sign3A_27 : i1 to i32
      %sign3A_29 = arith.constant 0 : i32
      %sign3A_30 = arith.cmpi slt, %mul3A_23, %sign3A_29 : i32
      %sign3A_31 = arith.extui %sign3A_30 : i1 to i32
      %sign3A_32 = arith.subi %sign3A_28, %sign3A_31 : i32
      %sign3A_33 = arith.constant 0 : i32
      %sign3A_34 = arith.cmpi sgt, %jit3A_24, %sign3A_33 : i32
      %sign3A_35 = arith.extui %sign3A_34 : i1 to i32
      %sign3A_36 = arith.constant 0 : i32
      %sign3A_37 = arith.cmpi slt, %jit3A_24, %sign3A_36 : i32
      %sign3A_38 = arith.extui %sign3A_37 : i1 to i32
      %sign3A_39 = arith.subi %sign3A_35, %sign3A_38 : i32
      %ne3A_40 = arith.cmpi ne, %sign3A_32, %sign3A_39 : i32
      %rem3A_41 = arith.remsi %mul3A_23, %jit3A_24 : i32
      %ne3A_42 = arith.constant 0 : i32
      %ne3A_43 = arith.cmpi ne, %rem3A_41, %ne3A_42 : i32
      %and3A_44 = arith.andi %ne3A_40, %ne3A_43 : i1
      %sub3A_45 = arith.constant 1 : i32
      %sub3A_46 = arith.subi %div3A_25, %sub3A_45 : i32
      %select_n3A_47 = arith.select %and3A_44, %sub3A_46, %div3A_25 : i32
      %dma_start3A = arith.constant 0 : i32
      %dma_start3A_48 = arith.constant 0 : i32
      %dma_start3A_49 = tpu.memref_slice %run_scoped3A[%dma_start3A, %dma_start3A_48] : memref<256x128xi32, #tpu.memory_space<vmem>> -> memref<8x128xi32, #tpu.memory_space<vmem>>
      %dma_start3A_50 = arith.constant 0 : i32
      %dma_start3A_51 = arith.constant 0 : i32
      %dma_start3A_52 = tpu.memref_slice %arg2[%select_n3A_47, %dma_start3A_50, %dma_start3A_51] : memref<513x16x513xi32, #tpu.memory_space<hbm>> -> memref<1x8x128xi32, #tpu.memory_space<hbm>>
      %dma_start3A_53 = tpu.memref_squeeze %dma_start3A_52 : memref<1x8x128xi32, #tpu.memory_space<hbm>> -> memref<8x128xi32, #tpu.memory_space<hbm>>
      %dma_start3A_54 = arith.constant 0 : i32
      %dma_start3A_55 = arith.constant 0 : i32
      %dma_start3A_56 = tpu.memref_slice %run_scoped3A[%dma_start3A_54, %dma_start3A_55] : memref<256x128xi32, #tpu.memory_space<vmem>> -> memref<8x128xi32, #tpu.memory_space<vmem>>
      %dma_start3A_57 = arith.constant 0 : i32
      %dma_start3A_58 = arith.constant 0 : i32
      %dma_start3A_59 = tpu.memref_slice %arg2[%select_n3A_47, %dma_start3A_57, %dma_start3A_58] : memref<513x16x513xi32, #tpu.memory_space<hbm>> -> memref<1x8x128xi32, #tpu.memory_space<hbm>>
      %dma_start3A_60 = tpu.memref_squeeze %dma_start3A_59 : memref<1x8x128xi32, #tpu.memory_space<hbm>> -> memref<8x128xi32, #tpu.memory_space<hbm>>
      tpu.enqueue_dma source(%dma_start3A_60 : memref<8x128xi32, #tpu.memory_space<hbm>>) target(%dma_start3A_56 : memref<8x128xi32, #tpu.memory_space<vmem>>) target_semaphore(%arg5 : memref<!tpu.dma_semaphore, #tpu.memory_space<semaphore_mem>>)
      %dma_start3A_61 = arith.constant 8 : i32
      %dma_start3A_62 = arith.constant 0 : i32
      %dma_start3A_63 = tpu.memref_slice %run_scoped3A[%dma_start3A_61, %dma_start3A_62] : memref<256x128xi32, #tpu.memory_space<vmem>> -> memref<8x128xi32, #tpu.memory_space<vmem>>
      %dma_start3A_64 = arith.constant 0 : i32
      %dma_start3A_65 = arith.constant 128 : i32
      %dma_start3A_66 = tpu.memref_slice %arg2[%select_n3A_47, %dma_start3A_64, %dma_start3A_65] : memref<513x16x513xi32, #tpu.memory_space<hbm>> -> memref<1x8x128xi32, #tpu.memory_space<hbm>>
      %dma_start3A_67 = tpu.memref_squeeze %dma_start3A_66 : memref<1x8x128xi32, #tpu.memory_space<hbm>> -> memref<8x128xi32, #tpu.memory_space<hbm>>
      %dma_start3A_68 = arith.constant 8 : i32
      %dma_start3A_69 = arith.constant 0 : i32
      %dma_start3A_70 = tpu.memref_slice %run_scoped3A[%dma_start3A_68, %dma_start3A_69] : memref<256x128xi32, #tpu.memory_space<vmem>> -> memref<8x128xi32, #tpu.memory_space<vmem>>
      %dma_start3A_71 = arith.constant 0 : i32
      %dma_start3A_72 = arith.constant 128 : i32
      %dma_start3A_73 = tpu.memref_slice %arg2[%select_n3A_47, %dma_start3A_71, %dma_start3A_72] : memref<513x16x513xi32, #tpu.memory_space<hbm>> -> memref<1x8x128xi32, #tpu.memory_space<hbm>>
      %dma_start3A_74 = tpu.memref_squeeze %dma_start3A_73 : memref<1x8x128xi32, #tpu.memory_space<hbm>> -> memref<8x128xi32, #tpu.memory_space<hbm>>
      tpu.enqueue_dma source(%dma_start3A_74 : memref<8x128xi32, #tpu.memory_space<hbm>>) target(%dma_start3A_70 : memref<8x128xi32, #tpu.memory_space<vmem>>) target_semaphore(%arg5 : memref<!tpu.dma_semaphore, #tpu.memory_space<semaphore_mem>>)
      %dma_start3A_75 = arith.constant 16 : i32
      %dma_start3A_76 = arith.constant 0 : i32
      %dma_start3A_77 = tpu.memref_slice %run_scoped3A[%dma_start3A_75, %dma_start3A_76] : memref<256x128xi32, #tpu.memory_space<vmem>> -> memref<8x128xi32, #tpu.memory_space<vmem>>
      %dma_start3A_78 = arith.constant 0 : i32
      %dma_start3A_79 = arith.constant 256 : i32
      %dma_start3A_80 = tpu.memref_slice %arg2[%select_n3A_47, %dma_start3A_78, %dma_start3A_79] : memref<513x16x513xi32, #tpu.memory_space<hbm>> -> memref<1x8x128xi32, #tpu.memory_space<hbm>>
      %dma_start3A_81 = tpu.memref_squeeze %dma_start3A_80 : memref<1x8x128xi32, #tpu.memory_space<hbm>> -> memref<8x128xi32, #tpu.memory_space<hbm>>
      %dma_start3A_82 = arith.constant 16 : i32
      %dma_start3A_83 = arith.constant 0 : i32
      %dma_start3A_84 = tpu.memref_slice %run_scoped3A[%dma_start3A_82, %dma_start3A_83] : memref<256x128xi32, #tpu.memory_space<vmem>> -> memref<8x128xi32, #tpu.memory_space<vmem>>
      %dma_start3A_85 = arith.constant 0 : i32
      %dma_start3A_86 = arith.constant 256 : i32
      %dma_start3A_87 = tpu.memref_slice %arg2[%select_n3A_47, %dma_start3A_85, %dma_start3A_86] : memref<513x16x513xi32, #tpu.memory_space<hbm>> -> memref<1x8x128xi32, #tpu.memory_space<hbm>>
      %dma_start3A_88 = tpu.memref_squeeze %dma_start3A_87 : memref<1x8x128xi32, #tpu.memory_space<hbm>> -> memref<8x128xi32, #tpu.memory_space<hbm>>
      tpu.enqueue_dma source(%dma_start3A_88 : memref<8x128xi32, #tpu.memory_space<hbm>>) target(%dma_start3A_84 : memref<8x128xi32, #tpu.memory_space<vmem>>) target_semaphore(%arg5 : memref<!tpu.dma_semaphore, #tpu.memory_space<semaphore_mem>>)
      %dma_start3A_89 = arith.constant 24 : i32
      %dma_start3A_90 = arith.constant 0 : i32
      %dma_start3A_91 = tpu.memref_slice %run_scoped3A[%dma_start3A_89, %dma_start3A_90] : memref<256x128xi32, #tpu.memory_space<vmem>> -> memref<8x128xi32, #tpu.memory_space<vmem>>
      %dma_start3A_92 = arith.constant 0 : i32
      %dma_start3A_93 = arith.constant 384 : i32
      %dma_start3A_94 = tpu.memref_slice %arg2[%select_n3A_47, %dma_start3A_92, %dma_start3A_93] : memref<513x16x513xi32, #tpu.memory_space<hbm>> -> memref<1x8x128xi32, #tpu.memory_space<hbm>>
      %dma_start3A_95 = tpu.memref_squeeze %dma_start3A_94 : memref<1x8x128xi32, #tpu.memory_space<hbm>> -> memref<8x128xi32, #tpu.memory_space<hbm>>
      %dma_start3A_96 = arith.constant 24 : i32
      %dma_start3A_97 = arith.constant 0 : i32
      %dma_start3A_98 = tpu.memref_slice %run_scoped3A[%dma_start3A_96, %dma_start3A_97] : memref<256x128xi32, #tpu.memory_space<vmem>> -> memref<8x128xi32, #tpu.memory_space<vmem>>
      %dma_start3A_99 = arith.constant 0 : i32
      %dma_start3A_100 = arith.constant 384 : i32
      %dma_start3A_101 = tpu.memref_slice %arg2[%select_n3A_47, %dma_start3A_99, %dma_start3A_100] : memref<513x16x513xi32, #tpu.memory_space<hbm>> -> memref<1x8x128xi32, #tpu.memory_space<hbm>>
      %dma_start3A_102 = tpu.memref_squeeze %dma_start3A_101 : memref<1x8x128xi32, #tpu.memory_space<hbm>> -> memref<8x128xi32, #tpu.memory_space<hbm>>
      tpu.enqueue_dma source(%dma_start3A_102 : memref<8x128xi32, #tpu.memory_space<hbm>>) target(%dma_start3A_98 : memref<8x128xi32, #tpu.memory_space<vmem>>) target_semaphore(%arg5 : memref<!tpu.dma_semaphore, #tpu.memory_space<semaphore_mem>>)
      %dma_start3A_103 = arith.constant 32 : i32
      %dma_start3A_104 = arith.constant 0 : i32
      %dma_start3A_105 = tpu.memref_slice %run_scoped3A[%dma_start3A_103, %dma_start3A_104] : memref<256x128xi32, #tpu.memory_space<vmem>> -> memref<8x128xi32, #tpu.memory_space<vmem>>
      %dma_start3A_106 = arith.constant 8 : i32
      %dma_start3A_107 = arith.constant 0 : i32
      %dma_start3A_108 = tpu.memref_slice %arg2[%select_n3A_47, %dma_start3A_106, %dma_start3A_107] : memref<513x16x513xi32, #tpu.memory_space<hbm>> -> memref<1x8x128xi32, #tpu.memory_space<hbm>>
      %dma_start3A_109 = tpu.memref_squeeze %dma_start3A_108 : memref<1x8x128xi32, #tpu.memory_space<hbm>> -> memref<8x128xi32, #tpu.memory_space<hbm>>
      %dma_start3A_110 = arith.constant 32 : i32
      %dma_start3A_111 = arith.constant 0 : i32
      %dma_start3A_112 = tpu.memref_slice %run_scoped3A[%dma_start3A_110, %dma_start3A_111] : memref<256x128xi32, #tpu.memory_space<vmem>> -> memref<8x128xi32, #tpu.memory_space<vmem>>
      %dma_start3A_113 = arith.constant 8 : i32
      %dma_start3A_114 = arith.constant 0 : i32
      %dma_start3A_115 = tpu.memref_slice %arg2[%select_n3A_47, %dma_start3A_113, %dma_start3A_114] : memref<513x16x513xi32, #tpu.memory_space<hbm>> -> memref<1x8x128xi32, #tpu.memory_space<hbm>>
      %dma_start3A_116 = tpu.memref_squeeze %dma_start3A_115 : memref<1x8x128xi32, #tpu.memory_space<hbm>> -> memref<8x128xi32, #tpu.memory_space<hbm>>
      tpu.enqueue_dma source(%dma_start3A_116 : memref<8x128xi32, #tpu.memory_space<hbm>>) target(%dma_start3A_112 : memref<8x128xi32, #tpu.memory_space<vmem>>) target_semaphore(%arg5 : memref<!tpu.dma_semaphore, #tpu.memory_space<semaphore_mem>>)
      %dma_start3A_117 = arith.constant 40 : i32
      %dma_start3A_118 = arith.constant 0 : i32
      %dma_start3A_119 = tpu.memref_slice %run_scoped3A[%dma_start3A_117, %dma_start3A_118] : memref<256x128xi32, #tpu.memory_space<vmem>> -> memref<8x128xi32, #tpu.memory_space<vmem>>
      %dma_start3A_120 = arith.constant 8 : i32
      %dma_start3A_121 = arith.constant 128 : i32
      %dma_start3A_122 = tpu.memref_slice %arg2[%select_n3A_47, %dma_start3A_120, %dma_start3A_121] : memref<513x16x513xi32, #tpu.memory_space<hbm>> -> memref<1x8x128xi32, #tpu.memory_space<hbm>>
      %dma_start3A_123 = tpu.memref_squeeze %dma_start3A_122 : memref<1x8x128xi32, #tpu.memory_space<hbm>> -> memref<8x128xi32, #tpu.memory_space<hbm>>
      %dma_start3A_124 = arith.constant 40 : i32
      %dma_start3A_125 = arith.constant 0 : i32
      %dma_start3A_126 = tpu.memref_slice %run_scoped3A[%dma_start3A_124, %dma_start3A_125] : memref<256x128xi32, #tpu.memory_space<vmem>> -> memref<8x128xi32, #tpu.memory_space<vmem>>
      %dma_start3A_127 = arith.constant 8 : i32
      %dma_start3A_128 = arith.constant 128 : i32
      %dma_start3A_129 = tpu.memref_slice %arg2[%select_n3A_47, %dma_start3A_127, %dma_start3A_128] : memref<513x16x513xi32, #tpu.memory_space<hbm>> -> memref<1x8x128xi32, #tpu.memory_space<hbm>>
      %dma_start3A_130 = tpu.memref_squeeze %dma_start3A_129 : memref<1x8x128xi32, #tpu.memory_space<hbm>> -> memref<8x128xi32, #tpu.memory_space<hbm>>
      tpu.enqueue_dma source(%dma_start3A_130 : memref<8x128xi32, #tpu.memory_space<hbm>>) target(%dma_start3A_126 : memref<8x128xi32, #tpu.memory_space<vmem>>) target_semaphore(%arg5 : memref<!tpu.dma_semaphore, #tpu.memory_space<semaphore_mem>>)
      %dma_start3A_131 = arith.constant 48 : i32
      %dma_start3A_132 = arith.constant 0 : i32
      %dma_start3A_133 = tpu.memref_slice %run_scoped3A[%dma_start3A_131, %dma_start3A_132] : memref<256x128xi32, #tpu.memory_space<vmem>> -> memref<8x128xi32, #tpu.memory_space<vmem>>
      %dma_start3A_134 = arith.constant 8 : i32
      %dma_start3A_135 = arith.constant 256 : i32
      %dma_start3A_136 = tpu.memref_slice %arg2[%select_n3A_47, %dma_start3A_134, %dma_start3A_135] : memref<513x16x513xi32, #tpu.memory_space<hbm>> -> memref<1x8x128xi32, #tpu.memory_space<hbm>>
      %dma_start3A_137 = tpu.memref_squeeze %dma_start3A_136 : memref<1x8x128xi32, #tpu.memory_space<hbm>> -> memref<8x128xi32, #tpu.memory_space<hbm>>
      %dma_start3A_138 = arith.constant 48 : i32
      %dma_start3A_139 = arith.constant 0 : i32
      %dma_start3A_140 = tpu.memref_slice %run_scoped3A[%dma_start3A_138, %dma_start3A_139] : memref<256x128xi32, #tpu.memory_space<vmem>> -> memref<8x128xi32, #tpu.memory_space<vmem>>
      %dma_start3A_141 = arith.constant 8 : i32
      %dma_start3A_142 = arith.constant 256 : i32
      %dma_start3A_143 = tpu.memref_slice %arg2[%select_n3A_47, %dma_start3A_141, %dma_start3A_142] : memref<513x16x513xi32, #tpu.memory_space<hbm>> -> memref<1x8x128xi32, #tpu.memory_space<hbm>>
      %dma_start3A_144 = tpu.memref_squeeze %dma_start3A_143 : memref<1x8x128xi32, #tpu.memory_space<hbm>> -> memref<8x128xi32, #tpu.memory_space<hbm>>
      tpu.enqueue_dma source(%dma_start3A_144 : memref<8x128xi32, #tpu.memory_space<hbm>>) target(%dma_start3A_140 : memref<8x128xi32, #tpu.memory_space<vmem>>) target_semaphore(%arg5 : memref<!tpu.dma_semaphore, #tpu.memory_space<semaphore_mem>>)
      %dma_start3A_145 = arith.constant 56 : i32
      %dma_start3A_146 = arith.constant 0 : i32
      %dma_start3A_147 = tpu.memref_slice %run_scoped3A[%dma_start3A_145, %dma_start3A_146] : memref<256x128xi32, #tpu.memory_space<vmem>> -> memref<8x128xi32, #tpu.memory_space<vmem>>
      %dma_start3A_148 = arith.constant 8 : i32
      %dma_start3A_149 = arith.constant 384 : i32
      %dma_start3A_150 = tpu.memref_slice %arg2[%select_n3A_47, %dma_start3A_148, %dma_start3A_149] : memref<513x16x513xi32, #tpu.memory_space<hbm>> -> memref<1x8x128xi32, #tpu.memory_space<hbm>>
      %dma_start3A_151 = tpu.memref_squeeze %dma_start3A_150 : memref<1x8x128xi32, #tpu.memory_space<hbm>> -> memref<8x128xi32, #tpu.memory_space<hbm>>
      %dma_start3A_152 = arith.constant 56 : i32
      %dma_start3A_153 = arith.constant 0 : i32
      %dma_start3A_154 = tpu.memref_slice %run_scoped3A[%dma_start3A_152, %dma_start3A_153] : memref<256x128xi32, #tpu.memory_space<vmem>> -> memref<8x128xi32, #tpu.memory_space<vmem>>
      %dma_start3A_155 = arith.constant 8 : i32
      %dma_start3A_156 = arith.constant 384 : i32
      %dma_start3A_157 = tpu.memref_slice %arg2[%select_n3A_47, %dma_start3A_155, %dma_start3A_156] : memref<513x16x513xi32, #tpu.memory_space<hbm>> -> memref<1x8x128xi32, #tpu.memory_space<hbm>>
      %dma_start3A_158 = tpu.memref_squeeze %dma_start3A_157 : memref<1x8x128xi32, #tpu.memory_space<hbm>> -> memref<8x128xi32, #tpu.memory_space<hbm>>
      tpu.enqueue_dma source(%dma_start3A_158 : memref<8x128xi32, #tpu.memory_space<hbm>>) target(%dma_start3A_154 : memref<8x128xi32, #tpu.memory_space<vmem>>) target_semaphore(%arg5 : memref<!tpu.dma_semaphore, #tpu.memory_space<semaphore_mem>>)
      %add3A_159 = arith.constant 1 : i32
      %add3A_160 = arith.addi %select_n3A, %add3A_159 : i32
      %min3A_161 = arith.constant 64 : i32
      %min3A_162 = arith.minsi %add3A_160, %min3A_161 : i32
      %mul3A_163 = arith.constant 513 : i32
      %mul3A_164 = arith.muli %min3A_162, %mul3A_163 : i32
      %jit3A_165 = arith.constant 65 : i32
      %div3A_166 = arith.divsi %mul3A_164, %jit3A_165 : i32
      %sign3A_167 = arith.constant 0 : i32
      %sign3A_168 = arith.cmpi sgt, %mul3A_164, %sign3A_167 : i32
      %sign3A_169 = arith.extui %sign3A_168 : i1 to i32
      %sign3A_170 = arith.constant 0 : i32
      %sign3A_171 = arith.cmpi slt, %mul3A_164, %sign3A_170 : i32
      %sign3A_172 = arith.extui %sign3A_171 : i1 to i32
      %sign3A_173 = arith.subi %sign3A_169, %sign3A_172 : i32
      %sign3A_174 = arith.constant 0 : i32
      %sign3A_175 = arith.cmpi sgt, %jit3A_165, %sign3A_174 : i32
      %sign3A_176 = arith.extui %sign3A_175 : i1 to i32
      %sign3A_177 = arith.constant 0 : i32
      %sign3A_178 = arith.cmpi slt, %jit3A_165, %sign3A_177 : i32
      %sign3A_179 = arith.extui %sign3A_178 : i1 to i32
      %sign3A_180 = arith.subi %sign3A_176, %sign3A_179 : i32
      %ne3A_181 = arith.cmpi ne, %sign3A_173, %sign3A_180 : i32
      %rem3A_182 = arith.remsi %mul3A_164, %jit3A_165 : i32
      %ne3A_183 = arith.constant 0 : i32
      %ne3A_184 = arith.cmpi ne, %rem3A_182, %ne3A_183 : i32
      %and3A_185 = arith.andi %ne3A_181, %ne3A_184 : i1
      %sub3A_186 = arith.constant 1 : i32
      %sub3A_187 = arith.subi %div3A_166, %sub3A_186 : i32
      %select_n3A_188 = arith.select %and3A_185, %sub3A_187, %div3A_166 : i32
      %dma_start3A_189 = arith.constant 64 : i32
      %dma_start3A_190 = arith.constant 0 : i32
      %dma_start3A_191 = tpu.memref_slice %run_scoped3A[%dma_start3A_189, %dma_start3A_190] : memref<256x128xi32, #tpu.memory_space<vmem>> -> memref<8x128xi32, #tpu.memory_space<vmem>>
      %dma_start3A_192 = arith.constant 0 : i32
      %dma_start3A_193 = arith.constant 0 : i32
      %dma_start3A_194 = tpu.memref_slice %arg2[%select_n3A_188, %dma_start3A_192, %dma_start3A_193] : memref<513x16x513xi32, #tpu.memory_space<hbm>> -> memref<1x8x128xi32, #tpu.memory_space<hbm>>
      %dma_start3A_195 = tpu.memref_squeeze %dma_start3A_194 : memref<1x8x128xi32, #tpu.memory_space<hbm>> -> memref<8x128xi32, #tpu.memory_space<hbm>>
      %dma_start3A_196 = arith.constant 64 : i32
      %dma_start3A_197 = arith.constant 0 : i32
      %dma_start3A_198 = tpu.memref_slice %run_scoped3A[%dma_start3A_196, %dma_start3A_197] : memref<256x128xi32, #tpu.memory_space<vmem>> -> memref<8x128xi32, #tpu.memory_space<vmem>>
      %dma_start3A_199 = arith.constant 0 : i32
      %dma_start3A_200 = arith.constant 0 : i32
      %dma_start3A_201 = tpu.memref_slice %arg2[%select_n3A_188, %dma_start3A_199, %dma_start3A_200] : memref<513x16x513xi32, #tpu.memory_space<hbm>> -> memref<1x8x128xi32, #tpu.memory_space<hbm>>
      %dma_start3A_202 = tpu.memref_squeeze %dma_start3A_201 : memref<1x8x128xi32, #tpu.memory_space<hbm>> -> memref<8x128xi32, #tpu.memory_space<hbm>>
      tpu.enqueue_dma source(%dma_start3A_202 : memref<8x128xi32, #tpu.memory_space<hbm>>) target(%dma_start3A_198 : memref<8x128xi32, #tpu.memory_space<vmem>>) target_semaphore(%arg5 : memref<!tpu.dma_semaphore, #tpu.memory_space<semaphore_mem>>)
      %dma_start3A_203 = arith.constant 72 : i32
      %dma_start3A_204 = arith.constant 0 : i32
      %dma_start3A_205 = tpu.memref_slice %run_scoped3A[%dma_start3A_203, %dma_start3A_204] : memref<256x128xi32, #tpu.memory_space<vmem>> -> memref<8x128xi32, #tpu.memory_space<vmem>>
      %dma_start3A_206 = arith.constant 0 : i32
      %dma_start3A_207 = arith.constant 128 : i32
      %dma_start3A_208 = tpu.memref_slice %arg2[%select_n3A_188, %dma_start3A_206, %dma_start3A_207] : memref<513x16x513xi32, #tpu.memory_space<hbm>> -> memref<1x8x128xi32, #tpu.memory_space<hbm>>
      %dma_start3A_209 = tpu.memref_squeeze %dma_start3A_208 : memref<1x8x128xi32, #tpu.memory_space<hbm>> -> memref<8x128xi32, #tpu.memory_space<hbm>>
      %dma_start3A_210 = arith.constant 72 : i32
      %dma_start3A_211 = arith.constant 0 : i32
      %dma_start3A_212 = tpu.memref_slice %run_scoped3A[%dma_start3A_210, %dma_start3A_211] : memref<256x128xi32, #tpu.memory_space<vmem>> -> memref<8x128xi32, #tpu.memory_space<vmem>>
      %dma_start3A_213 = arith.constant 0 : i32
      %dma_start3A_214 = arith.constant 128 : i32
      %dma_start3A_215 = tpu.memref_slice %arg2[%select_n3A_188, %dma_start3A_213, %dma_start3A_214] : memref<513x16x513xi32, #tpu.memory_space<hbm>> -> memref<1x8x128xi32, #tpu.memory_space<hbm>>
      %dma_start3A_216 = tpu.memref_squeeze %dma_start3A_215 : memref<1x8x128xi32, #tpu.memory_space<hbm>> -> memref<8x128xi32, #tpu.memory_space<hbm>>
      tpu.enqueue_dma source(%dma_start3A_216 : memref<8x128xi32, #tpu.memory_space<hbm>>) target(%dma_start3A_212 : memref<8x128xi32, #tpu.memory_space<vmem>>) target_semaphore(%arg5 : memref<!tpu.dma_semaphore, #tpu.memory_space<semaphore_mem>>)
      %dma_start3A_217 = arith.constant 80 : i32
      %dma_start3A_218 = arith.constant 0 : i32
      %dma_start3A_219 = tpu.memref_slice %run_scoped3A[%dma_start3A_217, %dma_start3A_218] : memref<256x128xi32, #tpu.memory_space<vmem>> -> memref<8x128xi32, #tpu.memory_space<vmem>>
      %dma_start3A_220 = arith.constant 0 : i32
      %dma_start3A_221 = arith.constant 256 : i32
      %dma_start3A_222 = tpu.memref_slice %arg2[%select_n3A_188, %dma_start3A_220, %dma_start3A_221] : memref<513x16x513xi32, #tpu.memory_space<hbm>> -> memref<1x8x128xi32, #tpu.memory_space<hbm>>
      %dma_start3A_223 = tpu.memref_squeeze %dma_start3A_222 : memref<1x8x128xi32, #tpu.memory_space<hbm>> -> memref<8x128xi32, #tpu.memory_space<hbm>>
      %dma_start3A_224 = arith.constant 80 : i32
      %dma_start3A_225 = arith.constant 0 : i32
      %dma_start3A_226 = tpu.memref_slice %run_scoped3A[%dma_start3A_224, %dma_start3A_225] : memref<256x128xi32, #tpu.memory_space<vmem>> -> memref<8x128xi32, #tpu.memory_space<vmem>>
      %dma_start3A_227 = arith.constant 0 : i32
      %dma_start3A_228 = arith.constant 256 : i32
      %dma_start3A_229 = tpu.memref_slice %arg2[%select_n3A_188, %dma_start3A_227, %dma_start3A_228] : memref<513x16x513xi32, #tpu.memory_space<hbm>> -> memref<1x8x128xi32, #tpu.memory_space<hbm>>
      %dma_start3A_230 = tpu.memref_squeeze %dma_start3A_229 : memref<1x8x128xi32, #tpu.memory_space<hbm>> -> memref<8x128xi32, #tpu.memory_space<hbm>>
      tpu.enqueue_dma source(%dma_start3A_230 : memref<8x128xi32, #tpu.memory_space<hbm>>) target(%dma_start3A_226 : memref<8x128xi32, #tpu.memory_space<vmem>>) target_semaphore(%arg5 : memref<!tpu.dma_semaphore, #tpu.memory_space<semaphore_mem>>)
      %dma_start3A_231 = arith.constant 88 : i32
      %dma_start3A_232 = arith.constant 0 : i32
      %dma_start3A_233 = tpu.memref_slice %run_scoped3A[%dma_start3A_231, %dma_start3A_232] : memref<256x128xi32, #tpu.memory_space<vmem>> -> memref<8x128xi32, #tpu.memory_space<vmem>>
      %dma_start3A_234 = arith.constant 0 : i32
      %dma_start3A_235 = arith.constant 384 : i32
      %dma_start3A_236 = tpu.memref_slice %arg2[%select_n3A_188, %dma_start3A_234, %dma_start3A_235] : memref<513x16x513xi32, #tpu.memory_space<hbm>> -> memref<1x8x128xi32, #tpu.memory_space<hbm>>
      %dma_start3A_237 = tpu.memref_squeeze %dma_start3A_236 : memref<1x8x128xi32, #tpu.memory_space<hbm>> -> memref<8x128xi32, #tpu.memory_space<hbm>>
      %dma_start3A_238 = arith.constant 88 : i32
      %dma_start3A_239 = arith.constant 0 : i32
      %dma_start3A_240 = tpu.memref_slice %run_scoped3A[%dma_start3A_238, %dma_start3A_239] : memref<256x128xi32, #tpu.memory_space<vmem>> -> memref<8x128xi32, #tpu.memory_space<vmem>>
      %dma_start3A_241 = arith.constant 0 : i32
      %dma_start3A_242 = arith.constant 384 : i32
      %dma_start3A_243 = tpu.memref_slice %arg2[%select_n3A_188, %dma_start3A_241, %dma_start3A_242] : memref<513x16x513xi32, #tpu.memory_space<hbm>> -> memref<1x8x128xi32, #tpu.memory_space<hbm>>
      %dma_start3A_244 = tpu.memref_squeeze %dma_start3A_243 : memref<1x8x128xi32, #tpu.memory_space<hbm>> -> memref<8x128xi32, #tpu.memory_space<hbm>>
      tpu.enqueue_dma source(%dma_start3A_244 : memref<8x128xi32, #tpu.memory_space<hbm>>) target(%dma_start3A_240 : memref<8x128xi32, #tpu.memory_space<vmem>>) target_semaphore(%arg5 : memref<!tpu.dma_semaphore, #tpu.memory_space<semaphore_mem>>)
      %dma_start3A_245 = arith.constant 96 : i32
      %dma_start3A_246 = arith.constant 0 : i32
      %dma_start3A_247 = tpu.memref_slice %run_scoped3A[%dma_start3A_245, %dma_start3A_246] : memref<256x128xi32, #tpu.memory_space<vmem>> -> memref<8x128xi32, #tpu.memory_space<vmem>>
      %dma_start3A_248 = arith.constant 8 : i32
      %dma_start3A_249 = arith.constant 0 : i32
      %dma_start3A_250 = tpu.memref_slice %arg2[%select_n3A_188, %dma_start3A_248, %dma_start3A_249] : memref<513x16x513xi32, #tpu.memory_space<hbm>> -> memref<1x8x128xi32, #tpu.memory_space<hbm>>
      %dma_start3A_251 = tpu.memref_squeeze %dma_start3A_250 : memref<1x8x128xi32, #tpu.memory_space<hbm>> -> memref<8x128xi32, #tpu.memory_space<hbm>>
      %dma_start3A_252 = arith.constant 96 : i32
      %dma_start3A_253 = arith.constant 0 : i32
      %dma_start3A_254 = tpu.memref_slice %run_scoped3A[%dma_start3A_252, %dma_start3A_253] : memref<256x128xi32, #tpu.memory_space<vmem>> -> memref<8x128xi32, #tpu.memory_space<vmem>>
      %dma_start3A_255 = arith.constant 8 : i32
      %dma_start3A_256 = arith.constant 0 : i32
      %dma_start3A_257 = tpu.memref_slice %arg2[%select_n3A_188, %dma_start3A_255, %dma_start3A_256] : memref<513x16x513xi32, #tpu.memory_space<hbm>> -> memref<1x8x128xi32, #tpu.memory_space<hbm>>
      %dma_start3A_258 = tpu.memref_squeeze %dma_start3A_257 : memref<1x8x128xi32, #tpu.memory_space<hbm>> -> memref<8x128xi32, #tpu.memory_space<hbm>>
      tpu.enqueue_dma source(%dma_start3A_258 : memref<8x128xi32, #tpu.memory_space<hbm>>) target(%dma_start3A_254 : memref<8x128xi32, #tpu.memory_space<vmem>>) target_semaphore(%arg5 : memref<!tpu.dma_semaphore, #tpu.memory_space<semaphore_mem>>)
      %dma_start3A_259 = arith.constant 104 : i32
      %dma_start3A_260 = arith.constant 0 : i32
      %dma_start3A_261 = tpu.memref_slice %run_scoped3A[%dma_start3A_259, %dma_start3A_260] : memref<256x128xi32, #tpu.memory_space<vmem>> -> memref<8x128xi32, #tpu.memory_space<vmem>>
      %dma_start3A_262 = arith.constant 8 : i32
      %dma_start3A_263 = arith.constant 128 : i32
      %dma_start3A_264 = tpu.memref_slice %arg2[%select_n3A_188, %dma_start3A_262, %dma_start3A_263] : memref<513x16x513xi32, #tpu.memory_space<hbm>> -> memref<1x8x128xi32, #tpu.memory_space<hbm>>
      %dma_start3A_265 = tpu.memref_squeeze %dma_start3A_264 : memref<1x8x128xi32, #tpu.memory_space<hbm>> -> memref<8x128xi32, #tpu.memory_space<hbm>>
      %dma_start3A_266 = arith.constant 104 : i32
      %dma_start3A_267 = arith.constant 0 : i32
      %dma_start3A_268 = tpu.memref_slice %run_scoped3A[%dma_start3A_266, %dma_start3A_267] : memref<256x128xi32, #tpu.memory_space<vmem>> -> memref<8x128xi32, #tpu.memory_space<vmem>>
      %dma_start3A_269 = arith.constant 8 : i32
      %dma_start3A_270 = arith.constant 128 : i32
      %dma_start3A_271 = tpu.memref_slice %arg2[%select_n3A_188, %dma_start3A_269, %dma_start3A_270] : memref<513x16x513xi32, #tpu.memory_space<hbm>> -> memref<1x8x128xi32, #tpu.memory_space<hbm>>
      %dma_start3A_272 = tpu.memref_squeeze %dma_start3A_271 : memref<1x8x128xi32, #tpu.memory_space<hbm>> -> memref<8x128xi32, #tpu.memory_space<hbm>>
      tpu.enqueue_dma source(%dma_start3A_272 : memref<8x128xi32, #tpu.memory_space<hbm>>) target(%dma_start3A_268 : memref<8x128xi32, #tpu.memory_space<vmem>>) target_semaphore(%arg5 : memref<!tpu.dma_semaphore, #tpu.memory_space<semaphore_mem>>)
      %dma_start3A_273 = arith.constant 112 : i32
      %dma_start3A_274 = arith.constant 0 : i32
      %dma_start3A_275 = tpu.memref_slice %run_scoped3A[%dma_start3A_273, %dma_start3A_274] : memref<256x128xi32, #tpu.memory_space<vmem>> -> memref<8x128xi32, #tpu.memory_space<vmem>>
      %dma_start3A_276 = arith.constant 8 : i32
      %dma_start3A_277 = arith.constant 256 : i32
      %dma_start3A_278 = tpu.memref_slice %arg2[%select_n3A_188, %dma_start3A_276, %dma_start3A_277] : memref<513x16x513xi32, #tpu.memory_space<hbm>> -> memref<1x8x128xi32, #tpu.memory_space<hbm>>
      %dma_start3A_279 = tpu.memref_squeeze %dma_start3A_278 : memref<1x8x128xi32, #tpu.memory_space<hbm>> -> memref<8x128xi32, #tpu.memory_space<hbm>>
      %dma_start3A_280 = arith.constant 112 : i32
      %dma_start3A_281 = arith.constant 0 : i32
      %dma_start3A_282 = tpu.memref_slice %run_scoped3A[%dma_start3A_280, %dma_start3A_281] : memref<256x128xi32, #tpu.memory_space<vmem>> -> memref<8x128xi32, #tpu.memory_space<vmem>>
      %dma_start3A_283 = arith.constant 8 : i32
      %dma_start3A_284 = arith.constant 256 : i32
      %dma_start3A_285 = tpu.memref_slice %arg2[%select_n3A_188, %dma_start3A_283, %dma_start3A_284] : memref<513x16x513xi32, #tpu.memory_space<hbm>> -> memref<1x8x128xi32, #tpu.memory_space<hbm>>
      %dma_start3A_286 = tpu.memref_squeeze %dma_start3A_285 : memref<1x8x128xi32, #tpu.memory_space<hbm>> -> memref<8x128xi32, #tpu.memory_space<hbm>>
      tpu.enqueue_dma source(%dma_start3A_286 : memref<8x128xi32, #tpu.memory_space<hbm>>) target(%dma_start3A_282 : memref<8x128xi32, #tpu.memory_space<vmem>>) target_semaphore(%arg5 : memref<!tpu.dma_semaphore, #tpu.memory_space<semaphore_mem>>)
      %dma_start3A_287 = arith.constant 120 : i32
      %dma_start3A_288 = arith.constant 0 : i32
      %dma_start3A_289 = tpu.memref_slice %run_scoped3A[%dma_start3A_287, %dma_start3A_288] : memref<256x128xi32, #tpu.memory_space<vmem>> -> memref<8x128xi32, #tpu.memory_space<vmem>>
      %dma_start3A_290 = arith.constant 8 : i32
      %dma_start3A_291 = arith.constant 384 : i32
      %dma_start3A_292 = tpu.memref_slice %arg2[%select_n3A_188, %dma_start3A_290, %dma_start3A_291] : memref<513x16x513xi32, #tpu.memory_space<hbm>> -> memref<1x8x128xi32, #tpu.memory_space<hbm>>
      %dma_start3A_293 = tpu.memref_squeeze %dma_start3A_292 : memref<1x8x128xi32, #tpu.memory_space<hbm>> -> memref<8x128xi32, #tpu.memory_space<hbm>>
      %dma_start3A_294 = arith.constant 120 : i32
      %dma_start3A_295 = arith.constant 0 : i32
      %dma_start3A_296 = tpu.memref_slice %run_scoped3A[%dma_start3A_294, %dma_start3A_295] : memref<256x128xi32, #tpu.memory_space<vmem>> -> memref<8x128xi32, #tpu.memory_space<vmem>>
      %dma_start3A_297 = arith.constant 8 : i32
      %dma_start3A_298 = arith.constant 384 : i32
      %dma_start3A_299 = tpu.memref_slice %arg2[%select_n3A_188, %dma_start3A_297, %dma_start3A_298] : memref<513x16x513xi32, #tpu.memory_space<hbm>> -> memref<1x8x128xi32, #tpu.memory_space<hbm>>
      %dma_start3A_300 = tpu.memref_squeeze %dma_start3A_299 : memref<1x8x128xi32, #tpu.memory_space<hbm>> -> memref<8x128xi32, #tpu.memory_space<hbm>>
      tpu.enqueue_dma source(%dma_start3A_300 : memref<8x128xi32, #tpu.memory_space<hbm>>) target(%dma_start3A_296 : memref<8x128xi32, #tpu.memory_space<vmem>>) target_semaphore(%arg5 : memref<!tpu.dma_semaphore, #tpu.memory_space<semaphore_mem>>)
      %add3A_301 = arith.constant 2 : i32
      %add3A_302 = arith.addi %select_n3A, %add3A_301 : i32
      %min3A_303 = arith.constant 64 : i32
      %min3A_304 = arith.minsi %add3A_302, %min3A_303 : i32
      %mul3A_305 = arith.constant 513 : i32
      %mul3A_306 = arith.muli %min3A_304, %mul3A_305 : i32
      %jit3A_307 = arith.constant 65 : i32
      %div3A_308 = arith.divsi %mul3A_306, %jit3A_307 : i32
      %sign3A_309 = arith.constant 0 : i32
      %sign3A_310 = arith.cmpi sgt, %mul3A_306, %sign3A_309 : i32
      %sign3A_311 = arith.extui %sign3A_310 : i1 to i32
      %sign3A_312 = arith.constant 0 : i32
      %sign3A_313 = arith.cmpi slt, %mul3A_306, %sign3A_312 : i32
      %sign3A_314 = arith.extui %sign3A_313 : i1 to i32
      %sign3A_315 = arith.subi %sign3A_311, %sign3A_314 : i32
      %sign3A_316 = arith.constant 0 : i32
      %sign3A_317 = arith.cmpi sgt, %jit3A_307, %sign3A_316 : i32
      %sign3A_318 = arith.extui %sign3A_317 : i1 to i32
      %sign3A_319 = arith.constant 0 : i32
      %sign3A_320 = arith.cmpi slt, %jit3A_307, %sign3A_319 : i32
      %sign3A_321 = arith.extui %sign3A_320 : i1 to i32
      %sign3A_322 = arith.subi %sign3A_318, %sign3A_321 : i32
      %ne3A_323 = arith.cmpi ne, %sign3A_315, %sign3A_322 : i32
      %rem3A_324 = arith.remsi %mul3A_306, %jit3A_307 : i32
      %ne3A_325 = arith.constant 0 : i32
      %ne3A_326 = arith.cmpi ne, %rem3A_324, %ne3A_325 : i32
      %and3A_327 = arith.andi %ne3A_323, %ne3A_326 : i1
      %sub3A_328 = arith.constant 1 : i32
      %sub3A_329 = arith.subi %div3A_308, %sub3A_328 : i32
      %select_n3A_330 = arith.select %and3A_327, %sub3A_329, %div3A_308 : i32
      %dma_start3A_331 = arith.constant 128 : i32
      %dma_start3A_332 = arith.constant 0 : i32
      %dma_start3A_333 = tpu.memref_slice %run_scoped3A[%dma_start3A_331, %dma_start3A_332] : memref<256x128xi32, #tpu.memory_space<vmem>> -> memref<8x128xi32, #tpu.memory_space<vmem>>
      %dma_start3A_334 = arith.constant 0 : i32
      %dma_start3A_335 = arith.constant 0 : i32
      %dma_start3A_336 = tpu.memref_slice %arg2[%select_n3A_330, %dma_start3A_334, %dma_start3A_335] : memref<513x16x513xi32, #tpu.memory_space<hbm>> -> memref<1x8x128xi32, #tpu.memory_space<hbm>>
      %dma_start3A_337 = tpu.memref_squeeze %dma_start3A_336 : memref<1x8x128xi32, #tpu.memory_space<hbm>> -> memref<8x128xi32, #tpu.memory_space<hbm>>
      %dma_start3A_338 = arith.constant 128 : i32
      %dma_start3A_339 = arith.constant 0 : i32
      %dma_start3A_340 = tpu.memref_slice %run_scoped3A[%dma_start3A_338, %dma_start3A_339] : memref<256x128xi32, #tpu.memory_space<vmem>> -> memref<8x128xi32, #tpu.memory_space<vmem>>
      %dma_start3A_341 = arith.constant 0 : i32
      %dma_start3A_342 = arith.constant 0 : i32
      %dma_start3A_343 = tpu.memref_slice %arg2[%select_n3A_330, %dma_start3A_341, %dma_start3A_342] : memref<513x16x513xi32, #tpu.memory_space<hbm>> -> memref<1x8x128xi32, #tpu.memory_space<hbm>>
      %dma_start3A_344 = tpu.memref_squeeze %dma_start3A_343 : memref<1x8x128xi32, #tpu.memory_space<hbm>> -> memref<8x128xi32, #tpu.memory_space<hbm>>
      tpu.enqueue_dma source(%dma_start3A_344 : memref<8x128xi32, #tpu.memory_space<hbm>>) target(%dma_start3A_340 : memref<8x128xi32, #tpu.memory_space<vmem>>) target_semaphore(%arg5 : memref<!tpu.dma_semaphore, #tpu.memory_space<semaphore_mem>>)
      %dma_start3A_345 = arith.constant 136 : i32
      %dma_start3A_346 = arith.constant 0 : i32
      %dma_start3A_347 = tpu.memref_slice %run_scoped3A[%dma_start3A_345, %dma_start3A_346] : memref<256x128xi32, #tpu.memory_space<vmem>> -> memref<8x128xi32, #tpu.memory_space<vmem>>
      %dma_start3A_348 = arith.constant 0 : i32
      %dma_start3A_349 = arith.constant 128 : i32
      %dma_start3A_350 = tpu.memref_slice %arg2[%select_n3A_330, %dma_start3A_348, %dma_start3A_349] : memref<513x16x513xi32, #tpu.memory_space<hbm>> -> memref<1x8x128xi32, #tpu.memory_space<hbm>>
      %dma_start3A_351 = tpu.memref_squeeze %dma_start3A_350 : memref<1x8x128xi32, #tpu.memory_space<hbm>> -> memref<8x128xi32, #tpu.memory_space<hbm>>
      %dma_start3A_352 = arith.constant 136 : i32
      %dma_start3A_353 = arith.constant 0 : i32
      %dma_start3A_354 = tpu.memref_slice %run_scoped3A[%dma_start3A_352, %dma_start3A_353] : memref<256x128xi32, #tpu.memory_space<vmem>> -> memref<8x128xi32, #tpu.memory_space<vmem>>
      %dma_start3A_355 = arith.constant 0 : i32
      %dma_start3A_356 = arith.constant 128 : i32
      %dma_start3A_357 = tpu.memref_slice %arg2[%select_n3A_330, %dma_start3A_355, %dma_start3A_356] : memref<513x16x513xi32, #tpu.memory_space<hbm>> -> memref<1x8x128xi32, #tpu.memory_space<hbm>>
      %dma_start3A_358 = tpu.memref_squeeze %dma_start3A_357 : memref<1x8x128xi32, #tpu.memory_space<hbm>> -> memref<8x128xi32, #tpu.memory_space<hbm>>
      tpu.enqueue_dma source(%dma_start3A_358 : memref<8x128xi32, #tpu.memory_space<hbm>>) target(%dma_start3A_354 : memref<8x128xi32, #tpu.memory_space<vmem>>) target_semaphore(%arg5 : memref<!tpu.dma_semaphore, #tpu.memory_space<semaphore_mem>>)
      %dma_start3A_359 = arith.constant 144 : i32
      %dma_start3A_360 = arith.constant 0 : i32
      %dma_start3A_361 = tpu.memref_slice %run_scoped3A[%dma_start3A_359, %dma_start3A_360] : memref<256x128xi32, #tpu.memory_space<vmem>> -> memref<8x128xi32, #tpu.memory_space<vmem>>
      %dma_start3A_362 = arith.constant 0 : i32
      %dma_start3A_363 = arith.constant 256 : i32
      %dma_start3A_364 = tpu.memref_slice %arg2[%select_n3A_330, %dma_start3A_362, %dma_start3A_363] : memref<513x16x513xi32, #tpu.memory_space<hbm>> -> memref<1x8x128xi32, #tpu.memory_space<hbm>>
      %dma_start3A_365 = tpu.memref_squeeze %dma_start3A_364 : memref<1x8x128xi32, #tpu.memory_space<hbm>> -> memref<8x128xi32, #tpu.memory_space<hbm>>
      %dma_start3A_366 = arith.constant 144 : i32
      %dma_start3A_367 = arith.constant 0 : i32
      %dma_start3A_368 = tpu.memref_slice %run_scoped3A[%dma_start3A_366, %dma_start3A_367] : memref<256x128xi32, #tpu.memory_space<vmem>> -> memref<8x128xi32, #tpu.memory_space<vmem>>
      %dma_start3A_369 = arith.constant 0 : i32
      %dma_start3A_370 = arith.constant 256 : i32
      %dma_start3A_371 = tpu.memref_slice %arg2[%select_n3A_330, %dma_start3A_369, %dma_start3A_370] : memref<513x16x513xi32, #tpu.memory_space<hbm>> -> memref<1x8x128xi32, #tpu.memory_space<hbm>>
      %dma_start3A_372 = tpu.memref_squeeze %dma_start3A_371 : memref<1x8x128xi32, #tpu.memory_space<hbm>> -> memref<8x128xi32, #tpu.memory_space<hbm>>
      tpu.enqueue_dma source(%dma_start3A_372 : memref<8x128xi32, #tpu.memory_space<hbm>>) target(%dma_start3A_368 : memref<8x128xi32, #tpu.memory_space<vmem>>) target_semaphore(%arg5 : memref<!tpu.dma_semaphore, #tpu.memory_space<semaphore_mem>>)
      %dma_start3A_373 = arith.constant 152 : i32
      %dma_start3A_374 = arith.constant 0 : i32
      %dma_start3A_375 = tpu.memref_slice %run_scoped3A[%dma_start3A_373, %dma_start3A_374] : memref<256x128xi32, #tpu.memory_space<vmem>> -> memref<8x128xi32, #tpu.memory_space<vmem>>
      %dma_start3A_376 = arith.constant 0 : i32
      %dma_start3A_377 = arith.constant 384 : i32
      %dma_start3A_378 = tpu.memref_slice %arg2[%select_n3A_330, %dma_start3A_376, %dma_start3A_377] : memref<513x16x513xi32, #tpu.memory_space<hbm>> -> memref<1x8x128xi32, #tpu.memory_space<hbm>>
      %dma_start3A_379 = tpu.memref_squeeze %dma_start3A_378 : memref<1x8x128xi32, #tpu.memory_space<hbm>> -> memref<8x128xi32, #tpu.memory_space<hbm>>
      %dma_start3A_380 = arith.constant 152 : i32
      %dma_start3A_381 = arith.constant 0 : i32
      %dma_start3A_382 = tpu.memref_slice %run_scoped3A[%dma_start3A_380, %dma_start3A_381] : memref<256x128xi32, #tpu.memory_space<vmem>> -> memref<8x128xi32, #tpu.memory_space<vmem>>
      %dma_start3A_383 = arith.constant 0 : i32
      %dma_start3A_384 = arith.constant 384 : i32
      %dma_start3A_385 = tpu.memref_slice %arg2[%select_n3A_330, %dma_start3A_383, %dma_start3A_384] : memref<513x16x513xi32, #tpu.memory_space<hbm>> -> memref<1x8x128xi32, #tpu.memory_space<hbm>>
      %dma_start3A_386 = tpu.memref_squeeze %dma_start3A_385 : memref<1x8x128xi32, #tpu.memory_space<hbm>> -> memref<8x128xi32, #tpu.memory_space<hbm>>
      tpu.enqueue_dma source(%dma_start3A_386 : memref<8x128xi32, #tpu.memory_space<hbm>>) target(%dma_start3A_382 : memref<8x128xi32, #tpu.memory_space<vmem>>) target_semaphore(%arg5 : memref<!tpu.dma_semaphore, #tpu.memory_space<semaphore_mem>>)
      %dma_start3A_387 = arith.constant 160 : i32
      %dma_start3A_388 = arith.constant 0 : i32
      %dma_start3A_389 = tpu.memref_slice %run_scoped3A[%dma_start3A_387, %dma_start3A_388] : memref<256x128xi32, #tpu.memory_space<vmem>> -> memref<8x128xi32, #tpu.memory_space<vmem>>
      %dma_start3A_390 = arith.constant 8 : i32
      %dma_start3A_391 = arith.constant 0 : i32
      %dma_start3A_392 = tpu.memref_slice %arg2[%select_n3A_330, %dma_start3A_390, %dma_start3A_391] : memref<513x16x513xi32, #tpu.memory_space<hbm>> -> memref<1x8x128xi32, #tpu.memory_space<hbm>>
      %dma_start3A_393 = tpu.memref_squeeze %dma_start3A_392 : memref<1x8x128xi32, #tpu.memory_space<hbm>> -> memref<8x128xi32, #tpu.memory_space<hbm>>
      %dma_start3A_394 = arith.constant 160 : i32
      %dma_start3A_395 = arith.constant 0 : i32
      %dma_start3A_396 = tpu.memref_slice %run_scoped3A[%dma_start3A_394, %dma_start3A_395] : memref<256x128xi32, #tpu.memory_space<vmem>> -> memref<8x128xi32, #tpu.memory_space<vmem>>
      %dma_start3A_397 = arith.constant 8 : i32
      %dma_start3A_398 = arith.constant 0 : i32
      %dma_start3A_399 = tpu.memref_slice %arg2[%select_n3A_330, %dma_start3A_397, %dma_start3A_398] : memref<513x16x513xi32, #tpu.memory_space<hbm>> -> memref<1x8x128xi32, #tpu.memory_space<hbm>>
      %dma_start3A_400 = tpu.memref_squeeze %dma_start3A_399 : memref<1x8x128xi32, #tpu.memory_space<hbm>> -> memref<8x128xi32, #tpu.memory_space<hbm>>
      tpu.enqueue_dma source(%dma_start3A_400 : memref<8x128xi32, #tpu.memory_space<hbm>>) target(%dma_start3A_396 : memref<8x128xi32, #tpu.memory_space<vmem>>) target_semaphore(%arg5 : memref<!tpu.dma_semaphore, #tpu.memory_space<semaphore_mem>>)
      %dma_start3A_401 = arith.constant 168 : i32
      %dma_start3A_402 = arith.constant 0 : i32
      %dma_start3A_403 = tpu.memref_slice %run_scoped3A[%dma_start3A_401, %dma_start3A_402] : memref<256x128xi32, #tpu.memory_space<vmem>> -> memref<8x128xi32, #tpu.memory_space<vmem>>
      %dma_start3A_404 = arith.constant 8 : i32
      %dma_start3A_405 = arith.constant 128 : i32
      %dma_start3A_406 = tpu.memref_slice %arg2[%select_n3A_330, %dma_start3A_404, %dma_start3A_405] : memref<513x16x513xi32, #tpu.memory_space<hbm>> -> memref<1x8x128xi32, #tpu.memory_space<hbm>>
      %dma_start3A_407 = tpu.memref_squeeze %dma_start3A_406 : memref<1x8x128xi32, #tpu.memory_space<hbm>> -> memref<8x128xi32, #tpu.memory_space<hbm>>
      %dma_start3A_408 = arith.constant 168 : i32
      %dma_start3A_409 = arith.constant 0 : i32
      %dma_start3A_410 = tpu.memref_slice %run_scoped3A[%dma_start3A_408, %dma_start3A_409] : memref<256x128xi32, #tpu.memory_space<vmem>> -> memref<8x128xi32, #tpu.memory_space<vmem>>
      %dma_start3A_411 = arith.constant 8 : i32
      %dma_start3A_412 = arith.constant 128 : i32
      %dma_start3A_413 = tpu.memref_slice %arg2[%select_n3A_330, %dma_start3A_411, %dma_start3A_412] : memref<513x16x513xi32, #tpu.memory_space<hbm>> -> memref<1x8x128xi32, #tpu.memory_space<hbm>>
      %dma_start3A_414 = tpu.memref_squeeze %dma_start3A_413 : memref<1x8x128xi32, #tpu.memory_space<hbm>> -> memref<8x128xi32, #tpu.memory_space<hbm>>
      tpu.enqueue_dma source(%dma_start3A_414 : memref<8x128xi32, #tpu.memory_space<hbm>>) target(%dma_start3A_410 : memref<8x128xi32, #tpu.memory_space<vmem>>) target_semaphore(%arg5 : memref<!tpu.dma_semaphore, #tpu.memory_space<semaphore_mem>>)
      %dma_start3A_415 = arith.constant 176 : i32
      %dma_start3A_416 = arith.constant 0 : i32
      %dma_start3A_417 = tpu.memref_slice %run_scoped3A[%dma_start3A_415, %dma_start3A_416] : memref<256x128xi32, #tpu.memory_space<vmem>> -> memref<8x128xi32, #tpu.memory_space<vmem>>
      %dma_start3A_418 = arith.constant 8 : i32
      %dma_start3A_419 = arith.constant 256 : i32
      %dma_start3A_420 = tpu.memref_slice %arg2[%select_n3A_330, %dma_start3A_418, %dma_start3A_419] : memref<513x16x513xi32, #tpu.memory_space<hbm>> -> memref<1x8x128xi32, #tpu.memory_space<hbm>>
      %dma_start3A_421 = tpu.memref_squeeze %dma_start3A_420 : memref<1x8x128xi32, #tpu.memory_space<hbm>> -> memref<8x128xi32, #tpu.memory_space<hbm>>
      %dma_start3A_422 = arith.constant 176 : i32
      %dma_start3A_423 = arith.constant 0 : i32
      %dma_start3A_424 = tpu.memref_slice %run_scoped3A[%dma_start3A_422, %dma_start3A_423] : memref<256x128xi32, #tpu.memory_space<vmem>> -> memref<8x128xi32, #tpu.memory_space<vmem>>
      %dma_start3A_425 = arith.constant 8 : i32
      %dma_start3A_426 = arith.constant 256 : i32
      %dma_start3A_427 = tpu.memref_slice %arg2[%select_n3A_330, %dma_start3A_425, %dma_start3A_426] : memref<513x16x513xi32, #tpu.memory_space<hbm>> -> memref<1x8x128xi32, #tpu.memory_space<hbm>>
      %dma_start3A_428 = tpu.memref_squeeze %dma_start3A_427 : memref<1x8x128xi32, #tpu.memory_space<hbm>> -> memref<8x128xi32, #tpu.memory_space<hbm>>
      tpu.enqueue_dma source(%dma_start3A_428 : memref<8x128xi32, #tpu.memory_space<hbm>>) target(%dma_start3A_424 : memref<8x128xi32, #tpu.memory_space<vmem>>) target_semaphore(%arg5 : memref<!tpu.dma_semaphore, #tpu.memory_space<semaphore_mem>>)
      %dma_start3A_429 = arith.constant 184 : i32
      %dma_start3A_430 = arith.constant 0 : i32
      %dma_start3A_431 = tpu.memref_slice %run_scoped3A[%dma_start3A_429, %dma_start3A_430] : memref<256x128xi32, #tpu.memory_space<vmem>> -> memref<8x128xi32, #tpu.memory_space<vmem>>
      %dma_start3A_432 = arith.constant 8 : i32
      %dma_start3A_433 = arith.constant 384 : i32
      %dma_start3A_434 = tpu.memref_slice %arg2[%select_n3A_330, %dma_start3A_432, %dma_start3A_433] : memref<513x16x513xi32, #tpu.memory_space<hbm>> -> memref<1x8x128xi32, #tpu.memory_space<hbm>>
      %dma_start3A_435 = tpu.memref_squeeze %dma_start3A_434 : memref<1x8x128xi32, #tpu.memory_space<hbm>> -> memref<8x128xi32, #tpu.memory_space<hbm>>
      %dma_start3A_436 = arith.constant 184 : i32
      %dma_start3A_437 = arith.constant 0 : i32
      %dma_start3A_438 = tpu.memref_slice %run_scoped3A[%dma_start3A_436, %dma_start3A_437] : memref<256x128xi32, #tpu.memory_space<vmem>> -> memref<8x128xi32, #tpu.memory_space<vmem>>
      %dma_start3A_439 = arith.constant 8 : i32
      %dma_start3A_440 = arith.constant 384 : i32
      %dma_start3A_441 = tpu.memref_slice %arg2[%select_n3A_330, %dma_start3A_439, %dma_start3A_440] : memref<513x16x513xi32, #tpu.memory_space<hbm>> -> memref<1x8x128xi32, #tpu.memory_space<hbm>>
      %dma_start3A_442 = tpu.memref_squeeze %dma_start3A_441 : memref<1x8x128xi32, #tpu.memory_space<hbm>> -> memref<8x128xi32, #tpu.memory_space<hbm>>
      tpu.enqueue_dma source(%dma_start3A_442 : memref<8x128xi32, #tpu.memory_space<hbm>>) target(%dma_start3A_438 : memref<8x128xi32, #tpu.memory_space<vmem>>) target_semaphore(%arg5 : memref<!tpu.dma_semaphore, #tpu.memory_space<semaphore_mem>>)
      %add3A_443 = arith.constant 3 : i32
      %add3A_444 = arith.addi %select_n3A, %add3A_443 : i32
      %min3A_445 = arith.constant 64 : i32
      %min3A_446 = arith.minsi %add3A_444, %min3A_445 : i32
      %mul3A_447 = arith.constant 513 : i32
      %mul3A_448 = arith.muli %min3A_446, %mul3A_447 : i32
      %jit3A_449 = arith.constant 65 : i32
      %div3A_450 = arith.divsi %mul3A_448, %jit3A_449 : i32
      %sign3A_451 = arith.constant 0 : i32
      %sign3A_452 = arith.cmpi sgt, %mul3A_448, %sign3A_451 : i32
      %sign3A_453 = arith.extui %sign3A_452 : i1 to i32
      %sign3A_454 = arith.constant 0 : i32
      %sign3A_455 = arith.cmpi slt, %mul3A_448, %sign3A_454 : i32
      %sign3A_456 = arith.extui %sign3A_455 : i1 to i32
      %sign3A_457 = arith.subi %sign3A_453, %sign3A_456 : i32
      %sign3A_458 = arith.constant 0 : i32
      %sign3A_459 = arith.cmpi sgt, %jit3A_449, %sign3A_458 : i32
      %sign3A_460 = arith.extui %sign3A_459 : i1 to i32
      %sign3A_461 = arith.constant 0 : i32
      %sign3A_462 = arith.cmpi slt, %jit3A_449, %sign3A_461 : i32
      %sign3A_463 = arith.extui %sign3A_462 : i1 to i32
      %sign3A_464 = arith.subi %sign3A_460, %sign3A_463 : i32
      %ne3A_465 = arith.cmpi ne, %sign3A_457, %sign3A_464 : i32
      %rem3A_466 = arith.remsi %mul3A_448, %jit3A_449 : i32
      %ne3A_467 = arith.constant 0 : i32
      %ne3A_468 = arith.cmpi ne, %rem3A_466, %ne3A_467 : i32
      %and3A_469 = arith.andi %ne3A_465, %ne3A_468 : i1
      %sub3A_470 = arith.constant 1 : i32
      %sub3A_471 = arith.subi %div3A_450, %sub3A_470 : i32
      %select_n3A_472 = arith.select %and3A_469, %sub3A_471, %div3A_450 : i32
      %dma_start3A_473 = arith.constant 192 : i32
      %dma_start3A_474 = arith.constant 0 : i32
      %dma_start3A_475 = tpu.memref_slice %run_scoped3A[%dma_start3A_473, %dma_start3A_474] : memref<256x128xi32, #tpu.memory_space<vmem>> -> memref<8x128xi32, #tpu.memory_space<vmem>>
      %dma_start3A_476 = arith.constant 0 : i32
      %dma_start3A_477 = arith.constant 0 : i32
      %dma_start3A_478 = tpu.memref_slice %arg2[%select_n3A_472, %dma_start3A_476, %dma_start3A_477] : memref<513x16x513xi32, #tpu.memory_space<hbm>> -> memref<1x8x128xi32, #tpu.memory_space<hbm>>
      %dma_start3A_479 = tpu.memref_squeeze %dma_start3A_478 : memref<1x8x128xi32, #tpu.memory_space<hbm>> -> memref<8x128xi32, #tpu.memory_space<hbm>>
      %dma_start3A_480 = arith.constant 192 : i32
      %dma_start3A_481 = arith.constant 0 : i32
      %dma_start3A_482 = tpu.memref_slice %run_scoped3A[%dma_start3A_480, %dma_start3A_481] : memref<256x128xi32, #tpu.memory_space<vmem>> -> memref<8x128xi32, #tpu.memory_space<vmem>>
      %dma_start3A_483 = arith.constant 0 : i32
      %dma_start3A_484 = arith.constant 0 : i32
      %dma_start3A_485 = tpu.memref_slice %arg2[%select_n3A_472, %dma_start3A_483, %dma_start3A_484] : memref<513x16x513xi32, #tpu.memory_space<hbm>> -> memref<1x8x128xi32, #tpu.memory_space<hbm>>
      %dma_start3A_486 = tpu.memref_squeeze %dma_start3A_485 : memref<1x8x128xi32, #tpu.memory_space<hbm>> -> memref<8x128xi32, #tpu.memory_space<hbm>>
      tpu.enqueue_dma source(%dma_start3A_486 : memref<8x128xi32, #tpu.memory_space<hbm>>) target(%dma_start3A_482 : memref<8x128xi32, #tpu.memory_space<vmem>>) target_semaphore(%arg5 : memref<!tpu.dma_semaphore, #tpu.memory_space<semaphore_mem>>)
      %dma_start3A_487 = arith.constant 200 : i32
      %dma_start3A_488 = arith.constant 0 : i32
      %dma_start3A_489 = tpu.memref_slice %run_scoped3A[%dma_start3A_487, %dma_start3A_488] : memref<256x128xi32, #tpu.memory_space<vmem>> -> memref<8x128xi32, #tpu.memory_space<vmem>>
      %dma_start3A_490 = arith.constant 0 : i32
      %dma_start3A_491 = arith.constant 128 : i32
      %dma_start3A_492 = tpu.memref_slice %arg2[%select_n3A_472, %dma_start3A_490, %dma_start3A_491] : memref<513x16x513xi32, #tpu.memory_space<hbm>> -> memref<1x8x128xi32, #tpu.memory_space<hbm>>
      %dma_start3A_493 = tpu.memref_squeeze %dma_start3A_492 : memref<1x8x128xi32, #tpu.memory_space<hbm>> -> memref<8x128xi32, #tpu.memory_space<hbm>>
      %dma_start3A_494 = arith.constant 200 : i32
      %dma_start3A_495 = arith.constant 0 : i32
      %dma_start3A_496 = tpu.memref_slice %run_scoped3A[%dma_start3A_494, %dma_start3A_495] : memref<256x128xi32, #tpu.memory_space<vmem>> -> memref<8x128xi32, #tpu.memory_space<vmem>>
      %dma_start3A_497 = arith.constant 0 : i32
      %dma_start3A_498 = arith.constant 128 : i32
      %dma_start3A_499 = tpu.memref_slice %arg2[%select_n3A_472, %dma_start3A_497, %dma_start3A_498] : memref<513x16x513xi32, #tpu.memory_space<hbm>> -> memref<1x8x128xi32, #tpu.memory_space<hbm>>
      %dma_start3A_500 = tpu.memref_squeeze %dma_start3A_499 : memref<1x8x128xi32, #tpu.memory_space<hbm>> -> memref<8x128xi32, #tpu.memory_space<hbm>>
      tpu.enqueue_dma source(%dma_start3A_500 : memref<8x128xi32, #tpu.memory_space<hbm>>) target(%dma_start3A_496 : memref<8x128xi32, #tpu.memory_space<vmem>>) target_semaphore(%arg5 : memref<!tpu.dma_semaphore, #tpu.memory_space<semaphore_mem>>)
      %dma_start3A_501 = arith.constant 208 : i32
      %dma_start3A_502 = arith.constant 0 : i32
      %dma_start3A_503 = tpu.memref_slice %run_scoped3A[%dma_start3A_501, %dma_start3A_502] : memref<256x128xi32, #tpu.memory_space<vmem>> -> memref<8x128xi32, #tpu.memory_space<vmem>>
      %dma_start3A_504 = arith.constant 0 : i32
      %dma_start3A_505 = arith.constant 256 : i32
      %dma_start3A_506 = tpu.memref_slice %arg2[%select_n3A_472, %dma_start3A_504, %dma_start3A_505] : memref<513x16x513xi32, #tpu.memory_space<hbm>> -> memref<1x8x128xi32, #tpu.memory_space<hbm>>
      %dma_start3A_507 = tpu.memref_squeeze %dma_start3A_506 : memref<1x8x128xi32, #tpu.memory_space<hbm>> -> memref<8x128xi32, #tpu.memory_space<hbm>>
      %dma_start3A_508 = arith.constant 208 : i32
      %dma_start3A_509 = arith.constant 0 : i32
      %dma_start3A_510 = tpu.memref_slice %run_scoped3A[%dma_start3A_508, %dma_start3A_509] : memref<256x128xi32, #tpu.memory_space<vmem>> -> memref<8x128xi32, #tpu.memory_space<vmem>>
      %dma_start3A_511 = arith.constant 0 : i32
      %dma_start3A_512 = arith.constant 256 : i32
      %dma_start3A_513 = tpu.memref_slice %arg2[%select_n3A_472, %dma_start3A_511, %dma_start3A_512] : memref<513x16x513xi32, #tpu.memory_space<hbm>> -> memref<1x8x128xi32, #tpu.memory_space<hbm>>
      %dma_start3A_514 = tpu.memref_squeeze %dma_start3A_513 : memref<1x8x128xi32, #tpu.memory_space<hbm>> -> memref<8x128xi32, #tpu.memory_space<hbm>>
      tpu.enqueue_dma source(%dma_start3A_514 : memref<8x128xi32, #tpu.memory_space<hbm>>) target(%dma_start3A_510 : memref<8x128xi32, #tpu.memory_space<vmem>>) target_semaphore(%arg5 : memref<!tpu.dma_semaphore, #tpu.memory_space<semaphore_mem>>)
      %dma_start3A_515 = arith.constant 216 : i32
      %dma_start3A_516 = arith.constant 0 : i32
      %dma_start3A_517 = tpu.memref_slice %run_scoped3A[%dma_start3A_515, %dma_start3A_516] : memref<256x128xi32, #tpu.memory_space<vmem>> -> memref<8x128xi32, #tpu.memory_space<vmem>>
      %dma_start3A_518 = arith.constant 0 : i32
      %dma_start3A_519 = arith.constant 384 : i32
      %dma_start3A_520 = tpu.memref_slice %arg2[%select_n3A_472, %dma_start3A_518, %dma_start3A_519] : memref<513x16x513xi32, #tpu.memory_space<hbm>> -> memref<1x8x128xi32, #tpu.memory_space<hbm>>
      %dma_start3A_521 = tpu.memref_squeeze %dma_start3A_520 : memref<1x8x128xi32, #tpu.memory_space<hbm>> -> memref<8x128xi32, #tpu.memory_space<hbm>>
      %dma_start3A_522 = arith.constant 216 : i32
      %dma_start3A_523 = arith.constant 0 : i32
      %dma_start3A_524 = tpu.memref_slice %run_scoped3A[%dma_start3A_522, %dma_start3A_523] : memref<256x128xi32, #tpu.memory_space<vmem>> -> memref<8x128xi32, #tpu.memory_space<vmem>>
      %dma_start3A_525 = arith.constant 0 : i32
      %dma_start3A_526 = arith.constant 384 : i32
      %dma_start3A_527 = tpu.memref_slice %arg2[%select_n3A_472, %dma_start3A_525, %dma_start3A_526] : memref<513x16x513xi32, #tpu.memory_space<hbm>> -> memref<1x8x128xi32, #tpu.memory_space<hbm>>
      %dma_start3A_528 = tpu.memref_squeeze %dma_start3A_527 : memref<1x8x128xi32, #tpu.memory_space<hbm>> -> memref<8x128xi32, #tpu.memory_space<hbm>>
      tpu.enqueue_dma source(%dma_start3A_528 : memref<8x128xi32, #tpu.memory_space<hbm>>) target(%dma_start3A_524 : memref<8x128xi32, #tpu.memory_space<vmem>>) target_semaphore(%arg5 : memref<!tpu.dma_semaphore, #tpu.memory_space<semaphore_mem>>)
      %dma_start3A_529 = arith.constant 224 : i32
      %dma_start3A_530 = arith.constant 0 : i32
      %dma_start3A_531 = tpu.memref_slice %run_scoped3A[%dma_start3A_529, %dma_start3A_530] : memref<256x128xi32, #tpu.memory_space<vmem>> -> memref<8x128xi32, #tpu.memory_space<vmem>>
      %dma_start3A_532 = arith.constant 8 : i32
      %dma_start3A_533 = arith.constant 0 : i32
      %dma_start3A_534 = tpu.memref_slice %arg2[%select_n3A_472, %dma_start3A_532, %dma_start3A_533] : memref<513x16x513xi32, #tpu.memory_space<hbm>> -> memref<1x8x128xi32, #tpu.memory_space<hbm>>
      %dma_start3A_535 = tpu.memref_squeeze %dma_start3A_534 : memref<1x8x128xi32, #tpu.memory_space<hbm>> -> memref<8x128xi32, #tpu.memory_space<hbm>>
      %dma_start3A_536 = arith.constant 224 : i32
      %dma_start3A_537 = arith.constant 0 : i32
      %dma_start3A_538 = tpu.memref_slice %run_scoped3A[%dma_start3A_536, %dma_start3A_537] : memref<256x128xi32, #tpu.memory_space<vmem>> -> memref<8x128xi32, #tpu.memory_space<vmem>>
      %dma_start3A_539 = arith.constant 8 : i32
      %dma_start3A_540 = arith.constant 0 : i32
      %dma_start3A_541 = tpu.memref_slice %arg2[%select_n3A_472, %dma_start3A_539, %dma_start3A_540] : memref<513x16x513xi32, #tpu.memory_space<hbm>> -> memref<1x8x128xi32, #tpu.memory_space<hbm>>
      %dma_start3A_542 = tpu.memref_squeeze %dma_start3A_541 : memref<1x8x128xi32, #tpu.memory_space<hbm>> -> memref<8x128xi32, #tpu.memory_space<hbm>>
      tpu.enqueue_dma source(%dma_start3A_542 : memref<8x128xi32, #tpu.memory_space<hbm>>) target(%dma_start3A_538 : memref<8x128xi32, #tpu.memory_space<vmem>>) target_semaphore(%arg5 : memref<!tpu.dma_semaphore, #tpu.memory_space<semaphore_mem>>)
      %dma_start3A_543 = arith.constant 232 : i32
      %dma_start3A_544 = arith.constant 0 : i32
      %dma_start3A_545 = tpu.memref_slice %run_scoped3A[%dma_start3A_543, %dma_start3A_544] : memref<256x128xi32, #tpu.memory_space<vmem>> -> memref<8x128xi32, #tpu.memory_space<vmem>>
      %dma_start3A_546 = arith.constant 8 : i32
      %dma_start3A_547 = arith.constant 128 : i32
      %dma_start3A_548 = tpu.memref_slice %arg2[%select_n3A_472, %dma_start3A_546, %dma_start3A_547] : memref<513x16x513xi32, #tpu.memory_space<hbm>> -> memref<1x8x128xi32, #tpu.memory_space<hbm>>
      %dma_start3A_549 = tpu.memref_squeeze %dma_start3A_548 : memref<1x8x128xi32, #tpu.memory_space<hbm>> -> memref<8x128xi32, #tpu.memory_space<hbm>>
      %dma_start3A_550 = arith.constant 232 : i32
      %dma_start3A_551 = arith.constant 0 : i32
      %dma_start3A_552 = tpu.memref_slice %run_scoped3A[%dma_start3A_550, %dma_start3A_551] : memref<256x128xi32, #tpu.memory_space<vmem>> -> memref<8x128xi32, #tpu.memory_space<vmem>>
      %dma_start3A_553 = arith.constant 8 : i32
      %dma_start3A_554 = arith.constant 128 : i32
      %dma_start3A_555 = tpu.memref_slice %arg2[%select_n3A_472, %dma_start3A_553, %dma_start3A_554] : memref<513x16x513xi32, #tpu.memory_space<hbm>> -> memref<1x8x128xi32, #tpu.memory_space<hbm>>
      %dma_start3A_556 = tpu.memref_squeeze %dma_start3A_555 : memref<1x8x128xi32, #tpu.memory_space<hbm>> -> memref<8x128xi32, #tpu.memory_space<hbm>>
      tpu.enqueue_dma source(%dma_start3A_556 : memref<8x128xi32, #tpu.memory_space<hbm>>) target(%dma_start3A_552 : memref<8x128xi32, #tpu.memory_space<vmem>>) target_semaphore(%arg5 : memref<!tpu.dma_semaphore, #tpu.memory_space<semaphore_mem>>)
      %dma_start3A_557 = arith.constant 240 : i32
      %dma_start3A_558 = arith.constant 0 : i32
      %dma_start3A_559 = tpu.memref_slice %run_scoped3A[%dma_start3A_557, %dma_start3A_558] : memref<256x128xi32, #tpu.memory_space<vmem>> -> memref<8x128xi32, #tpu.memory_space<vmem>>
      %dma_start3A_560 = arith.constant 8 : i32
      %dma_start3A_561 = arith.constant 256 : i32
      %dma_start3A_562 = tpu.memref_slice %arg2[%select_n3A_472, %dma_start3A_560, %dma_start3A_561] : memref<513x16x513xi32, #tpu.memory_space<hbm>> -> memref<1x8x128xi32, #tpu.memory_space<hbm>>
      %dma_start3A_563 = tpu.memref_squeeze %dma_start3A_562 : memref<1x8x128xi32, #tpu.memory_space<hbm>> -> memref<8x128xi32, #tpu.memory_space<hbm>>
      %dma_start3A_564 = arith.constant 240 : i32
      %dma_start3A_565 = arith.constant 0 : i32
      %dma_start3A_566 = tpu.memref_slice %run_scoped3A[%dma_start3A_564, %dma_start3A_565] : memref<256x128xi32, #tpu.memory_space<vmem>> -> memref<8x128xi32, #tpu.memory_space<vmem>>
      %dma_start3A_567 = arith.constant 8 : i32
      %dma_start3A_568 = arith.constant 256 : i32
      %dma_start3A_569 = tpu.memref_slice %arg2[%select_n3A_472, %dma_start3A_567, %dma_start3A_568] : memref<513x16x513xi32, #tpu.memory_space<hbm>> -> memref<1x8x128xi32, #tpu.memory_space<hbm>>
      %dma_start3A_570 = tpu.memref_squeeze %dma_start3A_569 : memref<1x8x128xi32, #tpu.memory_space<hbm>> -> memref<8x128xi32, #tpu.memory_space<hbm>>
      tpu.enqueue_dma source(%dma_start3A_570 : memref<8x128xi32, #tpu.memory_space<hbm>>) target(%dma_start3A_566 : memref<8x128xi32, #tpu.memory_space<vmem>>) target_semaphore(%arg5 : memref<!tpu.dma_semaphore, #tpu.memory_space<semaphore_mem>>)
      %dma_start3A_571 = arith.constant 248 : i32
      %dma_start3A_572 = arith.constant 0 : i32
      %dma_start3A_573 = tpu.memref_slice %run_scoped3A[%dma_start3A_571, %dma_start3A_572] : memref<256x128xi32, #tpu.memory_space<vmem>> -> memref<8x128xi32, #tpu.memory_space<vmem>>
      %dma_start3A_574 = arith.constant 8 : i32
      %dma_start3A_575 = arith.constant 384 : i32
      %dma_start3A_576 = tpu.memref_slice %arg2[%select_n3A_472, %dma_start3A_574, %dma_start3A_575] : memref<513x16x513xi32, #tpu.memory_space<hbm>> -> memref<1x8x128xi32, #tpu.memory_space<hbm>>
      %dma_start3A_577 = tpu.memref_squeeze %dma_start3A_576 : memref<1x8x128xi32, #tpu.memory_space<hbm>> -> memref<8x128xi32, #tpu.memory_space<hbm>>
      %dma_start3A_578 = arith.constant 248 : i32
      %dma_start3A_579 = arith.constant 0 : i32
      %dma_start3A_580 = tpu.memref_slice %run_scoped3A[%dma_start3A_578, %dma_start3A_579] : memref<256x128xi32, #tpu.memory_space<vmem>> -> memref<8x128xi32, #tpu.memory_space<vmem>>
      %dma_start3A_581 = arith.constant 8 : i32
      %dma_start3A_582 = arith.constant 384 : i32
      %dma_start3A_583 = tpu.memref_slice %arg2[%select_n3A_472, %dma_start3A_581, %dma_start3A_582] : memref<513x16x513xi32, #tpu.memory_space<hbm>> -> memref<1x8x128xi32, #tpu.memory_space<hbm>>
      %dma_start3A_584 = tpu.memref_squeeze %dma_start3A_583 : memref<1x8x128xi32, #tpu.memory_space<hbm>> -> memref<8x128xi32, #tpu.memory_space<hbm>>
      tpu.enqueue_dma source(%dma_start3A_584 : memref<8x128xi32, #tpu.memory_space<hbm>>) target(%dma_start3A_580 : memref<8x128xi32, #tpu.memory_space<vmem>>) target_semaphore(%arg5 : memref<!tpu.dma_semaphore, #tpu.memory_space<semaphore_mem>>)
      %dma_wait3A = arith.constant 0 : i32
      %dma_wait3A_585 = arith.constant 0 : i32
      %dma_wait3A_586 = tpu.memref_slice %run_scoped3A[%dma_wait3A, %dma_wait3A_585] : memref<256x128xi32, #tpu.memory_space<vmem>> -> memref<8x128xi32, #tpu.memory_space<vmem>>
      %dma_wait3A_587 = arith.constant 0 : i32
      %dma_wait3A_588 = arith.constant 0 : i32
      %dma_wait3A_589 = tpu.memref_slice %arg2[%select_n3A_47, %dma_wait3A_587, %dma_wait3A_588] : memref<513x16x513xi32, #tpu.memory_space<hbm>> -> memref<1x8x128xi32, #tpu.memory_space<hbm>>
      %dma_wait3A_590 = tpu.memref_squeeze %dma_wait3A_589 : memref<1x8x128xi32, #tpu.memory_space<hbm>> -> memref<8x128xi32, #tpu.memory_space<hbm>>
      %dma_wait3A_591 = arith.constant 0 : i32
      %dma_wait3A_592 = arith.constant 0 : i32
      %dma_wait3A_593 = tpu.memref_slice %run_scoped3A[%dma_wait3A_591, %dma_wait3A_592] : memref<256x128xi32, #tpu.memory_space<vmem>> -> memref<8x128xi32, #tpu.memory_space<vmem>>
      %dma_wait3A_594 = arith.constant 0 : i32
      %dma_wait3A_595 = arith.constant 0 : i32
      %dma_wait3A_596 = tpu.memref_slice %arg2[%select_n3A_47, %dma_wait3A_594, %dma_wait3A_595] : memref<513x16x513xi32, #tpu.memory_space<hbm>> -> memref<1x8x128xi32, #tpu.memory_space<hbm>>
      %dma_wait3A_597 = tpu.memref_squeeze %dma_wait3A_596 : memref<1x8x128xi32, #tpu.memory_space<hbm>> -> memref<8x128xi32, #tpu.memory_space<hbm>>
      tpu.wait_dma2 semaphore(%arg5 : memref<!tpu.dma_semaphore, #tpu.memory_space<semaphore_mem>>) src(%dma_wait3A_597 : memref<8x128xi32, #tpu.memory_space<hbm>>) dst(%dma_wait3A_593 : memref<8x128xi32, #tpu.memory_space<vmem>>)
      %dma_wait3A_598 = arith.constant 8 : i32
      %dma_wait3A_599 = arith.constant 0 : i32
      %dma_wait3A_600 = tpu.memref_slice %run_scoped3A[%dma_wait3A_598, %dma_wait3A_599] : memref<256x128xi32, #tpu.memory_space<vmem>> -> memref<8x128xi32, #tpu.memory_space<vmem>>
      %dma_wait3A_601 = arith.constant 0 : i32
      %dma_wait3A_602 = arith.constant 128 : i32
      %dma_wait3A_603 = tpu.memref_slice %arg2[%select_n3A_47, %dma_wait3A_601, %dma_wait3A_602] : memref<513x16x513xi32, #tpu.memory_space<hbm>> -> memref<1x8x128xi32, #tpu.memory_space<hbm>>
      %dma_wait3A_604 = tpu.memref_squeeze %dma_wait3A_603 : memref<1x8x128xi32, #tpu.memory_space<hbm>> -> memref<8x128xi32, #tpu.memory_space<hbm>>
      %dma_wait3A_605 = arith.constant 8 : i32
      %dma_wait3A_606 = arith.constant 0 : i32
      %dma_wait3A_607 = tpu.memref_slice %run_scoped3A[%dma_wait3A_605, %dma_wait3A_606] : memref<256x128xi32, #tpu.memory_space<vmem>> -> memref<8x128xi32, #tpu.memory_space<vmem>>
      %dma_wait3A_608 = arith.constant 0 : i32
      %dma_wait3A_609 = arith.constant 128 : i32
      %dma_wait3A_610 = tpu.memref_slice %arg2[%select_n3A_47, %dma_wait3A_608, %dma_wait3A_609] : memref<513x16x513xi32, #tpu.memory_space<hbm>> -> memref<1x8x128xi32, #tpu.memory_space<hbm>>
      %dma_wait3A_611 = tpu.memref_squeeze %dma_wait3A_610 : memref<1x8x128xi32, #tpu.memory_space<hbm>> -> memref<8x128xi32, #tpu.memory_space<hbm>>
      tpu.wait_dma2 semaphore(%arg5 : memref<!tpu.dma_semaphore, #tpu.memory_space<semaphore_mem>>) src(%dma_wait3A_611 : memref<8x128xi32, #tpu.memory_space<hbm>>) dst(%dma_wait3A_607 : memref<8x128xi32, #tpu.memory_space<vmem>>)
      %dma_wait3A_612 = arith.constant 16 : i32
      %dma_wait3A_613 = arith.constant 0 : i32
      %dma_wait3A_614 = tpu.memref_slice %run_scoped3A[%dma_wait3A_612, %dma_wait3A_613] : memref<256x128xi32, #tpu.memory_space<vmem>> -> memref<8x128xi32, #tpu.memory_space<vmem>>
      %dma_wait3A_615 = arith.constant 0 : i32
      %dma_wait3A_616 = arith.constant 256 : i32
      %dma_wait3A_617 = tpu.memref_slice %arg2[%select_n3A_47, %dma_wait3A_615, %dma_wait3A_616] : memref<513x16x513xi32, #tpu.memory_space<hbm>> -> memref<1x8x128xi32, #tpu.memory_space<hbm>>
      %dma_wait3A_618 = tpu.memref_squeeze %dma_wait3A_617 : memref<1x8x128xi32, #tpu.memory_space<hbm>> -> memref<8x128xi32, #tpu.memory_space<hbm>>
      %dma_wait3A_619 = arith.constant 16 : i32
      %dma_wait3A_620 = arith.constant 0 : i32
      %dma_wait3A_621 = tpu.memref_slice %run_scoped3A[%dma_wait3A_619, %dma_wait3A_620] : memref<256x128xi32, #tpu.memory_space<vmem>> -> memref<8x128xi32, #tpu.memory_space<vmem>>
      %dma_wait3A_622 = arith.constant 0 : i32
      %dma_wait3A_623 = arith.constant 256 : i32
      %dma_wait3A_624 = tpu.memref_slice %arg2[%select_n3A_47, %dma_wait3A_622, %dma_wait3A_623] : memref<513x16x513xi32, #tpu.memory_space<hbm>> -> memref<1x8x128xi32, #tpu.memory_space<hbm>>
      %dma_wait3A_625 = tpu.memref_squeeze %dma_wait3A_624 : memref<1x8x128xi32, #tpu.memory_space<hbm>> -> memref<8x128xi32, #tpu.memory_space<hbm>>
      tpu.wait_dma2 semaphore(%arg5 : memref<!tpu.dma_semaphore, #tpu.memory_space<semaphore_mem>>) src(%dma_wait3A_625 : memref<8x128xi32, #tpu.memory_space<hbm>>) dst(%dma_wait3A_621 : memref<8x128xi32, #tpu.memory_space<vmem>>)
      %dma_wait3A_626 = arith.constant 24 : i32
      %dma_wait3A_627 = arith.constant 0 : i32
      %dma_wait3A_628 = tpu.memref_slice %run_scoped3A[%dma_wait3A_626, %dma_wait3A_627] : memref<256x128xi32, #tpu.memory_space<vmem>> -> memref<8x128xi32, #tpu.memory_space<vmem>>
      %dma_wait3A_629 = arith.constant 0 : i32
      %dma_wait3A_630 = arith.constant 384 : i32
      %dma_wait3A_631 = tpu.memref_slice %arg2[%select_n3A_47, %dma_wait3A_629, %dma_wait3A_630] : memref<513x16x513xi32, #tpu.memory_space<hbm>> -> memref<1x8x128xi32, #tpu.memory_space<hbm>>
      %dma_wait3A_632 = tpu.memref_squeeze %dma_wait3A_631 : memref<1x8x128xi32, #tpu.memory_space<hbm>> -> memref<8x128xi32, #tpu.memory_space<hbm>>
      %dma_wait3A_633 = arith.constant 24 : i32
      %dma_wait3A_634 = arith.constant 0 : i32
      %dma_wait3A_635 = tpu.memref_slice %run_scoped3A[%dma_wait3A_633, %dma_wait3A_634] : memref<256x128xi32, #tpu.memory_space<vmem>> -> memref<8x128xi32, #tpu.memory_space<vmem>>
      %dma_wait3A_636 = arith.constant 0 : i32
      %dma_wait3A_637 = arith.constant 384 : i32
      %dma_wait3A_638 = tpu.memref_slice %arg2[%select_n3A_47, %dma_wait3A_636, %dma_wait3A_637] : memref<513x16x513xi32, #tpu.memory_space<hbm>> -> memref<1x8x128xi32, #tpu.memory_space<hbm>>
      %dma_wait3A_639 = tpu.memref_squeeze %dma_wait3A_638 : memref<1x8x128xi32, #tpu.memory_space<hbm>> -> memref<8x128xi32, #tpu.memory_space<hbm>>
      tpu.wait_dma2 semaphore(%arg5 : memref<!tpu.dma_semaphore, #tpu.memory_space<semaphore_mem>>) src(%dma_wait3A_639 : memref<8x128xi32, #tpu.memory_space<hbm>>) dst(%dma_wait3A_635 : memref<8x128xi32, #tpu.memory_space<vmem>>)
      %dma_wait3A_640 = arith.constant 32 : i32
      %dma_wait3A_641 = arith.constant 0 : i32
      %dma_wait3A_642 = tpu.memref_slice %run_scoped3A[%dma_wait3A_640, %dma_wait3A_641] : memref<256x128xi32, #tpu.memory_space<vmem>> -> memref<8x128xi32, #tpu.memory_space<vmem>>
      %dma_wait3A_643 = arith.constant 8 : i32
      %dma_wait3A_644 = arith.constant 0 : i32
      %dma_wait3A_645 = tpu.memref_slice %arg2[%select_n3A_47, %dma_wait3A_643, %dma_wait3A_644] : memref<513x16x513xi32, #tpu.memory_space<hbm>> -> memref<1x8x128xi32, #tpu.memory_space<hbm>>
      %dma_wait3A_646 = tpu.memref_squeeze %dma_wait3A_645 : memref<1x8x128xi32, #tpu.memory_space<hbm>> -> memref<8x128xi32, #tpu.memory_space<hbm>>
      %dma_wait3A_647 = arith.constant 32 : i32
      %dma_wait3A_648 = arith.constant 0 : i32
      %dma_wait3A_649 = tpu.memref_slice %run_scoped3A[%dma_wait3A_647, %dma_wait3A_648] : memref<256x128xi32, #tpu.memory_space<vmem>> -> memref<8x128xi32, #tpu.memory_space<vmem>>
      %dma_wait3A_650 = arith.constant 8 : i32
      %dma_wait3A_651 = arith.constant 0 : i32
      %dma_wait3A_652 = tpu.memref_slice %arg2[%select_n3A_47, %dma_wait3A_650, %dma_wait3A_651] : memref<513x16x513xi32, #tpu.memory_space<hbm>> -> memref<1x8x128xi32, #tpu.memory_space<hbm>>
      %dma_wait3A_653 = tpu.memref_squeeze %dma_wait3A_652 : memref<1x8x128xi32, #tpu.memory_space<hbm>> -> memref<8x128xi32, #tpu.memory_space<hbm>>
      tpu.wait_dma2 semaphore(%arg5 : memref<!tpu.dma_semaphore, #tpu.memory_space<semaphore_mem>>) src(%dma_wait3A_653 : memref<8x128xi32, #tpu.memory_space<hbm>>) dst(%dma_wait3A_649 : memref<8x128xi32, #tpu.memory_space<vmem>>)
      %dma_wait3A_654 = arith.constant 40 : i32
      %dma_wait3A_655 = arith.constant 0 : i32
      %dma_wait3A_656 = tpu.memref_slice %run_scoped3A[%dma_wait3A_654, %dma_wait3A_655] : memref<256x128xi32, #tpu.memory_space<vmem>> -> memref<8x128xi32, #tpu.memory_space<vmem>>
      %dma_wait3A_657 = arith.constant 8 : i32
      %dma_wait3A_658 = arith.constant 128 : i32
      %dma_wait3A_659 = tpu.memref_slice %arg2[%select_n3A_47, %dma_wait3A_657, %dma_wait3A_658] : memref<513x16x513xi32, #tpu.memory_space<hbm>> -> memref<1x8x128xi32, #tpu.memory_space<hbm>>
      %dma_wait3A_660 = tpu.memref_squeeze %dma_wait3A_659 : memref<1x8x128xi32, #tpu.memory_space<hbm>> -> memref<8x128xi32, #tpu.memory_space<hbm>>
      %dma_wait3A_661 = arith.constant 40 : i32
      %dma_wait3A_662 = arith.constant 0 : i32
      %dma_wait3A_663 = tpu.memref_slice %run_scoped3A[%dma_wait3A_661, %dma_wait3A_662] : memref<256x128xi32, #tpu.memory_space<vmem>> -> memref<8x128xi32, #tpu.memory_space<vmem>>
      %dma_wait3A_664 = arith.constant 8 : i32
      %dma_wait3A_665 = arith.constant 128 : i32
      %dma_wait3A_666 = tpu.memref_slice %arg2[%select_n3A_47, %dma_wait3A_664, %dma_wait3A_665] : memref<513x16x513xi32, #tpu.memory_space<hbm>> -> memref<1x8x128xi32, #tpu.memory_space<hbm>>
      %dma_wait3A_667 = tpu.memref_squeeze %dma_wait3A_666 : memref<1x8x128xi32, #tpu.memory_space<hbm>> -> memref<8x128xi32, #tpu.memory_space<hbm>>
      tpu.wait_dma2 semaphore(%arg5 : memref<!tpu.dma_semaphore, #tpu.memory_space<semaphore_mem>>) src(%dma_wait3A_667 : memref<8x128xi32, #tpu.memory_space<hbm>>) dst(%dma_wait3A_663 : memref<8x128xi32, #tpu.memory_space<vmem>>)
      %dma_wait3A_668 = arith.constant 48 : i32
      %dma_wait3A_669 = arith.constant 0 : i32
      %dma_wait3A_670 = tpu.memref_slice %run_scoped3A[%dma_wait3A_668, %dma_wait3A_669] : memref<256x128xi32, #tpu.memory_space<vmem>> -> memref<8x128xi32, #tpu.memory_space<vmem>>
      %dma_wait3A_671 = arith.constant 8 : i32
      %dma_wait3A_672 = arith.constant 256 : i32
      %dma_wait3A_673 = tpu.memref_slice %arg2[%select_n3A_47, %dma_wait3A_671, %dma_wait3A_672] : memref<513x16x513xi32, #tpu.memory_space<hbm>> -> memref<1x8x128xi32, #tpu.memory_space<hbm>>
      %dma_wait3A_674 = tpu.memref_squeeze %dma_wait3A_673 : memref<1x8x128xi32, #tpu.memory_space<hbm>> -> memref<8x128xi32, #tpu.memory_space<hbm>>
      %dma_wait3A_675 = arith.constant 48 : i32
      %dma_wait3A_676 = arith.constant 0 : i32
      %dma_wait3A_677 = tpu.memref_slice %run_scoped3A[%dma_wait3A_675, %dma_wait3A_676] : memref<256x128xi32, #tpu.memory_space<vmem>> -> memref<8x128xi32, #tpu.memory_space<vmem>>
      %dma_wait3A_678 = arith.constant 8 : i32
      %dma_wait3A_679 = arith.constant 256 : i32
      %dma_wait3A_680 = tpu.memref_slice %arg2[%select_n3A_47, %dma_wait3A_678, %dma_wait3A_679] : memref<513x16x513xi32, #tpu.memory_space<hbm>> -> memref<1x8x128xi32, #tpu.memory_space<hbm>>
      %dma_wait3A_681 = tpu.memref_squeeze %dma_wait3A_680 : memref<1x8x128xi32, #tpu.memory_space<hbm>> -> memref<8x128xi32, #tpu.memory_space<hbm>>
      tpu.wait_dma2 semaphore(%arg5 : memref<!tpu.dma_semaphore, #tpu.memory_space<semaphore_mem>>) src(%dma_wait3A_681 : memref<8x128xi32, #tpu.memory_space<hbm>>) dst(%dma_wait3A_677 : memref<8x128xi32, #tpu.memory_space<vmem>>)
      %dma_wait3A_682 = arith.constant 56 : i32
      %dma_wait3A_683 = arith.constant 0 : i32
      %dma_wait3A_684 = tpu.memref_slice %run_scoped3A[%dma_wait3A_682, %dma_wait3A_683] : memref<256x128xi32, #tpu.memory_space<vmem>> -> memref<8x128xi32, #tpu.memory_space<vmem>>
      %dma_wait3A_685 = arith.constant 8 : i32
      %dma_wait3A_686 = arith.constant 384 : i32
      %dma_wait3A_687 = tpu.memref_slice %arg2[%select_n3A_47, %dma_wait3A_685, %dma_wait3A_686] : memref<513x16x513xi32, #tpu.memory_space<hbm>> -> memref<1x8x128xi32, #tpu.memory_space<hbm>>
      %dma_wait3A_688 = tpu.memref_squeeze %dma_wait3A_687 : memref<1x8x128xi32, #tpu.memory_space<hbm>> -> memref<8x128xi32, #tpu.memory_space<hbm>>
      %dma_wait3A_689 = arith.constant 56 : i32
      %dma_wait3A_690 = arith.constant 0 : i32
      %dma_wait3A_691 = tpu.memref_slice %run_scoped3A[%dma_wait3A_689, %dma_wait3A_690] : memref<256x128xi32, #tpu.memory_space<vmem>> -> memref<8x128xi32, #tpu.memory_space<vmem>>
      %dma_wait3A_692 = arith.constant 8 : i32
      %dma_wait3A_693 = arith.constant 384 : i32
      %dma_wait3A_694 = tpu.memref_slice %arg2[%select_n3A_47, %dma_wait3A_692, %dma_wait3A_693] : memref<513x16x513xi32, #tpu.memory_space<hbm>> -> memref<1x8x128xi32, #tpu.memory_space<hbm>>
      %dma_wait3A_695 = tpu.memref_squeeze %dma_wait3A_694 : memref<1x8x128xi32, #tpu.memory_space<hbm>> -> memref<8x128xi32, #tpu.memory_space<hbm>>
      tpu.wait_dma2 semaphore(%arg5 : memref<!tpu.dma_semaphore, #tpu.memory_space<semaphore_mem>>) src(%dma_wait3A_695 : memref<8x128xi32, #tpu.memory_space<hbm>>) dst(%dma_wait3A_691 : memref<8x128xi32, #tpu.memory_space<vmem>>)
      %dma_wait3A_696 = arith.constant 64 : i32
      %dma_wait3A_697 = arith.constant 0 : i32
      %dma_wait3A_698 = tpu.memref_slice %run_scoped3A[%dma_wait3A_696, %dma_wait3A_697] : memref<256x128xi32, #tpu.memory_space<vmem>> -> memref<8x128xi32, #tpu.memory_space<vmem>>
      %dma_wait3A_699 = arith.constant 0 : i32
      %dma_wait3A_700 = arith.constant 0 : i32
      %dma_wait3A_701 = tpu.memref_slice %arg2[%select_n3A_188, %dma_wait3A_699, %dma_wait3A_700] : memref<513x16x513xi32, #tpu.memory_space<hbm>> -> memref<1x8x128xi32, #tpu.memory_space<hbm>>
      %dma_wait3A_702 = tpu.memref_squeeze %dma_wait3A_701 : memref<1x8x128xi32, #tpu.memory_space<hbm>> -> memref<8x128xi32, #tpu.memory_space<hbm>>
      %dma_wait3A_703 = arith.constant 64 : i32
      %dma_wait3A_704 = arith.constant 0 : i32
      %dma_wait3A_705 = tpu.memref_slice %run_scoped3A[%dma_wait3A_703, %dma_wait3A_704] : memref<256x128xi32, #tpu.memory_space<vmem>> -> memref<8x128xi32, #tpu.memory_space<vmem>>
      %dma_wait3A_706 = arith.constant 0 : i32
      %dma_wait3A_707 = arith.constant 0 : i32
      %dma_wait3A_708 = tpu.memref_slice %arg2[%select_n3A_188, %dma_wait3A_706, %dma_wait3A_707] : memref<513x16x513xi32, #tpu.memory_space<hbm>> -> memref<1x8x128xi32, #tpu.memory_space<hbm>>
      %dma_wait3A_709 = tpu.memref_squeeze %dma_wait3A_708 : memref<1x8x128xi32, #tpu.memory_space<hbm>> -> memref<8x128xi32, #tpu.memory_space<hbm>>
      tpu.wait_dma2 semaphore(%arg5 : memref<!tpu.dma_semaphore, #tpu.memory_space<semaphore_mem>>) src(%dma_wait3A_709 : memref<8x128xi32, #tpu.memory_space<hbm>>) dst(%dma_wait3A_705 : memref<8x128xi32, #tpu.memory_space<vmem>>)
      %dma_wait3A_710 = arith.constant 72 : i32
      %dma_wait3A_711 = arith.constant 0 : i32
      %dma_wait3A_712 = tpu.memref_slice %run_scoped3A[%dma_wait3A_710, %dma_wait3A_711] : memref<256x128xi32, #tpu.memory_space<vmem>> -> memref<8x128xi32, #tpu.memory_space<vmem>>
      %dma_wait3A_713 = arith.constant 0 : i32
      %dma_wait3A_714 = arith.constant 128 : i32
      %dma_wait3A_715 = tpu.memref_slice %arg2[%select_n3A_188, %dma_wait3A_713, %dma_wait3A_714] : memref<513x16x513xi32, #tpu.memory_space<hbm>> -> memref<1x8x128xi32, #tpu.memory_space<hbm>>
      %dma_wait3A_716 = tpu.memref_squeeze %dma_wait3A_715 : memref<1x8x128xi32, #tpu.memory_space<hbm>> -> memref<8x128xi32, #tpu.memory_space<hbm>>
      %dma_wait3A_717 = arith.constant 72 : i32
      %dma_wait3A_718 = arith.constant 0 : i32
      %dma_wait3A_719 = tpu.memref_slice %run_scoped3A[%dma_wait3A_717, %dma_wait3A_718] : memref<256x128xi32, #tpu.memory_space<vmem>> -> memref<8x128xi32, #tpu.memory_space<vmem>>
      %dma_wait3A_720 = arith.constant 0 : i32
      %dma_wait3A_721 = arith.constant 128 : i32
      %dma_wait3A_722 = tpu.memref_slice %arg2[%select_n3A_188, %dma_wait3A_720, %dma_wait3A_721] : memref<513x16x513xi32, #tpu.memory_space<hbm>> -> memref<1x8x128xi32, #tpu.memory_space<hbm>>
      %dma_wait3A_723 = tpu.memref_squeeze %dma_wait3A_722 : memref<1x8x128xi32, #tpu.memory_space<hbm>> -> memref<8x128xi32, #tpu.memory_space<hbm>>
      tpu.wait_dma2 semaphore(%arg5 : memref<!tpu.dma_semaphore, #tpu.memory_space<semaphore_mem>>) src(%dma_wait3A_723 : memref<8x128xi32, #tpu.memory_space<hbm>>) dst(%dma_wait3A_719 : memref<8x128xi32, #tpu.memory_space<vmem>>)
      %dma_wait3A_724 = arith.constant 80 : i32
      %dma_wait3A_725 = arith.constant 0 : i32
      %dma_wait3A_726 = tpu.memref_slice %run_scoped3A[%dma_wait3A_724, %dma_wait3A_725] : memref<256x128xi32, #tpu.memory_space<vmem>> -> memref<8x128xi32, #tpu.memory_space<vmem>>
      %dma_wait3A_727 = arith.constant 0 : i32
      %dma_wait3A_728 = arith.constant 256 : i32
      %dma_wait3A_729 = tpu.memref_slice %arg2[%select_n3A_188, %dma_wait3A_727, %dma_wait3A_728] : memref<513x16x513xi32, #tpu.memory_space<hbm>> -> memref<1x8x128xi32, #tpu.memory_space<hbm>>
      %dma_wait3A_730 = tpu.memref_squeeze %dma_wait3A_729 : memref<1x8x128xi32, #tpu.memory_space<hbm>> -> memref<8x128xi32, #tpu.memory_space<hbm>>
      %dma_wait3A_731 = arith.constant 80 : i32
      %dma_wait3A_732 = arith.constant 0 : i32
      %dma_wait3A_733 = tpu.memref_slice %run_scoped3A[%dma_wait3A_731, %dma_wait3A_732] : memref<256x128xi32, #tpu.memory_space<vmem>> -> memref<8x128xi32, #tpu.memory_space<vmem>>
      %dma_wait3A_734 = arith.constant 0 : i32
      %dma_wait3A_735 = arith.constant 256 : i32
      %dma_wait3A_736 = tpu.memref_slice %arg2[%select_n3A_188, %dma_wait3A_734, %dma_wait3A_735] : memref<513x16x513xi32, #tpu.memory_space<hbm>> -> memref<1x8x128xi32, #tpu.memory_space<hbm>>
      %dma_wait3A_737 = tpu.memref_squeeze %dma_wait3A_736 : memref<1x8x128xi32, #tpu.memory_space<hbm>> -> memref<8x128xi32, #tpu.memory_space<hbm>>
      tpu.wait_dma2 semaphore(%arg5 : memref<!tpu.dma_semaphore, #tpu.memory_space<semaphore_mem>>) src(%dma_wait3A_737 : memref<8x128xi32, #tpu.memory_space<hbm>>) dst(%dma_wait3A_733 : memref<8x128xi32, #tpu.memory_space<vmem>>)
      %dma_wait3A_738 = arith.constant 88 : i32
      %dma_wait3A_739 = arith.constant 0 : i32
      %dma_wait3A_740 = tpu.memref_slice %run_scoped3A[%dma_wait3A_738, %dma_wait3A_739] : memref<256x128xi32, #tpu.memory_space<vmem>> -> memref<8x128xi32, #tpu.memory_space<vmem>>
      %dma_wait3A_741 = arith.constant 0 : i32
      %dma_wait3A_742 = arith.constant 384 : i32
      %dma_wait3A_743 = tpu.memref_slice %arg2[%select_n3A_188, %dma_wait3A_741, %dma_wait3A_742] : memref<513x16x513xi32, #tpu.memory_space<hbm>> -> memref<1x8x128xi32, #tpu.memory_space<hbm>>
      %dma_wait3A_744 = tpu.memref_squeeze %dma_wait3A_743 : memref<1x8x128xi32, #tpu.memory_space<hbm>> -> memref<8x128xi32, #tpu.memory_space<hbm>>
      %dma_wait3A_745 = arith.constant 88 : i32
      %dma_wait3A_746 = arith.constant 0 : i32
      %dma_wait3A_747 = tpu.memref_slice %run_scoped3A[%dma_wait3A_745, %dma_wait3A_746] : memref<256x128xi32, #tpu.memory_space<vmem>> -> memref<8x128xi32, #tpu.memory_space<vmem>>
      %dma_wait3A_748 = arith.constant 0 : i32
      %dma_wait3A_749 = arith.constant 384 : i32
      %dma_wait3A_750 = tpu.memref_slice %arg2[%select_n3A_188, %dma_wait3A_748, %dma_wait3A_749] : memref<513x16x513xi32, #tpu.memory_space<hbm>> -> memref<1x8x128xi32, #tpu.memory_space<hbm>>
      %dma_wait3A_751 = tpu.memref_squeeze %dma_wait3A_750 : memref<1x8x128xi32, #tpu.memory_space<hbm>> -> memref<8x128xi32, #tpu.memory_space<hbm>>
      tpu.wait_dma2 semaphore(%arg5 : memref<!tpu.dma_semaphore, #tpu.memory_space<semaphore_mem>>) src(%dma_wait3A_751 : memref<8x128xi32, #tpu.memory_space<hbm>>) dst(%dma_wait3A_747 : memref<8x128xi32, #tpu.memory_space<vmem>>)
      %dma_wait3A_752 = arith.constant 96 : i32
      %dma_wait3A_753 = arith.constant 0 : i32
      %dma_wait3A_754 = tpu.memref_slice %run_scoped3A[%dma_wait3A_752, %dma_wait3A_753] : memref<256x128xi32, #tpu.memory_space<vmem>> -> memref<8x128xi32, #tpu.memory_space<vmem>>
      %dma_wait3A_755 = arith.constant 8 : i32
      %dma_wait3A_756 = arith.constant 0 : i32
      %dma_wait3A_757 = tpu.memref_slice %arg2[%select_n3A_188, %dma_wait3A_755, %dma_wait3A_756] : memref<513x16x513xi32, #tpu.memory_space<hbm>> -> memref<1x8x128xi32, #tpu.memory_space<hbm>>
      %dma_wait3A_758 = tpu.memref_squeeze %dma_wait3A_757 : memref<1x8x128xi32, #tpu.memory_space<hbm>> -> memref<8x128xi32, #tpu.memory_space<hbm>>
      %dma_wait3A_759 = arith.constant 96 : i32
      %dma_wait3A_760 = arith.constant 0 : i32
      %dma_wait3A_761 = tpu.memref_slice %run_scoped3A[%dma_wait3A_759, %dma_wait3A_760] : memref<256x128xi32, #tpu.memory_space<vmem>> -> memref<8x128xi32, #tpu.memory_space<vmem>>
      %dma_wait3A_762 = arith.constant 8 : i32
      %dma_wait3A_763 = arith.constant 0 : i32
      %dma_wait3A_764 = tpu.memref_slice %arg2[%select_n3A_188, %dma_wait3A_762, %dma_wait3A_763] : memref<513x16x513xi32, #tpu.memory_space<hbm>> -> memref<1x8x128xi32, #tpu.memory_space<hbm>>
      %dma_wait3A_765 = tpu.memref_squeeze %dma_wait3A_764 : memref<1x8x128xi32, #tpu.memory_space<hbm>> -> memref<8x128xi32, #tpu.memory_space<hbm>>
      tpu.wait_dma2 semaphore(%arg5 : memref<!tpu.dma_semaphore, #tpu.memory_space<semaphore_mem>>) src(%dma_wait3A_765 : memref<8x128xi32, #tpu.memory_space<hbm>>) dst(%dma_wait3A_761 : memref<8x128xi32, #tpu.memory_space<vmem>>)
      %dma_wait3A_766 = arith.constant 104 : i32
      %dma_wait3A_767 = arith.constant 0 : i32
      %dma_wait3A_768 = tpu.memref_slice %run_scoped3A[%dma_wait3A_766, %dma_wait3A_767] : memref<256x128xi32, #tpu.memory_space<vmem>> -> memref<8x128xi32, #tpu.memory_space<vmem>>
      %dma_wait3A_769 = arith.constant 8 : i32
      %dma_wait3A_770 = arith.constant 128 : i32
      %dma_wait3A_771 = tpu.memref_slice %arg2[%select_n3A_188, %dma_wait3A_769, %dma_wait3A_770] : memref<513x16x513xi32, #tpu.memory_space<hbm>> -> memref<1x8x128xi32, #tpu.memory_space<hbm>>
      %dma_wait3A_772 = tpu.memref_squeeze %dma_wait3A_771 : memref<1x8x128xi32, #tpu.memory_space<hbm>> -> memref<8x128xi32, #tpu.memory_space<hbm>>
      %dma_wait3A_773 = arith.constant 104 : i32
      %dma_wait3A_774 = arith.constant 0 : i32
      %dma_wait3A_775 = tpu.memref_slice %run_scoped3A[%dma_wait3A_773, %dma_wait3A_774] : memref<256x128xi32, #tpu.memory_space<vmem>> -> memref<8x128xi32, #tpu.memory_space<vmem>>
      %dma_wait3A_776 = arith.constant 8 : i32
      %dma_wait3A_777 = arith.constant 128 : i32
      %dma_wait3A_778 = tpu.memref_slice %arg2[%select_n3A_188, %dma_wait3A_776, %dma_wait3A_777] : memref<513x16x513xi32, #tpu.memory_space<hbm>> -> memref<1x8x128xi32, #tpu.memory_space<hbm>>
      %dma_wait3A_779 = tpu.memref_squeeze %dma_wait3A_778 : memref<1x8x128xi32, #tpu.memory_space<hbm>> -> memref<8x128xi32, #tpu.memory_space<hbm>>
      tpu.wait_dma2 semaphore(%arg5 : memref<!tpu.dma_semaphore, #tpu.memory_space<semaphore_mem>>) src(%dma_wait3A_779 : memref<8x128xi32, #tpu.memory_space<hbm>>) dst(%dma_wait3A_775 : memref<8x128xi32, #tpu.memory_space<vmem>>)
      %dma_wait3A_780 = arith.constant 112 : i32
      %dma_wait3A_781 = arith.constant 0 : i32
      %dma_wait3A_782 = tpu.memref_slice %run_scoped3A[%dma_wait3A_780, %dma_wait3A_781] : memref<256x128xi32, #tpu.memory_space<vmem>> -> memref<8x128xi32, #tpu.memory_space<vmem>>
      %dma_wait3A_783 = arith.constant 8 : i32
      %dma_wait3A_784 = arith.constant 256 : i32
      %dma_wait3A_785 = tpu.memref_slice %arg2[%select_n3A_188, %dma_wait3A_783, %dma_wait3A_784] : memref<513x16x513xi32, #tpu.memory_space<hbm>> -> memref<1x8x128xi32, #tpu.memory_space<hbm>>
      %dma_wait3A_786 = tpu.memref_squeeze %dma_wait3A_785 : memref<1x8x128xi32, #tpu.memory_space<hbm>> -> memref<8x128xi32, #tpu.memory_space<hbm>>
      %dma_wait3A_787 = arith.constant 112 : i32
      %dma_wait3A_788 = arith.constant 0 : i32
      %dma_wait3A_789 = tpu.memref_slice %run_scoped3A[%dma_wait3A_787, %dma_wait3A_788] : memref<256x128xi32, #tpu.memory_space<vmem>> -> memref<8x128xi32, #tpu.memory_space<vmem>>
      %dma_wait3A_790 = arith.constant 8 : i32
      %dma_wait3A_791 = arith.constant 256 : i32
      %dma_wait3A_792 = tpu.memref_slice %arg2[%select_n3A_188, %dma_wait3A_790, %dma_wait3A_791] : memref<513x16x513xi32, #tpu.memory_space<hbm>> -> memref<1x8x128xi32, #tpu.memory_space<hbm>>
      %dma_wait3A_793 = tpu.memref_squeeze %dma_wait3A_792 : memref<1x8x128xi32, #tpu.memory_space<hbm>> -> memref<8x128xi32, #tpu.memory_space<hbm>>
      tpu.wait_dma2 semaphore(%arg5 : memref<!tpu.dma_semaphore, #tpu.memory_space<semaphore_mem>>) src(%dma_wait3A_793 : memref<8x128xi32, #tpu.memory_space<hbm>>) dst(%dma_wait3A_789 : memref<8x128xi32, #tpu.memory_space<vmem>>)
      %dma_wait3A_794 = arith.constant 120 : i32
      %dma_wait3A_795 = arith.constant 0 : i32
      %dma_wait3A_796 = tpu.memref_slice %run_scoped3A[%dma_wait3A_794, %dma_wait3A_795] : memref<256x128xi32, #tpu.memory_space<vmem>> -> memref<8x128xi32, #tpu.memory_space<vmem>>
      %dma_wait3A_797 = arith.constant 8 : i32
      %dma_wait3A_798 = arith.constant 384 : i32
      %dma_wait3A_799 = tpu.memref_slice %arg2[%select_n3A_188, %dma_wait3A_797, %dma_wait3A_798] : memref<513x16x513xi32, #tpu.memory_space<hbm>> -> memref<1x8x128xi32, #tpu.memory_space<hbm>>
      %dma_wait3A_800 = tpu.memref_squeeze %dma_wait3A_799 : memref<1x8x128xi32, #tpu.memory_space<hbm>> -> memref<8x128xi32, #tpu.memory_space<hbm>>
      %dma_wait3A_801 = arith.constant 120 : i32
      %dma_wait3A_802 = arith.constant 0 : i32
      %dma_wait3A_803 = tpu.memref_slice %run_scoped3A[%dma_wait3A_801, %dma_wait3A_802] : memref<256x128xi32, #tpu.memory_space<vmem>> -> memref<8x128xi32, #tpu.memory_space<vmem>>
      %dma_wait3A_804 = arith.constant 8 : i32
      %dma_wait3A_805 = arith.constant 384 : i32
      %dma_wait3A_806 = tpu.memref_slice %arg2[%select_n3A_188, %dma_wait3A_804, %dma_wait3A_805] : memref<513x16x513xi32, #tpu.memory_space<hbm>> -> memref<1x8x128xi32, #tpu.memory_space<hbm>>
      %dma_wait3A_807 = tpu.memref_squeeze %dma_wait3A_806 : memref<1x8x128xi32, #tpu.memory_space<hbm>> -> memref<8x128xi32, #tpu.memory_space<hbm>>
      tpu.wait_dma2 semaphore(%arg5 : memref<!tpu.dma_semaphore, #tpu.memory_space<semaphore_mem>>) src(%dma_wait3A_807 : memref<8x128xi32, #tpu.memory_space<hbm>>) dst(%dma_wait3A_803 : memref<8x128xi32, #tpu.memory_space<vmem>>)
      %dma_wait3A_808 = arith.constant 128 : i32
      %dma_wait3A_809 = arith.constant 0 : i32
      %dma_wait3A_810 = tpu.memref_slice %run_scoped3A[%dma_wait3A_808, %dma_wait3A_809] : memref<256x128xi32, #tpu.memory_space<vmem>> -> memref<8x128xi32, #tpu.memory_space<vmem>>
      %dma_wait3A_811 = arith.constant 0 : i32
      %dma_wait3A_812 = arith.constant 0 : i32
      %dma_wait3A_813 = tpu.memref_slice %arg2[%select_n3A_330, %dma_wait3A_811, %dma_wait3A_812] : memref<513x16x513xi32, #tpu.memory_space<hbm>> -> memref<1x8x128xi32, #tpu.memory_space<hbm>>
      %dma_wait3A_814 = tpu.memref_squeeze %dma_wait3A_813 : memref<1x8x128xi32, #tpu.memory_space<hbm>> -> memref<8x128xi32, #tpu.memory_space<hbm>>
      %dma_wait3A_815 = arith.constant 128 : i32
      %dma_wait3A_816 = arith.constant 0 : i32
      %dma_wait3A_817 = tpu.memref_slice %run_scoped3A[%dma_wait3A_815, %dma_wait3A_816] : memref<256x128xi32, #tpu.memory_space<vmem>> -> memref<8x128xi32, #tpu.memory_space<vmem>>
      %dma_wait3A_818 = arith.constant 0 : i32
      %dma_wait3A_819 = arith.constant 0 : i32
      %dma_wait3A_820 = tpu.memref_slice %arg2[%select_n3A_330, %dma_wait3A_818, %dma_wait3A_819] : memref<513x16x513xi32, #tpu.memory_space<hbm>> -> memref<1x8x128xi32, #tpu.memory_space<hbm>>
      %dma_wait3A_821 = tpu.memref_squeeze %dma_wait3A_820 : memref<1x8x128xi32, #tpu.memory_space<hbm>> -> memref<8x128xi32, #tpu.memory_space<hbm>>
      tpu.wait_dma2 semaphore(%arg5 : memref<!tpu.dma_semaphore, #tpu.memory_space<semaphore_mem>>) src(%dma_wait3A_821 : memref<8x128xi32, #tpu.memory_space<hbm>>) dst(%dma_wait3A_817 : memref<8x128xi32, #tpu.memory_space<vmem>>)
      %dma_wait3A_822 = arith.constant 136 : i32
      %dma_wait3A_823 = arith.constant 0 : i32
      %dma_wait3A_824 = tpu.memref_slice %run_scoped3A[%dma_wait3A_822, %dma_wait3A_823] : memref<256x128xi32, #tpu.memory_space<vmem>> -> memref<8x128xi32, #tpu.memory_space<vmem>>
      %dma_wait3A_825 = arith.constant 0 : i32
      %dma_wait3A_826 = arith.constant 128 : i32
      %dma_wait3A_827 = tpu.memref_slice %arg2[%select_n3A_330, %dma_wait3A_825, %dma_wait3A_826] : memref<513x16x513xi32, #tpu.memory_space<hbm>> -> memref<1x8x128xi32, #tpu.memory_space<hbm>>
      %dma_wait3A_828 = tpu.memref_squeeze %dma_wait3A_827 : memref<1x8x128xi32, #tpu.memory_space<hbm>> -> memref<8x128xi32, #tpu.memory_space<hbm>>
      %dma_wait3A_829 = arith.constant 136 : i32
      %dma_wait3A_830 = arith.constant 0 : i32
      %dma_wait3A_831 = tpu.memref_slice %run_scoped3A[%dma_wait3A_829, %dma_wait3A_830] : memref<256x128xi32, #tpu.memory_space<vmem>> -> memref<8x128xi32, #tpu.memory_space<vmem>>
      %dma_wait3A_832 = arith.constant 0 : i32
      %dma_wait3A_833 = arith.constant 128 : i32
      %dma_wait3A_834 = tpu.memref_slice %arg2[%select_n3A_330, %dma_wait3A_832, %dma_wait3A_833] : memref<513x16x513xi32, #tpu.memory_space<hbm>> -> memref<1x8x128xi32, #tpu.memory_space<hbm>>
      %dma_wait3A_835 = tpu.memref_squeeze %dma_wait3A_834 : memref<1x8x128xi32, #tpu.memory_space<hbm>> -> memref<8x128xi32, #tpu.memory_space<hbm>>
      tpu.wait_dma2 semaphore(%arg5 : memref<!tpu.dma_semaphore, #tpu.memory_space<semaphore_mem>>) src(%dma_wait3A_835 : memref<8x128xi32, #tpu.memory_space<hbm>>) dst(%dma_wait3A_831 : memref<8x128xi32, #tpu.memory_space<vmem>>)
      %dma_wait3A_836 = arith.constant 144 : i32
      %dma_wait3A_837 = arith.constant 0 : i32
      %dma_wait3A_838 = tpu.memref_slice %run_scoped3A[%dma_wait3A_836, %dma_wait3A_837] : memref<256x128xi32, #tpu.memory_space<vmem>> -> memref<8x128xi32, #tpu.memory_space<vmem>>
      %dma_wait3A_839 = arith.constant 0 : i32
      %dma_wait3A_840 = arith.constant 256 : i32
      %dma_wait3A_841 = tpu.memref_slice %arg2[%select_n3A_330, %dma_wait3A_839, %dma_wait3A_840] : memref<513x16x513xi32, #tpu.memory_space<hbm>> -> memref<1x8x128xi32, #tpu.memory_space<hbm>>
      %dma_wait3A_842 = tpu.memref_squeeze %dma_wait3A_841 : memref<1x8x128xi32, #tpu.memory_space<hbm>> -> memref<8x128xi32, #tpu.memory_space<hbm>>
      %dma_wait3A_843 = arith.constant 144 : i32
      %dma_wait3A_844 = arith.constant 0 : i32
      %dma_wait3A_845 = tpu.memref_slice %run_scoped3A[%dma_wait3A_843, %dma_wait3A_844] : memref<256x128xi32, #tpu.memory_space<vmem>> -> memref<8x128xi32, #tpu.memory_space<vmem>>
      %dma_wait3A_846 = arith.constant 0 : i32
      %dma_wait3A_847 = arith.constant 256 : i32
      %dma_wait3A_848 = tpu.memref_slice %arg2[%select_n3A_330, %dma_wait3A_846, %dma_wait3A_847] : memref<513x16x513xi32, #tpu.memory_space<hbm>> -> memref<1x8x128xi32, #tpu.memory_space<hbm>>
      %dma_wait3A_849 = tpu.memref_squeeze %dma_wait3A_848 : memref<1x8x128xi32, #tpu.memory_space<hbm>> -> memref<8x128xi32, #tpu.memory_space<hbm>>
      tpu.wait_dma2 semaphore(%arg5 : memref<!tpu.dma_semaphore, #tpu.memory_space<semaphore_mem>>) src(%dma_wait3A_849 : memref<8x128xi32, #tpu.memory_space<hbm>>) dst(%dma_wait3A_845 : memref<8x128xi32, #tpu.memory_space<vmem>>)
      %dma_wait3A_850 = arith.constant 152 : i32
      %dma_wait3A_851 = arith.constant 0 : i32
      %dma_wait3A_852 = tpu.memref_slice %run_scoped3A[%dma_wait3A_850, %dma_wait3A_851] : memref<256x128xi32, #tpu.memory_space<vmem>> -> memref<8x128xi32, #tpu.memory_space<vmem>>
      %dma_wait3A_853 = arith.constant 0 : i32
      %dma_wait3A_854 = arith.constant 384 : i32
      %dma_wait3A_855 = tpu.memref_slice %arg2[%select_n3A_330, %dma_wait3A_853, %dma_wait3A_854] : memref<513x16x513xi32, #tpu.memory_space<hbm>> -> memref<1x8x128xi32, #tpu.memory_space<hbm>>
      %dma_wait3A_856 = tpu.memref_squeeze %dma_wait3A_855 : memref<1x8x128xi32, #tpu.memory_space<hbm>> -> memref<8x128xi32, #tpu.memory_space<hbm>>
      %dma_wait3A_857 = arith.constant 152 : i32
      %dma_wait3A_858 = arith.constant 0 : i32
      %dma_wait3A_859 = tpu.memref_slice %run_scoped3A[%dma_wait3A_857, %dma_wait3A_858] : memref<256x128xi32, #tpu.memory_space<vmem>> -> memref<8x128xi32, #tpu.memory_space<vmem>>
      %dma_wait3A_860 = arith.constant 0 : i32
      %dma_wait3A_861 = arith.constant 384 : i32
      %dma_wait3A_862 = tpu.memref_slice %arg2[%select_n3A_330, %dma_wait3A_860, %dma_wait3A_861] : memref<513x16x513xi32, #tpu.memory_space<hbm>> -> memref<1x8x128xi32, #tpu.memory_space<hbm>>
      %dma_wait3A_863 = tpu.memref_squeeze %dma_wait3A_862 : memref<1x8x128xi32, #tpu.memory_space<hbm>> -> memref<8x128xi32, #tpu.memory_space<hbm>>
      tpu.wait_dma2 semaphore(%arg5 : memref<!tpu.dma_semaphore, #tpu.memory_space<semaphore_mem>>) src(%dma_wait3A_863 : memref<8x128xi32, #tpu.memory_space<hbm>>) dst(%dma_wait3A_859 : memref<8x128xi32, #tpu.memory_space<vmem>>)
      %dma_wait3A_864 = arith.constant 160 : i32
      %dma_wait3A_865 = arith.constant 0 : i32
      %dma_wait3A_866 = tpu.memref_slice %run_scoped3A[%dma_wait3A_864, %dma_wait3A_865] : memref<256x128xi32, #tpu.memory_space<vmem>> -> memref<8x128xi32, #tpu.memory_space<vmem>>
      %dma_wait3A_867 = arith.constant 8 : i32
      %dma_wait3A_868 = arith.constant 0 : i32
      %dma_wait3A_869 = tpu.memref_slice %arg2[%select_n3A_330, %dma_wait3A_867, %dma_wait3A_868] : memref<513x16x513xi32, #tpu.memory_space<hbm>> -> memref<1x8x128xi32, #tpu.memory_space<hbm>>
      %dma_wait3A_870 = tpu.memref_squeeze %dma_wait3A_869 : memref<1x8x128xi32, #tpu.memory_space<hbm>> -> memref<8x128xi32, #tpu.memory_space<hbm>>
      %dma_wait3A_871 = arith.constant 160 : i32
      %dma_wait3A_872 = arith.constant 0 : i32
      %dma_wait3A_873 = tpu.memref_slice %run_scoped3A[%dma_wait3A_871, %dma_wait3A_872] : memref<256x128xi32, #tpu.memory_space<vmem>> -> memref<8x128xi32, #tpu.memory_space<vmem>>
      %dma_wait3A_874 = arith.constant 8 : i32
      %dma_wait3A_875 = arith.constant 0 : i32
      %dma_wait3A_876 = tpu.memref_slice %arg2[%select_n3A_330, %dma_wait3A_874, %dma_wait3A_875] : memref<513x16x513xi32, #tpu.memory_space<hbm>> -> memref<1x8x128xi32, #tpu.memory_space<hbm>>
      %dma_wait3A_877 = tpu.memref_squeeze %dma_wait3A_876 : memref<1x8x128xi32, #tpu.memory_space<hbm>> -> memref<8x128xi32, #tpu.memory_space<hbm>>
      tpu.wait_dma2 semaphore(%arg5 : memref<!tpu.dma_semaphore, #tpu.memory_space<semaphore_mem>>) src(%dma_wait3A_877 : memref<8x128xi32, #tpu.memory_space<hbm>>) dst(%dma_wait3A_873 : memref<8x128xi32, #tpu.memory_space<vmem>>)
      %dma_wait3A_878 = arith.constant 168 : i32
      %dma_wait3A_879 = arith.constant 0 : i32
      %dma_wait3A_880 = tpu.memref_slice %run_scoped3A[%dma_wait3A_878, %dma_wait3A_879] : memref<256x128xi32, #tpu.memory_space<vmem>> -> memref<8x128xi32, #tpu.memory_space<vmem>>
      %dma_wait3A_881 = arith.constant 8 : i32
      %dma_wait3A_882 = arith.constant 128 : i32
      %dma_wait3A_883 = tpu.memref_slice %arg2[%select_n3A_330, %dma_wait3A_881, %dma_wait3A_882] : memref<513x16x513xi32, #tpu.memory_space<hbm>> -> memref<1x8x128xi32, #tpu.memory_space<hbm>>
      %dma_wait3A_884 = tpu.memref_squeeze %dma_wait3A_883 : memref<1x8x128xi32, #tpu.memory_space<hbm>> -> memref<8x128xi32, #tpu.memory_space<hbm>>
      %dma_wait3A_885 = arith.constant 168 : i32
      %dma_wait3A_886 = arith.constant 0 : i32
      %dma_wait3A_887 = tpu.memref_slice %run_scoped3A[%dma_wait3A_885, %dma_wait3A_886] : memref<256x128xi32, #tpu.memory_space<vmem>> -> memref<8x128xi32, #tpu.memory_space<vmem>>
      %dma_wait3A_888 = arith.constant 8 : i32
      %dma_wait3A_889 = arith.constant 128 : i32
      %dma_wait3A_890 = tpu.memref_slice %arg2[%select_n3A_330, %dma_wait3A_888, %dma_wait3A_889] : memref<513x16x513xi32, #tpu.memory_space<hbm>> -> memref<1x8x128xi32, #tpu.memory_space<hbm>>
      %dma_wait3A_891 = tpu.memref_squeeze %dma_wait3A_890 : memref<1x8x128xi32, #tpu.memory_space<hbm>> -> memref<8x128xi32, #tpu.memory_space<hbm>>
      tpu.wait_dma2 semaphore(%arg5 : memref<!tpu.dma_semaphore, #tpu.memory_space<semaphore_mem>>) src(%dma_wait3A_891 : memref<8x128xi32, #tpu.memory_space<hbm>>) dst(%dma_wait3A_887 : memref<8x128xi32, #tpu.memory_space<vmem>>)
      %dma_wait3A_892 = arith.constant 176 : i32
      %dma_wait3A_893 = arith.constant 0 : i32
      %dma_wait3A_894 = tpu.memref_slice %run_scoped3A[%dma_wait3A_892, %dma_wait3A_893] : memref<256x128xi32, #tpu.memory_space<vmem>> -> memref<8x128xi32, #tpu.memory_space<vmem>>
      %dma_wait3A_895 = arith.constant 8 : i32
      %dma_wait3A_896 = arith.constant 256 : i32
      %dma_wait3A_897 = tpu.memref_slice %arg2[%select_n3A_330, %dma_wait3A_895, %dma_wait3A_896] : memref<513x16x513xi32, #tpu.memory_space<hbm>> -> memref<1x8x128xi32, #tpu.memory_space<hbm>>
      %dma_wait3A_898 = tpu.memref_squeeze %dma_wait3A_897 : memref<1x8x128xi32, #tpu.memory_space<hbm>> -> memref<8x128xi32, #tpu.memory_space<hbm>>
      %dma_wait3A_899 = arith.constant 176 : i32
      %dma_wait3A_900 = arith.constant 0 : i32
      %dma_wait3A_901 = tpu.memref_slice %run_scoped3A[%dma_wait3A_899, %dma_wait3A_900] : memref<256x128xi32, #tpu.memory_space<vmem>> -> memref<8x128xi32, #tpu.memory_space<vmem>>
      %dma_wait3A_902 = arith.constant 8 : i32
      %dma_wait3A_903 = arith.constant 256 : i32
      %dma_wait3A_904 = tpu.memref_slice %arg2[%select_n3A_330, %dma_wait3A_902, %dma_wait3A_903] : memref<513x16x513xi32, #tpu.memory_space<hbm>> -> memref<1x8x128xi32, #tpu.memory_space<hbm>>
      %dma_wait3A_905 = tpu.memref_squeeze %dma_wait3A_904 : memref<1x8x128xi32, #tpu.memory_space<hbm>> -> memref<8x128xi32, #tpu.memory_space<hbm>>
      tpu.wait_dma2 semaphore(%arg5 : memref<!tpu.dma_semaphore, #tpu.memory_space<semaphore_mem>>) src(%dma_wait3A_905 : memref<8x128xi32, #tpu.memory_space<hbm>>) dst(%dma_wait3A_901 : memref<8x128xi32, #tpu.memory_space<vmem>>)
      %dma_wait3A_906 = arith.constant 184 : i32
      %dma_wait3A_907 = arith.constant 0 : i32
      %dma_wait3A_908 = tpu.memref_slice %run_scoped3A[%dma_wait3A_906, %dma_wait3A_907] : memref<256x128xi32, #tpu.memory_space<vmem>> -> memref<8x128xi32, #tpu.memory_space<vmem>>
      %dma_wait3A_909 = arith.constant 8 : i32
      %dma_wait3A_910 = arith.constant 384 : i32
      %dma_wait3A_911 = tpu.memref_slice %arg2[%select_n3A_330, %dma_wait3A_909, %dma_wait3A_910] : memref<513x16x513xi32, #tpu.memory_space<hbm>> -> memref<1x8x128xi32, #tpu.memory_space<hbm>>
      %dma_wait3A_912 = tpu.memref_squeeze %dma_wait3A_911 : memref<1x8x128xi32, #tpu.memory_space<hbm>> -> memref<8x128xi32, #tpu.memory_space<hbm>>
      %dma_wait3A_913 = arith.constant 184 : i32
      %dma_wait3A_914 = arith.constant 0 : i32
      %dma_wait3A_915 = tpu.memref_slice %run_scoped3A[%dma_wait3A_913, %dma_wait3A_914] : memref<256x128xi32, #tpu.memory_space<vmem>> -> memref<8x128xi32, #tpu.memory_space<vmem>>
      %dma_wait3A_916 = arith.constant 8 : i32
      %dma_wait3A_917 = arith.constant 384 : i32
      %dma_wait3A_918 = tpu.memref_slice %arg2[%select_n3A_330, %dma_wait3A_916, %dma_wait3A_917] : memref<513x16x513xi32, #tpu.memory_space<hbm>> -> memref<1x8x128xi32, #tpu.memory_space<hbm>>
      %dma_wait3A_919 = tpu.memref_squeeze %dma_wait3A_918 : memref<1x8x128xi32, #tpu.memory_space<hbm>> -> memref<8x128xi32, #tpu.memory_space<hbm>>
      tpu.wait_dma2 semaphore(%arg5 : memref<!tpu.dma_semaphore, #tpu.memory_space<semaphore_mem>>) src(%dma_wait3A_919 : memref<8x128xi32, #tpu.memory_space<hbm>>) dst(%dma_wait3A_915 : memref<8x128xi32, #tpu.memory_space<vmem>>)
      %dma_wait3A_920 = arith.constant 192 : i32
      %dma_wait3A_921 = arith.constant 0 : i32
      %dma_wait3A_922 = tpu.memref_slice %run_scoped3A[%dma_wait3A_920, %dma_wait3A_921] : memref<256x128xi32, #tpu.memory_space<vmem>> -> memref<8x128xi32, #tpu.memory_space<vmem>>
      %dma_wait3A_923 = arith.constant 0 : i32
      %dma_wait3A_924 = arith.constant 0 : i32
      %dma_wait3A_925 = tpu.memref_slice %arg2[%select_n3A_472, %dma_wait3A_923, %dma_wait3A_924] : memref<513x16x513xi32, #tpu.memory_space<hbm>> -> memref<1x8x128xi32, #tpu.memory_space<hbm>>
      %dma_wait3A_926 = tpu.memref_squeeze %dma_wait3A_925 : memref<1x8x128xi32, #tpu.memory_space<hbm>> -> memref<8x128xi32, #tpu.memory_space<hbm>>
      %dma_wait3A_927 = arith.constant 192 : i32
      %dma_wait3A_928 = arith.constant 0 : i32
      %dma_wait3A_929 = tpu.memref_slice %run_scoped3A[%dma_wait3A_927, %dma_wait3A_928] : memref<256x128xi32, #tpu.memory_space<vmem>> -> memref<8x128xi32, #tpu.memory_space<vmem>>
      %dma_wait3A_930 = arith.constant 0 : i32
      %dma_wait3A_931 = arith.constant 0 : i32
      %dma_wait3A_932 = tpu.memref_slice %arg2[%select_n3A_472, %dma_wait3A_930, %dma_wait3A_931] : memref<513x16x513xi32, #tpu.memory_space<hbm>> -> memref<1x8x128xi32, #tpu.memory_space<hbm>>
      %dma_wait3A_933 = tpu.memref_squeeze %dma_wait3A_932 : memref<1x8x128xi32, #tpu.memory_space<hbm>> -> memref<8x128xi32, #tpu.memory_space<hbm>>
      tpu.wait_dma2 semaphore(%arg5 : memref<!tpu.dma_semaphore, #tpu.memory_space<semaphore_mem>>) src(%dma_wait3A_933 : memref<8x128xi32, #tpu.memory_space<hbm>>) dst(%dma_wait3A_929 : memref<8x128xi32, #tpu.memory_space<vmem>>)
      %dma_wait3A_934 = arith.constant 200 : i32
      %dma_wait3A_935 = arith.constant 0 : i32
      %dma_wait3A_936 = tpu.memref_slice %run_scoped3A[%dma_wait3A_934, %dma_wait3A_935] : memref<256x128xi32, #tpu.memory_space<vmem>> -> memref<8x128xi32, #tpu.memory_space<vmem>>
      %dma_wait3A_937 = arith.constant 0 : i32
      %dma_wait3A_938 = arith.constant 128 : i32
      %dma_wait3A_939 = tpu.memref_slice %arg2[%select_n3A_472, %dma_wait3A_937, %dma_wait3A_938] : memref<513x16x513xi32, #tpu.memory_space<hbm>> -> memref<1x8x128xi32, #tpu.memory_space<hbm>>
      %dma_wait3A_940 = tpu.memref_squeeze %dma_wait3A_939 : memref<1x8x128xi32, #tpu.memory_space<hbm>> -> memref<8x128xi32, #tpu.memory_space<hbm>>
      %dma_wait3A_941 = arith.constant 200 : i32
      %dma_wait3A_942 = arith.constant 0 : i32
      %dma_wait3A_943 = tpu.memref_slice %run_scoped3A[%dma_wait3A_941, %dma_wait3A_942] : memref<256x128xi32, #tpu.memory_space<vmem>> -> memref<8x128xi32, #tpu.memory_space<vmem>>
      %dma_wait3A_944 = arith.constant 0 : i32
      %dma_wait3A_945 = arith.constant 128 : i32
      %dma_wait3A_946 = tpu.memref_slice %arg2[%select_n3A_472, %dma_wait3A_944, %dma_wait3A_945] : memref<513x16x513xi32, #tpu.memory_space<hbm>> -> memref<1x8x128xi32, #tpu.memory_space<hbm>>
      %dma_wait3A_947 = tpu.memref_squeeze %dma_wait3A_946 : memref<1x8x128xi32, #tpu.memory_space<hbm>> -> memref<8x128xi32, #tpu.memory_space<hbm>>
      tpu.wait_dma2 semaphore(%arg5 : memref<!tpu.dma_semaphore, #tpu.memory_space<semaphore_mem>>) src(%dma_wait3A_947 : memref<8x128xi32, #tpu.memory_space<hbm>>) dst(%dma_wait3A_943 : memref<8x128xi32, #tpu.memory_space<vmem>>)
      %dma_wait3A_948 = arith.constant 208 : i32
      %dma_wait3A_949 = arith.constant 0 : i32
      %dma_wait3A_950 = tpu.memref_slice %run_scoped3A[%dma_wait3A_948, %dma_wait3A_949] : memref<256x128xi32, #tpu.memory_space<vmem>> -> memref<8x128xi32, #tpu.memory_space<vmem>>
      %dma_wait3A_951 = arith.constant 0 : i32
      %dma_wait3A_952 = arith.constant 256 : i32
      %dma_wait3A_953 = tpu.memref_slice %arg2[%select_n3A_472, %dma_wait3A_951, %dma_wait3A_952] : memref<513x16x513xi32, #tpu.memory_space<hbm>> -> memref<1x8x128xi32, #tpu.memory_space<hbm>>
      %dma_wait3A_954 = tpu.memref_squeeze %dma_wait3A_953 : memref<1x8x128xi32, #tpu.memory_space<hbm>> -> memref<8x128xi32, #tpu.memory_space<hbm>>
      %dma_wait3A_955 = arith.constant 208 : i32
      %dma_wait3A_956 = arith.constant 0 : i32
      %dma_wait3A_957 = tpu.memref_slice %run_scoped3A[%dma_wait3A_955, %dma_wait3A_956] : memref<256x128xi32, #tpu.memory_space<vmem>> -> memref<8x128xi32, #tpu.memory_space<vmem>>
      %dma_wait3A_958 = arith.constant 0 : i32
      %dma_wait3A_959 = arith.constant 256 : i32
      %dma_wait3A_960 = tpu.memref_slice %arg2[%select_n3A_472, %dma_wait3A_958, %dma_wait3A_959] : memref<513x16x513xi32, #tpu.memory_space<hbm>> -> memref<1x8x128xi32, #tpu.memory_space<hbm>>
      %dma_wait3A_961 = tpu.memref_squeeze %dma_wait3A_960 : memref<1x8x128xi32, #tpu.memory_space<hbm>> -> memref<8x128xi32, #tpu.memory_space<hbm>>
      tpu.wait_dma2 semaphore(%arg5 : memref<!tpu.dma_semaphore, #tpu.memory_space<semaphore_mem>>) src(%dma_wait3A_961 : memref<8x128xi32, #tpu.memory_space<hbm>>) dst(%dma_wait3A_957 : memref<8x128xi32, #tpu.memory_space<vmem>>)
      %dma_wait3A_962 = arith.constant 216 : i32
      %dma_wait3A_963 = arith.constant 0 : i32
      %dma_wait3A_964 = tpu.memref_slice %run_scoped3A[%dma_wait3A_962, %dma_wait3A_963] : memref<256x128xi32, #tpu.memory_space<vmem>> -> memref<8x128xi32, #tpu.memory_space<vmem>>
      %dma_wait3A_965 = arith.constant 0 : i32
      %dma_wait3A_966 = arith.constant 384 : i32
      %dma_wait3A_967 = tpu.memref_slice %arg2[%select_n3A_472, %dma_wait3A_965, %dma_wait3A_966] : memref<513x16x513xi32, #tpu.memory_space<hbm>> -> memref<1x8x128xi32, #tpu.memory_space<hbm>>
      %dma_wait3A_968 = tpu.memref_squeeze %dma_wait3A_967 : memref<1x8x128xi32, #tpu.memory_space<hbm>> -> memref<8x128xi32, #tpu.memory_space<hbm>>
      %dma_wait3A_969 = arith.constant 216 : i32
      %dma_wait3A_970 = arith.constant 0 : i32
      %dma_wait3A_971 = tpu.memref_slice %run_scoped3A[%dma_wait3A_969, %dma_wait3A_970] : memref<256x128xi32, #tpu.memory_space<vmem>> -> memref<8x128xi32, #tpu.memory_space<vmem>>
      %dma_wait3A_972 = arith.constant 0 : i32
      %dma_wait3A_973 = arith.constant 384 : i32
      %dma_wait3A_974 = tpu.memref_slice %arg2[%select_n3A_472, %dma_wait3A_972, %dma_wait3A_973] : memref<513x16x513xi32, #tpu.memory_space<hbm>> -> memref<1x8x128xi32, #tpu.memory_space<hbm>>
      %dma_wait3A_975 = tpu.memref_squeeze %dma_wait3A_974 : memref<1x8x128xi32, #tpu.memory_space<hbm>> -> memref<8x128xi32, #tpu.memory_space<hbm>>
      tpu.wait_dma2 semaphore(%arg5 : memref<!tpu.dma_semaphore, #tpu.memory_space<semaphore_mem>>) src(%dma_wait3A_975 : memref<8x128xi32, #tpu.memory_space<hbm>>) dst(%dma_wait3A_971 : memref<8x128xi32, #tpu.memory_space<vmem>>)
      %dma_wait3A_976 = arith.constant 224 : i32
      %dma_wait3A_977 = arith.constant 0 : i32
      %dma_wait3A_978 = tpu.memref_slice %run_scoped3A[%dma_wait3A_976, %dma_wait3A_977] : memref<256x128xi32, #tpu.memory_space<vmem>> -> memref<8x128xi32, #tpu.memory_space<vmem>>
      %dma_wait3A_979 = arith.constant 8 : i32
      %dma_wait3A_980 = arith.constant 0 : i32
      %dma_wait3A_981 = tpu.memref_slice %arg2[%select_n3A_472, %dma_wait3A_979, %dma_wait3A_980] : memref<513x16x513xi32, #tpu.memory_space<hbm>> -> memref<1x8x128xi32, #tpu.memory_space<hbm>>
      %dma_wait3A_982 = tpu.memref_squeeze %dma_wait3A_981 : memref<1x8x128xi32, #tpu.memory_space<hbm>> -> memref<8x128xi32, #tpu.memory_space<hbm>>
      %dma_wait3A_983 = arith.constant 224 : i32
      %dma_wait3A_984 = arith.constant 0 : i32
      %dma_wait3A_985 = tpu.memref_slice %run_scoped3A[%dma_wait3A_983, %dma_wait3A_984] : memref<256x128xi32, #tpu.memory_space<vmem>> -> memref<8x128xi32, #tpu.memory_space<vmem>>
      %dma_wait3A_986 = arith.constant 8 : i32
      %dma_wait3A_987 = arith.constant 0 : i32
      %dma_wait3A_988 = tpu.memref_slice %arg2[%select_n3A_472, %dma_wait3A_986, %dma_wait3A_987] : memref<513x16x513xi32, #tpu.memory_space<hbm>> -> memref<1x8x128xi32, #tpu.memory_space<hbm>>
      %dma_wait3A_989 = tpu.memref_squeeze %dma_wait3A_988 : memref<1x8x128xi32, #tpu.memory_space<hbm>> -> memref<8x128xi32, #tpu.memory_space<hbm>>
      tpu.wait_dma2 semaphore(%arg5 : memref<!tpu.dma_semaphore, #tpu.memory_space<semaphore_mem>>) src(%dma_wait3A_989 : memref<8x128xi32, #tpu.memory_space<hbm>>) dst(%dma_wait3A_985 : memref<8x128xi32, #tpu.memory_space<vmem>>)
      %dma_wait3A_990 = arith.constant 232 : i32
      %dma_wait3A_991 = arith.constant 0 : i32
      %dma_wait3A_992 = tpu.memref_slice %run_scoped3A[%dma_wait3A_990, %dma_wait3A_991] : memref<256x128xi32, #tpu.memory_space<vmem>> -> memref<8x128xi32, #tpu.memory_space<vmem>>
      %dma_wait3A_993 = arith.constant 8 : i32
      %dma_wait3A_994 = arith.constant 128 : i32
      %dma_wait3A_995 = tpu.memref_slice %arg2[%select_n3A_472, %dma_wait3A_993, %dma_wait3A_994] : memref<513x16x513xi32, #tpu.memory_space<hbm>> -> memref<1x8x128xi32, #tpu.memory_space<hbm>>
      %dma_wait3A_996 = tpu.memref_squeeze %dma_wait3A_995 : memref<1x8x128xi32, #tpu.memory_space<hbm>> -> memref<8x128xi32, #tpu.memory_space<hbm>>
      %dma_wait3A_997 = arith.constant 232 : i32
      %dma_wait3A_998 = arith.constant 0 : i32
      %dma_wait3A_999 = tpu.memref_slice %run_scoped3A[%dma_wait3A_997, %dma_wait3A_998] : memref<256x128xi32, #tpu.memory_space<vmem>> -> memref<8x128xi32, #tpu.memory_space<vmem>>
      %dma_wait3A_1000 = arith.constant 8 : i32
      %dma_wait3A_1001 = arith.constant 128 : i32
      %dma_wait3A_1002 = tpu.memref_slice %arg2[%select_n3A_472, %dma_wait3A_1000, %dma_wait3A_1001] : memref<513x16x513xi32, #tpu.memory_space<hbm>> -> memref<1x8x128xi32, #tpu.memory_space<hbm>>
      %dma_wait3A_1003 = tpu.memref_squeeze %dma_wait3A_1002 : memref<1x8x128xi32, #tpu.memory_space<hbm>> -> memref<8x128xi32, #tpu.memory_space<hbm>>
      tpu.wait_dma2 semaphore(%arg5 : memref<!tpu.dma_semaphore, #tpu.memory_space<semaphore_mem>>) src(%dma_wait3A_1003 : memref<8x128xi32, #tpu.memory_space<hbm>>) dst(%dma_wait3A_999 : memref<8x128xi32, #tpu.memory_space<vmem>>)
      %dma_wait3A_1004 = arith.constant 240 : i32
      %dma_wait3A_1005 = arith.constant 0 : i32
      %dma_wait3A_1006 = tpu.memref_slice %run_scoped3A[%dma_wait3A_1004, %dma_wait3A_1005] : memref<256x128xi32, #tpu.memory_space<vmem>> -> memref<8x128xi32, #tpu.memory_space<vmem>>
      %dma_wait3A_1007 = arith.constant 8 : i32
      %dma_wait3A_1008 = arith.constant 256 : i32
      %dma_wait3A_1009 = tpu.memref_slice %arg2[%select_n3A_472, %dma_wait3A_1007, %dma_wait3A_1008] : memref<513x16x513xi32, #tpu.memory_space<hbm>> -> memref<1x8x128xi32, #tpu.memory_space<hbm>>
      %dma_wait3A_1010 = tpu.memref_squeeze %dma_wait3A_1009 : memref<1x8x128xi32, #tpu.memory_space<hbm>> -> memref<8x128xi32, #tpu.memory_space<hbm>>
      %dma_wait3A_1011 = arith.constant 240 : i32
      %dma_wait3A_1012 = arith.constant 0 : i32
      %dma_wait3A_1013 = tpu.memref_slice %run_scoped3A[%dma_wait3A_1011, %dma_wait3A_1012] : memref<256x128xi32, #tpu.memory_space<vmem>> -> memref<8x128xi32, #tpu.memory_space<vmem>>
      %dma_wait3A_1014 = arith.constant 8 : i32
      %dma_wait3A_1015 = arith.constant 256 : i32
      %dma_wait3A_1016 = tpu.memref_slice %arg2[%select_n3A_472, %dma_wait3A_1014, %dma_wait3A_1015] : memref<513x16x513xi32, #tpu.memory_space<hbm>> -> memref<1x8x128xi32, #tpu.memory_space<hbm>>
      %dma_wait3A_1017 = tpu.memref_squeeze %dma_wait3A_1016 : memref<1x8x128xi32, #tpu.memory_space<hbm>> -> memref<8x128xi32, #tpu.memory_space<hbm>>
      tpu.wait_dma2 semaphore(%arg5 : memref<!tpu.dma_semaphore, #tpu.memory_space<semaphore_mem>>) src(%dma_wait3A_1017 : memref<8x128xi32, #tpu.memory_space<hbm>>) dst(%dma_wait3A_1013 : memref<8x128xi32, #tpu.memory_space<vmem>>)
      %dma_wait3A_1018 = arith.constant 248 : i32
      %dma_wait3A_1019 = arith.constant 0 : i32
      %dma_wait3A_1020 = tpu.memref_slice %run_scoped3A[%dma_wait3A_1018, %dma_wait3A_1019] : memref<256x128xi32, #tpu.memory_space<vmem>> -> memref<8x128xi32, #tpu.memory_space<vmem>>
      %dma_wait3A_1021 = arith.constant 8 : i32
      %dma_wait3A_1022 = arith.constant 384 : i32
      %dma_wait3A_1023 = tpu.memref_slice %arg2[%select_n3A_472, %dma_wait3A_1021, %dma_wait3A_1022] : memref<513x16x513xi32, #tpu.memory_space<hbm>> -> memref<1x8x128xi32, #tpu.memory_space<hbm>>
      %dma_wait3A_1024 = tpu.memref_squeeze %dma_wait3A_1023 : memref<1x8x128xi32, #tpu.memory_space<hbm>> -> memref<8x128xi32, #tpu.memory_space<hbm>>
      %dma_wait3A_1025 = arith.constant 248 : i32
      %dma_wait3A_1026 = arith.constant 0 : i32
      %dma_wait3A_1027 = tpu.memref_slice %run_scoped3A[%dma_wait3A_1025, %dma_wait3A_1026] : memref<256x128xi32, #tpu.memory_space<vmem>> -> memref<8x128xi32, #tpu.memory_space<vmem>>
      %dma_wait3A_1028 = arith.constant 8 : i32
      %dma_wait3A_1029 = arith.constant 384 : i32
      %dma_wait3A_1030 = tpu.memref_slice %arg2[%select_n3A_472, %dma_wait3A_1028, %dma_wait3A_1029] : memref<513x16x513xi32, #tpu.memory_space<hbm>> -> memref<1x8x128xi32, #tpu.memory_space<hbm>>
      %dma_wait3A_1031 = tpu.memref_squeeze %dma_wait3A_1030 : memref<1x8x128xi32, #tpu.memory_space<hbm>> -> memref<8x128xi32, #tpu.memory_space<hbm>>
      tpu.wait_dma2 semaphore(%arg5 : memref<!tpu.dma_semaphore, #tpu.memory_space<semaphore_mem>>) src(%dma_wait3A_1031 : memref<8x128xi32, #tpu.memory_space<hbm>>) dst(%dma_wait3A_1027 : memref<8x128xi32, #tpu.memory_space<vmem>>)
      %iota3A = tpu.iota {dimensions = array<i32: 0>} : vector<16xi32>
      %shift_right_arithmetic3A = arith.constant 3 : i32
      %shift_right_arithmetic3A_1032 = vector.broadcast %shift_right_arithmetic3A : i32 to vector<16xi32>
      %shift_right_arithmetic3A_1033 = arith.shrsi %iota3A, %shift_right_arithmetic3A_1032 : vector<16xi32>
      %mul3A_1034 = arith.constant 32 : i32
      %mul3A_1035 = vector.broadcast %mul3A_1034 : i32 to vector<16xi32>
      %mul3A_1036 = arith.muli %shift_right_arithmetic3A_1033, %mul3A_1035 : vector<16xi32>
      %iota3A_1037 = tpu.iota {dimensions = array<i32: 0>} : vector<16xi32>
      %and3A_1038 = arith.constant 7 : i32
      %and3A_1039 = vector.broadcast %and3A_1038 : i32 to vector<16xi32>
      %and3A_1040 = arith.andi %iota3A_1037, %and3A_1039 : vector<16xi32>
      %add3A_1041 = arith.addi %mul3A_1036, %and3A_1040 : vector<16xi32>
      %scan3A = arith.constant 0 : i32
      %scan3A_1042 = arith.constant 0 : i32
      %scan3A_1043 = arith.constant 17 : i32
      %scan3A_1044 = arith.addi %scan3A_1042, %scan3A_1043 : i32
      %scan3A_1045 = arith.constant 1 : i32
      scf.for %scan3A_1049 = %scan3A_1042 to %scan3A_1044 step %scan3A_1045  : i32 {
        %mul3A_1050 = arith.constant 8 : i32
        %mul3A_1051 = arith.muli %scan3A_1049, %mul3A_1050 : i32
        %add3A_1052 = arith.constant 0 : i32
        %add3A_1053 = arith.addi %mul3A_1051, %add3A_1052 : i32
        %add3A_1054 = arith.addi %mul3A_2, %add3A_1053 : i32
        %min3A_1055 = arith.constant 4224 : i32
        %min3A_1056 = arith.minsi %add3A_1054, %min3A_1055 : i32
        %jit3A_1057 = arith.constant 65 : i32
        %div3A_1058 = arith.divsi %min3A_1056, %jit3A_1057 : i32
        %sign3A_1059 = arith.constant 0 : i32
        %sign3A_1060 = arith.cmpi sgt, %min3A_1056, %sign3A_1059 : i32
        %sign3A_1061 = arith.extui %sign3A_1060 : i1 to i32
        %sign3A_1062 = arith.constant 0 : i32
        %sign3A_1063 = arith.cmpi slt, %min3A_1056, %sign3A_1062 : i32
        %sign3A_1064 = arith.extui %sign3A_1063 : i1 to i32
        %sign3A_1065 = arith.subi %sign3A_1061, %sign3A_1064 : i32
        %sign3A_1066 = arith.constant 0 : i32
        %sign3A_1067 = arith.cmpi sgt, %jit3A_1057, %sign3A_1066 : i32
        %sign3A_1068 = arith.extui %sign3A_1067 : i1 to i32
        %sign3A_1069 = arith.constant 0 : i32
        %sign3A_1070 = arith.cmpi slt, %jit3A_1057, %sign3A_1069 : i32
        %sign3A_1071 = arith.extui %sign3A_1070 : i1 to i32
        %sign3A_1072 = arith.subi %sign3A_1068, %sign3A_1071 : i32
        %ne3A_1073 = arith.cmpi ne, %sign3A_1065, %sign3A_1072 : i32
        %rem3A_1074 = arith.remsi %min3A_1056, %jit3A_1057 : i32
        %ne3A_1075 = arith.constant 0 : i32
        %ne3A_1076 = arith.cmpi ne, %rem3A_1074, %ne3A_1075 : i32
        %and3A_1077 = arith.andi %ne3A_1073, %ne3A_1076 : i1
        %sub3A_1078 = arith.constant 1 : i32
        %sub3A_1079 = arith.subi %div3A_1058, %sub3A_1078 : i32
        %select_n3A_1080 = arith.select %and3A_1077, %sub3A_1079, %div3A_1058 : i32
        %mul3A_1081 = arith.constant 65 : i32
        %mul3A_1082 = arith.muli %select_n3A_1080, %mul3A_1081 : i32
        %sub3A_1083 = arith.subi %min3A_1056, %mul3A_1082 : i32
        %mul3A_1084 = arith.constant 513 : i32
        %mul3A_1085 = arith.muli %sub3A_1083, %mul3A_1084 : i32
        %jit3A_1086 = arith.constant 65 : i32
        %div3A_1087 = arith.divsi %mul3A_1085, %jit3A_1086 : i32
        %sign3A_1088 = arith.constant 0 : i32
        %sign3A_1089 = arith.cmpi sgt, %mul3A_1085, %sign3A_1088 : i32
        %sign3A_1090 = arith.extui %sign3A_1089 : i1 to i32
        %sign3A_1091 = arith.constant 0 : i32
        %sign3A_1092 = arith.cmpi slt, %mul3A_1085, %sign3A_1091 : i32
        %sign3A_1093 = arith.extui %sign3A_1092 : i1 to i32
        %sign3A_1094 = arith.subi %sign3A_1090, %sign3A_1093 : i32
        %sign3A_1095 = arith.constant 0 : i32
        %sign3A_1096 = arith.cmpi sgt, %jit3A_1086, %sign3A_1095 : i32
        %sign3A_1097 = arith.extui %sign3A_1096 : i1 to i32
        %sign3A_1098 = arith.constant 0 : i32
        %sign3A_1099 = arith.cmpi slt, %jit3A_1086, %sign3A_1098 : i32
        %sign3A_1100 = arith.extui %sign3A_1099 : i1 to i32
        %sign3A_1101 = arith.subi %sign3A_1097, %sign3A_1100 : i32
        %ne3A_1102 = arith.cmpi ne, %sign3A_1094, %sign3A_1101 : i32
        %rem3A_1103 = arith.remsi %mul3A_1085, %jit3A_1086 : i32
        %ne3A_1104 = arith.constant 0 : i32
        %ne3A_1105 = arith.cmpi ne, %rem3A_1103, %ne3A_1104 : i32
        %and3A_1106 = arith.andi %ne3A_1102, %ne3A_1105 : i1
        %sub3A_1107 = arith.constant 1 : i32
        %sub3A_1108 = arith.subi %div3A_1087, %sub3A_1107 : i32
        %select_n3A_1109 = arith.select %and3A_1106, %sub3A_1108, %div3A_1087 : i32
        %sub3A_1110 = arith.subi %select_n3A_1080, %select_n3A : i32
        %mul3A_1111 = arith.constant 64 : i32
        %mul3A_1112 = arith.muli %sub3A_1110, %mul3A_1111 : i32
        %jit3A_1113 = arith.constant 128 : i32
        %div3A_1114 = arith.divsi %select_n3A_1109, %jit3A_1113 : i32
        %sign3A_1115 = arith.constant 0 : i32
        %sign3A_1116 = arith.cmpi sgt, %select_n3A_1109, %sign3A_1115 : i32
        %sign3A_1117 = arith.extui %sign3A_1116 : i1 to i32
        %sign3A_1118 = arith.constant 0 : i32
        %sign3A_1119 = arith.cmpi slt, %select_n3A_1109, %sign3A_1118 : i32
        %sign3A_1120 = arith.extui %sign3A_1119 : i1 to i32
        %sign3A_1121 = arith.subi %sign3A_1117, %sign3A_1120 : i32
        %sign3A_1122 = arith.constant 0 : i32
        %sign3A_1123 = arith.cmpi sgt, %jit3A_1113, %sign3A_1122 : i32
        %sign3A_1124 = arith.extui %sign3A_1123 : i1 to i32
        %sign3A_1125 = arith.constant 0 : i32
        %sign3A_1126 = arith.cmpi slt, %jit3A_1113, %sign3A_1125 : i32
        %sign3A_1127 = arith.extui %sign3A_1126 : i1 to i32
        %sign3A_1128 = arith.subi %sign3A_1124, %sign3A_1127 : i32
        %ne3A_1129 = arith.cmpi ne, %sign3A_1121, %sign3A_1128 : i32
        %rem3A_1130 = arith.remsi %select_n3A_1109, %jit3A_1113 : i32
        %ne3A_1131 = arith.constant 0 : i32
        %ne3A_1132 = arith.cmpi ne, %rem3A_1130, %ne3A_1131 : i32
        %and3A_1133 = arith.andi %ne3A_1129, %ne3A_1132 : i1
        %sub3A_1134 = arith.constant 1 : i32
        %sub3A_1135 = arith.subi %div3A_1114, %sub3A_1134 : i32
        %select_n3A_1136 = arith.select %and3A_1133, %sub3A_1135, %div3A_1114 : i32
        %mul3A_1137 = arith.constant 8 : i32
        %mul3A_1138 = arith.muli %select_n3A_1136, %mul3A_1137 : i32
        %add3A_1139 = arith.addi %mul3A_1112, %mul3A_1138 : i32
        %add3A_1140 = vector.broadcast %add3A_1139 : i32 to vector<16xi32>
        %add3A_1141 = arith.addi %add3A_1041, %add3A_1140 : vector<16xi32>
        %jit3A_1142 = arith.constant 128 : i32
        %eq3A = arith.constant 0 : i32
        %eq3A_1143 = arith.cmpi eq, %jit3A_1142, %eq3A : i32
        %jit3A_1144 = arith.constant 1 : i32
        %select_n3A_1145 = arith.select %eq3A_1143, %jit3A_1144, %jit3A_1142 : i32
        %rem3A_1146 = arith.remsi %select_n3A_1109, %select_n3A_1145 : i32
        %ne3A_1147 = arith.constant 0 : i32
        %ne3A_1148 = arith.cmpi ne, %rem3A_1146, %ne3A_1147 : i32
        %lt3A = arith.constant 0 : i32
        %lt3A_1149 = arith.cmpi slt, %rem3A_1146, %lt3A : i32
        %lt3A_1150 = arith.constant 0 : i32
        %lt3A_1151 = arith.cmpi slt, %select_n3A_1145, %lt3A_1150 : i32
        %ne3A_1152 = arith.xori %lt3A_1149, %lt3A_1151 : i1
        %and3A_1153 = arith.andi %ne3A_1152, %ne3A_1148 : i1
        %add3A_1154 = arith.addi %rem3A_1146, %select_n3A_1145 : i32
        %select_n3A_1155 = arith.select %and3A_1153, %add3A_1154, %rem3A_1146 : i32
        %broadcast_in_dim3A = vector.broadcast %select_n3A_1155 : i32 to vector<16xi32>
        %gather3A = tpu.vector_load_idx %run_scoped3A[%add3A_1141, %broadcast_in_dim3A] : memref<256x128xi32, #tpu.memory_space<vmem>>[vector<16xi32>, vector<16xi32>], vector<16xi32>,
        %mul3A_1156 = arith.constant 128 : i32
        %mul3A_1157 = arith.muli %mul3A_1156, %scan3A_1049 : i32
        %add3A_1158 = arith.constant 0 : i32
        %add3A_1159 = arith.addi %mul3A_1157, %add3A_1158 : i32
        %swap3A = arith.index_cast %add3A_1159 : i32 to index
        %swap3A_1160 = tpu.vector_load %arg4[%swap3A] {strides = array<i32>} : memref<2176xi32, #tpu.memory_space<vmem>>, vector<16xi32>,
        tpu.vector_store %arg4[%swap3A], %gather3A {strides = array<i32>} : memref<2176xi32, #tpu.memory_space<vmem>>, vector<16xi32>,
        %mul3A_1161 = arith.constant 8 : i32
        %mul3A_1162 = arith.muli %scan3A_1049, %mul3A_1161 : i32
        %add3A_1163 = arith.constant 1 : i32
        %add3A_1164 = arith.addi %mul3A_1162, %add3A_1163 : i32
        %add3A_1165 = arith.addi %mul3A_2, %add3A_1164 : i32
        %min3A_1166 = arith.constant 4224 : i32
        %min3A_1167 = arith.minsi %add3A_1165, %min3A_1166 : i32
        %jit3A_1168 = arith.constant 65 : i32
        %div3A_1169 = arith.divsi %min3A_1167, %jit3A_1168 : i32
        %sign3A_1170 = arith.constant 0 : i32
        %sign3A_1171 = arith.cmpi sgt, %min3A_1167, %sign3A_1170 : i32
        %sign3A_1172 = arith.extui %sign3A_1171 : i1 to i32
        %sign3A_1173 = arith.constant 0 : i32
        %sign3A_1174 = arith.cmpi slt, %min3A_1167, %sign3A_1173 : i32
        %sign3A_1175 = arith.extui %sign3A_1174 : i1 to i32
        %sign3A_1176 = arith.subi %sign3A_1172, %sign3A_1175 : i32
        %sign3A_1177 = arith.constant 0 : i32
        %sign3A_1178 = arith.cmpi sgt, %jit3A_1168, %sign3A_1177 : i32
        %sign3A_1179 = arith.extui %sign3A_1178 : i1 to i32
        %sign3A_1180 = arith.constant 0 : i32
        %sign3A_1181 = arith.cmpi slt, %jit3A_1168, %sign3A_1180 : i32
        %sign3A_1182 = arith.extui %sign3A_1181 : i1 to i32
        %sign3A_1183 = arith.subi %sign3A_1179, %sign3A_1182 : i32
        %ne3A_1184 = arith.cmpi ne, %sign3A_1176, %sign3A_1183 : i32
        %rem3A_1185 = arith.remsi %min3A_1167, %jit3A_1168 : i32
        %ne3A_1186 = arith.constant 0 : i32
        %ne3A_1187 = arith.cmpi ne, %rem3A_1185, %ne3A_1186 : i32
        %and3A_1188 = arith.andi %ne3A_1184, %ne3A_1187 : i1
        %sub3A_1189 = arith.constant 1 : i32
        %sub3A_1190 = arith.subi %div3A_1169, %sub3A_1189 : i32
        %select_n3A_1191 = arith.select %and3A_1188, %sub3A_1190, %div3A_1169 : i32
        %mul3A_1192 = arith.constant 65 : i32
        %mul3A_1193 = arith.muli %select_n3A_1191, %mul3A_1192 : i32
        %sub3A_1194 = arith.subi %min3A_1167, %mul3A_1193 : i32
        %mul3A_1195 = arith.constant 513 : i32
        %mul3A_1196 = arith.muli %sub3A_1194, %mul3A_1195 : i32
        %jit3A_1197 = arith.constant 65 : i32
        %div3A_1198 = arith.divsi %mul3A_1196, %jit3A_1197 : i32
        %sign3A_1199 = arith.constant 0 : i32
        %sign3A_1200 = arith.cmpi sgt, %mul3A_1196, %sign3A_1199 : i32
        %sign3A_1201 = arith.extui %sign3A_1200 : i1 to i32
        %sign3A_1202 = arith.constant 0 : i32
        %sign3A_1203 = arith.cmpi slt, %mul3A_1196, %sign3A_1202 : i32
        %sign3A_1204 = arith.extui %sign3A_1203 : i1 to i32
        %sign3A_1205 = arith.subi %sign3A_1201, %sign3A_1204 : i32
        %sign3A_1206 = arith.constant 0 : i32
        %sign3A_1207 = arith.cmpi sgt, %jit3A_1197, %sign3A_1206 : i32
        %sign3A_1208 = arith.extui %sign3A_1207 : i1 to i32
        %sign3A_1209 = arith.constant 0 : i32
        %sign3A_1210 = arith.cmpi slt, %jit3A_1197, %sign3A_1209 : i32
        %sign3A_1211 = arith.extui %sign3A_1210 : i1 to i32
        %sign3A_1212 = arith.subi %sign3A_1208, %sign3A_1211 : i32
        %ne3A_1213 = arith.cmpi ne, %sign3A_1205, %sign3A_1212 : i32
        %rem3A_1214 = arith.remsi %mul3A_1196, %jit3A_1197 : i32
        %ne3A_1215 = arith.constant 0 : i32
        %ne3A_1216 = arith.cmpi ne, %rem3A_1214, %ne3A_1215 : i32
        %and3A_1217 = arith.andi %ne3A_1213, %ne3A_1216 : i1
        %sub3A_1218 = arith.constant 1 : i32
        %sub3A_1219 = arith.subi %div3A_1198, %sub3A_1218 : i32
        %select_n3A_1220 = arith.select %and3A_1217, %sub3A_1219, %div3A_1198 : i32
        %sub3A_1221 = arith.subi %select_n3A_1191, %select_n3A : i32
        %mul3A_1222 = arith.constant 64 : i32
        %mul3A_1223 = arith.muli %sub3A_1221, %mul3A_1222 : i32
        %jit3A_1224 = arith.constant 128 : i32
        %div3A_1225 = arith.divsi %select_n3A_1220, %jit3A_1224 : i32
        %sign3A_1226 = arith.constant 0 : i32
        %sign3A_1227 = arith.cmpi sgt, %select_n3A_1220, %sign3A_1226 : i32
        %sign3A_1228 = arith.extui %sign3A_1227 : i1 to i32
        %sign3A_1229 = arith.constant 0 : i32
        %sign3A_1230 = arith.cmpi slt, %select_n3A_1220, %sign3A_1229 : i32
        %sign3A_1231 = arith.extui %sign3A_1230 : i1 to i32
        %sign3A_1232 = arith.subi %sign3A_1228, %sign3A_1231 : i32
        %sign3A_1233 = arith.constant 0 : i32
        %sign3A_1234 = arith.cmpi sgt, %jit3A_1224, %sign3A_1233 : i32
        %sign3A_1235 = arith.extui %sign3A_1234 : i1 to i32
        %sign3A_1236 = arith.constant 0 : i32
        %sign3A_1237 = arith.cmpi slt, %jit3A_1224, %sign3A_1236 : i32
        %sign3A_1238 = arith.extui %sign3A_1237 : i1 to i32
        %sign3A_1239 = arith.subi %sign3A_1235, %sign3A_1238 : i32
        %ne3A_1240 = arith.cmpi ne, %sign3A_1232, %sign3A_1239 : i32
        %rem3A_1241 = arith.remsi %select_n3A_1220, %jit3A_1224 : i32
        %ne3A_1242 = arith.constant 0 : i32
        %ne3A_1243 = arith.cmpi ne, %rem3A_1241, %ne3A_1242 : i32
        %and3A_1244 = arith.andi %ne3A_1240, %ne3A_1243 : i1
        %sub3A_1245 = arith.constant 1 : i32
        %sub3A_1246 = arith.subi %div3A_1225, %sub3A_1245 : i32
        %select_n3A_1247 = arith.select %and3A_1244, %sub3A_1246, %div3A_1225 : i32
        %mul3A_1248 = arith.constant 8 : i32
        %mul3A_1249 = arith.muli %select_n3A_1247, %mul3A_1248 : i32
        %add3A_1250 = arith.addi %mul3A_1223, %mul3A_1249 : i32
        %add3A_1251 = vector.broadcast %add3A_1250 : i32 to vector<16xi32>
        %add3A_1252 = arith.addi %add3A_1041, %add3A_1251 : vector<16xi32>
        %jit3A_1253 = arith.constant 128 : i32
        %eq3A_1254 = arith.constant 0 : i32
        %eq3A_1255 = arith.cmpi eq, %jit3A_1253, %eq3A_1254 : i32
        %jit3A_1256 = arith.constant 1 : i32
        %select_n3A_1257 = arith.select %eq3A_1255, %jit3A_1256, %jit3A_1253 : i32
        %rem3A_1258 = arith.remsi %select_n3A_1220, %select_n3A_1257 : i32
        %ne3A_1259 = arith.constant 0 : i32
        %ne3A_1260 = arith.cmpi ne, %rem3A_1258, %ne3A_1259 : i32
        %lt3A_1261 = arith.constant 0 : i32
        %lt3A_1262 = arith.cmpi slt, %rem3A_1258, %lt3A_1261 : i32
        %lt3A_1263 = arith.constant 0 : i32
        %lt3A_1264 = arith.cmpi slt, %select_n3A_1257, %lt3A_1263 : i32
        %ne3A_1265 = arith.xori %lt3A_1262, %lt3A_1264 : i1
        %and3A_1266 = arith.andi %ne3A_1265, %ne3A_1260 : i1
        %add3A_1267 = arith.addi %rem3A_1258, %select_n3A_1257 : i32
        %select_n3A_1268 = arith.select %and3A_1266, %add3A_1267, %rem3A_1258 : i32
        %broadcast_in_dim3A_1269 = vector.broadcast %select_n3A_1268 : i32 to vector<16xi32>
        %gather3A_1270 = tpu.vector_load_idx %run_scoped3A[%add3A_1252, %broadcast_in_dim3A_1269] : memref<256x128xi32, #tpu.memory_space<vmem>>[vector<16xi32>, vector<16xi32>], vector<16xi32>,
        %mul3A_1271 = arith.constant 128 : i32
        %mul3A_1272 = arith.muli %mul3A_1271, %scan3A_1049 : i32
        %add3A_1273 = arith.constant 16 : i32
        %add3A_1274 = arith.addi %mul3A_1272, %add3A_1273 : i32
        %swap3A_1275 = arith.index_cast %add3A_1274 : i32 to index
        %swap3A_1276 = tpu.vector_load %arg4[%swap3A_1275] {strides = array<i32>} : memref<2176xi32, #tpu.memory_space<vmem>>, vector<16xi32>,
        tpu.vector_store %arg4[%swap3A_1275], %gather3A_1270 {strides = array<i32>} : memref<2176xi32, #tpu.memory_space<vmem>>, vector<16xi32>,
        %mul3A_1277 = arith.constant 8 : i32
        %mul3A_1278 = arith.muli %scan3A_1049, %mul3A_1277 : i32
        %add3A_1279 = arith.constant 2 : i32
        %add3A_1280 = arith.addi %mul3A_1278, %add3A_1279 : i32
        %add3A_1281 = arith.addi %mul3A_2, %add3A_1280 : i32
        %min3A_1282 = arith.constant 4224 : i32
        %min3A_1283 = arith.minsi %add3A_1281, %min3A_1282 : i32
        %jit3A_1284 = arith.constant 65 : i32
        %div3A_1285 = arith.divsi %min3A_1283, %jit3A_1284 : i32
        %sign3A_1286 = arith.constant 0 : i32
        %sign3A_1287 = arith.cmpi sgt, %min3A_1283, %sign3A_1286 : i32
        %sign3A_1288 = arith.extui %sign3A_1287 : i1 to i32
        %sign3A_1289 = arith.constant 0 : i32
        %sign3A_1290 = arith.cmpi slt, %min3A_1283, %sign3A_1289 : i32
        %sign3A_1291 = arith.extui %sign3A_1290 : i1 to i32
        %sign3A_1292 = arith.subi %sign3A_1288, %sign3A_1291 : i32
        %sign3A_1293 = arith.constant 0 : i32
        %sign3A_1294 = arith.cmpi sgt, %jit3A_1284, %sign3A_1293 : i32
        %sign3A_1295 = arith.extui %sign3A_1294 : i1 to i32
        %sign3A_1296 = arith.constant 0 : i32
        %sign3A_1297 = arith.cmpi slt, %jit3A_1284, %sign3A_1296 : i32
        %sign3A_1298 = arith.extui %sign3A_1297 : i1 to i32
        %sign3A_1299 = arith.subi %sign3A_1295, %sign3A_1298 : i32
        %ne3A_1300 = arith.cmpi ne, %sign3A_1292, %sign3A_1299 : i32
        %rem3A_1301 = arith.remsi %min3A_1283, %jit3A_1284 : i32
        %ne3A_1302 = arith.constant 0 : i32
        %ne3A_1303 = arith.cmpi ne, %rem3A_1301, %ne3A_1302 : i32
        %and3A_1304 = arith.andi %ne3A_1300, %ne3A_1303 : i1
        %sub3A_1305 = arith.constant 1 : i32
        %sub3A_1306 = arith.subi %div3A_1285, %sub3A_1305 : i32
        %select_n3A_1307 = arith.select %and3A_1304, %sub3A_1306, %div3A_1285 : i32
        %mul3A_1308 = arith.constant 65 : i32
        %mul3A_1309 = arith.muli %select_n3A_1307, %mul3A_1308 : i32
        %sub3A_1310 = arith.subi %min3A_1283, %mul3A_1309 : i32
        %mul3A_1311 = arith.constant 513 : i32
        %mul3A_1312 = arith.muli %sub3A_1310, %mul3A_1311 : i32
        %jit3A_1313 = arith.constant 65 : i32
        %div3A_1314 = arith.divsi %mul3A_1312, %jit3A_1313 : i32
        %sign3A_1315 = arith.constant 0 : i32
        %sign3A_1316 = arith.cmpi sgt, %mul3A_1312, %sign3A_1315 : i32
        %sign3A_1317 = arith.extui %sign3A_1316 : i1 to i32
        %sign3A_1318 = arith.constant 0 : i32
        %sign3A_1319 = arith.cmpi slt, %mul3A_1312, %sign3A_1318 : i32
        %sign3A_1320 = arith.extui %sign3A_1319 : i1 to i32
        %sign3A_1321 = arith.subi %sign3A_1317, %sign3A_1320 : i32
        %sign3A_1322 = arith.constant 0 : i32
        %sign3A_1323 = arith.cmpi sgt, %jit3A_1313, %sign3A_1322 : i32
        %sign3A_1324 = arith.extui %sign3A_1323 : i1 to i32
        %sign3A_1325 = arith.constant 0 : i32
        %sign3A_1326 = arith.cmpi slt, %jit3A_1313, %sign3A_1325 : i32
        %sign3A_1327 = arith.extui %sign3A_1326 : i1 to i32
        %sign3A_1328 = arith.subi %sign3A_1324, %sign3A_1327 : i32
        %ne3A_1329 = arith.cmpi ne, %sign3A_1321, %sign3A_1328 : i32
        %rem3A_1330 = arith.remsi %mul3A_1312, %jit3A_1313 : i32
        %ne3A_1331 = arith.constant 0 : i32
        %ne3A_1332 = arith.cmpi ne, %rem3A_1330, %ne3A_1331 : i32
        %and3A_1333 = arith.andi %ne3A_1329, %ne3A_1332 : i1
        %sub3A_1334 = arith.constant 1 : i32
        %sub3A_1335 = arith.subi %div3A_1314, %sub3A_1334 : i32
        %select_n3A_1336 = arith.select %and3A_1333, %sub3A_1335, %div3A_1314 : i32
        %sub3A_1337 = arith.subi %select_n3A_1307, %select_n3A : i32
        %mul3A_1338 = arith.constant 64 : i32
        %mul3A_1339 = arith.muli %sub3A_1337, %mul3A_1338 : i32
        %jit3A_1340 = arith.constant 128 : i32
        %div3A_1341 = arith.divsi %select_n3A_1336, %jit3A_1340 : i32
        %sign3A_1342 = arith.constant 0 : i32
        %sign3A_1343 = arith.cmpi sgt, %select_n3A_1336, %sign3A_1342 : i32
        %sign3A_1344 = arith.extui %sign3A_1343 : i1 to i32
        %sign3A_1345 = arith.constant 0 : i32
        %sign3A_1346 = arith.cmpi slt, %select_n3A_1336, %sign3A_1345 : i32
        %sign3A_1347 = arith.extui %sign3A_1346 : i1 to i32
        %sign3A_1348 = arith.subi %sign3A_1344, %sign3A_1347 : i32
        %sign3A_1349 = arith.constant 0 : i32
        %sign3A_1350 = arith.cmpi sgt, %jit3A_1340, %sign3A_1349 : i32
        %sign3A_1351 = arith.extui %sign3A_1350 : i1 to i32
        %sign3A_1352 = arith.constant 0 : i32
        %sign3A_1353 = arith.cmpi slt, %jit3A_1340, %sign3A_1352 : i32
        %sign3A_1354 = arith.extui %sign3A_1353 : i1 to i32
        %sign3A_1355 = arith.subi %sign3A_1351, %sign3A_1354 : i32
        %ne3A_1356 = arith.cmpi ne, %sign3A_1348, %sign3A_1355 : i32
        %rem3A_1357 = arith.remsi %select_n3A_1336, %jit3A_1340 : i32
        %ne3A_1358 = arith.constant 0 : i32
        %ne3A_1359 = arith.cmpi ne, %rem3A_1357, %ne3A_1358 : i32
        %and3A_1360 = arith.andi %ne3A_1356, %ne3A_1359 : i1
        %sub3A_1361 = arith.constant 1 : i32
        %sub3A_1362 = arith.subi %div3A_1341, %sub3A_1361 : i32
        %select_n3A_1363 = arith.select %and3A_1360, %sub3A_1362, %div3A_1341 : i32
        %mul3A_1364 = arith.constant 8 : i32
        %mul3A_1365 = arith.muli %select_n3A_1363, %mul3A_1364 : i32
        %add3A_1366 = arith.addi %mul3A_1339, %mul3A_1365 : i32
        %add3A_1367 = vector.broadcast %add3A_1366 : i32 to vector<16xi32>
        %add3A_1368 = arith.addi %add3A_1041, %add3A_1367 : vector<16xi32>
        %jit3A_1369 = arith.constant 128 : i32
        %eq3A_1370 = arith.constant 0 : i32
        %eq3A_1371 = arith.cmpi eq, %jit3A_1369, %eq3A_1370 : i32
        %jit3A_1372 = arith.constant 1 : i32
        %select_n3A_1373 = arith.select %eq3A_1371, %jit3A_1372, %jit3A_1369 : i32
        %rem3A_1374 = arith.remsi %select_n3A_1336, %select_n3A_1373 : i32
        %ne3A_1375 = arith.constant 0 : i32
        %ne3A_1376 = arith.cmpi ne, %rem3A_1374, %ne3A_1375 : i32
        %lt3A_1377 = arith.constant 0 : i32
        %lt3A_1378 = arith.cmpi slt, %rem3A_1374, %lt3A_1377 : i32
        %lt3A_1379 = arith.constant 0 : i32
        %lt3A_1380 = arith.cmpi slt, %select_n3A_1373, %lt3A_1379 : i32
        %ne3A_1381 = arith.xori %lt3A_1378, %lt3A_1380 : i1
        %and3A_1382 = arith.andi %ne3A_1381, %ne3A_1376 : i1
        %add3A_1383 = arith.addi %rem3A_1374, %select_n3A_1373 : i32
        %select_n3A_1384 = arith.select %and3A_1382, %add3A_1383, %rem3A_1374 : i32
        %broadcast_in_dim3A_1385 = vector.broadcast %select_n3A_1384 : i32 to vector<16xi32>
        %gather3A_1386 = tpu.vector_load_idx %run_scoped3A[%add3A_1368, %broadcast_in_dim3A_1385] : memref<256x128xi32, #tpu.memory_space<vmem>>[vector<16xi32>, vector<16xi32>], vector<16xi32>,
        %mul3A_1387 = arith.constant 128 : i32
        %mul3A_1388 = arith.muli %mul3A_1387, %scan3A_1049 : i32
        %add3A_1389 = arith.constant 32 : i32
        %add3A_1390 = arith.addi %mul3A_1388, %add3A_1389 : i32
        %swap3A_1391 = arith.index_cast %add3A_1390 : i32 to index
        %swap3A_1392 = tpu.vector_load %arg4[%swap3A_1391] {strides = array<i32>} : memref<2176xi32, #tpu.memory_space<vmem>>, vector<16xi32>,
        tpu.vector_store %arg4[%swap3A_1391], %gather3A_1386 {strides = array<i32>} : memref<2176xi32, #tpu.memory_space<vmem>>, vector<16xi32>,
        %mul3A_1393 = arith.constant 8 : i32
        %mul3A_1394 = arith.muli %scan3A_1049, %mul3A_1393 : i32
        %add3A_1395 = arith.constant 3 : i32
        %add3A_1396 = arith.addi %mul3A_1394, %add3A_1395 : i32
        %add3A_1397 = arith.addi %mul3A_2, %add3A_1396 : i32
        %min3A_1398 = arith.constant 4224 : i32
        %min3A_1399 = arith.minsi %add3A_1397, %min3A_1398 : i32
        %jit3A_1400 = arith.constant 65 : i32
        %div3A_1401 = arith.divsi %min3A_1399, %jit3A_1400 : i32
        %sign3A_1402 = arith.constant 0 : i32
        %sign3A_1403 = arith.cmpi sgt, %min3A_1399, %sign3A_1402 : i32
        %sign3A_1404 = arith.extui %sign3A_1403 : i1 to i32
        %sign3A_1405 = arith.constant 0 : i32
        %sign3A_1406 = arith.cmpi slt, %min3A_1399, %sign3A_1405 : i32
        %sign3A_1407 = arith.extui %sign3A_1406 : i1 to i32
        %sign3A_1408 = arith.subi %sign3A_1404, %sign3A_1407 : i32
        %sign3A_1409 = arith.constant 0 : i32
        %sign3A_1410 = arith.cmpi sgt, %jit3A_1400, %sign3A_1409 : i32
        %sign3A_1411 = arith.extui %sign3A_1410 : i1 to i32
        %sign3A_1412 = arith.constant 0 : i32
        %sign3A_1413 = arith.cmpi slt, %jit3A_1400, %sign3A_1412 : i32
        %sign3A_1414 = arith.extui %sign3A_1413 : i1 to i32
        %sign3A_1415 = arith.subi %sign3A_1411, %sign3A_1414 : i32
        %ne3A_1416 = arith.cmpi ne, %sign3A_1408, %sign3A_1415 : i32
        %rem3A_1417 = arith.remsi %min3A_1399, %jit3A_1400 : i32
        %ne3A_1418 = arith.constant 0 : i32
        %ne3A_1419 = arith.cmpi ne, %rem3A_1417, %ne3A_1418 : i32
        %and3A_1420 = arith.andi %ne3A_1416, %ne3A_1419 : i1
        %sub3A_1421 = arith.constant 1 : i32
        %sub3A_1422 = arith.subi %div3A_1401, %sub3A_1421 : i32
        %select_n3A_1423 = arith.select %and3A_1420, %sub3A_1422, %div3A_1401 : i32
        %mul3A_1424 = arith.constant 65 : i32
        %mul3A_1425 = arith.muli %select_n3A_1423, %mul3A_1424 : i32
        %sub3A_1426 = arith.subi %min3A_1399, %mul3A_1425 : i32
        %mul3A_1427 = arith.constant 513 : i32
        %mul3A_1428 = arith.muli %sub3A_1426, %mul3A_1427 : i32
        %jit3A_1429 = arith.constant 65 : i32
        %div3A_1430 = arith.divsi %mul3A_1428, %jit3A_1429 : i32
        %sign3A_1431 = arith.constant 0 : i32
        %sign3A_1432 = arith.cmpi sgt, %mul3A_1428, %sign3A_1431 : i32
        %sign3A_1433 = arith.extui %sign3A_1432 : i1 to i32
        %sign3A_1434 = arith.constant 0 : i32
        %sign3A_1435 = arith.cmpi slt, %mul3A_1428, %sign3A_1434 : i32
        %sign3A_1436 = arith.extui %sign3A_1435 : i1 to i32
        %sign3A_1437 = arith.subi %sign3A_1433, %sign3A_1436 : i32
        %sign3A_1438 = arith.constant 0 : i32
        %sign3A_1439 = arith.cmpi sgt, %jit3A_1429, %sign3A_1438 : i32
        %sign3A_1440 = arith.extui %sign3A_1439 : i1 to i32
        %sign3A_1441 = arith.constant 0 : i32
        %sign3A_1442 = arith.cmpi slt, %jit3A_1429, %sign3A_1441 : i32
        %sign3A_1443 = arith.extui %sign3A_1442 : i1 to i32
        %sign3A_1444 = arith.subi %sign3A_1440, %sign3A_1443 : i32
        %ne3A_1445 = arith.cmpi ne, %sign3A_1437, %sign3A_1444 : i32
        %rem3A_1446 = arith.remsi %mul3A_1428, %jit3A_1429 : i32
        %ne3A_1447 = arith.constant 0 : i32
        %ne3A_1448 = arith.cmpi ne, %rem3A_1446, %ne3A_1447 : i32
        %and3A_1449 = arith.andi %ne3A_1445, %ne3A_1448 : i1
        %sub3A_1450 = arith.constant 1 : i32
        %sub3A_1451 = arith.subi %div3A_1430, %sub3A_1450 : i32
        %select_n3A_1452 = arith.select %and3A_1449, %sub3A_1451, %div3A_1430 : i32
        %sub3A_1453 = arith.subi %select_n3A_1423, %select_n3A : i32
        %mul3A_1454 = arith.constant 64 : i32
        %mul3A_1455 = arith.muli %sub3A_1453, %mul3A_1454 : i32
        %jit3A_1456 = arith.constant 128 : i32
        %div3A_1457 = arith.divsi %select_n3A_1452, %jit3A_1456 : i32
        %sign3A_1458 = arith.constant 0 : i32
        %sign3A_1459 = arith.cmpi sgt, %select_n3A_1452, %sign3A_1458 : i32
        %sign3A_1460 = arith.extui %sign3A_1459 : i1 to i32
        %sign3A_1461 = arith.constant 0 : i32
        %sign3A_1462 = arith.cmpi slt, %select_n3A_1452, %sign3A_1461 : i32
        %sign3A_1463 = arith.extui %sign3A_1462 : i1 to i32
        %sign3A_1464 = arith.subi %sign3A_1460, %sign3A_1463 : i32
        %sign3A_1465 = arith.constant 0 : i32
        %sign3A_1466 = arith.cmpi sgt, %jit3A_1456, %sign3A_1465 : i32
        %sign3A_1467 = arith.extui %sign3A_1466 : i1 to i32
        %sign3A_1468 = arith.constant 0 : i32
        %sign3A_1469 = arith.cmpi slt, %jit3A_1456, %sign3A_1468 : i32
        %sign3A_1470 = arith.extui %sign3A_1469 : i1 to i32
        %sign3A_1471 = arith.subi %sign3A_1467, %sign3A_1470 : i32
        %ne3A_1472 = arith.cmpi ne, %sign3A_1464, %sign3A_1471 : i32
        %rem3A_1473 = arith.remsi %select_n3A_1452, %jit3A_1456 : i32
        %ne3A_1474 = arith.constant 0 : i32
        %ne3A_1475 = arith.cmpi ne, %rem3A_1473, %ne3A_1474 : i32
        %and3A_1476 = arith.andi %ne3A_1472, %ne3A_1475 : i1
        %sub3A_1477 = arith.constant 1 : i32
        %sub3A_1478 = arith.subi %div3A_1457, %sub3A_1477 : i32
        %select_n3A_1479 = arith.select %and3A_1476, %sub3A_1478, %div3A_1457 : i32
        %mul3A_1480 = arith.constant 8 : i32
        %mul3A_1481 = arith.muli %select_n3A_1479, %mul3A_1480 : i32
        %add3A_1482 = arith.addi %mul3A_1455, %mul3A_1481 : i32
        %add3A_1483 = vector.broadcast %add3A_1482 : i32 to vector<16xi32>
        %add3A_1484 = arith.addi %add3A_1041, %add3A_1483 : vector<16xi32>
        %jit3A_1485 = arith.constant 128 : i32
        %eq3A_1486 = arith.constant 0 : i32
        %eq3A_1487 = arith.cmpi eq, %jit3A_1485, %eq3A_1486 : i32
        %jit3A_1488 = arith.constant 1 : i32
        %select_n3A_1489 = arith.select %eq3A_1487, %jit3A_1488, %jit3A_1485 : i32
        %rem3A_1490 = arith.remsi %select_n3A_1452, %select_n3A_1489 : i32
        %ne3A_1491 = arith.constant 0 : i32
        %ne3A_1492 = arith.cmpi ne, %rem3A_1490, %ne3A_1491 : i32
        %lt3A_1493 = arith.constant 0 : i32
        %lt3A_1494 = arith.cmpi slt, %rem3A_1490, %lt3A_1493 : i32
        %lt3A_1495 = arith.constant 0 : i32
        %lt3A_1496 = arith.cmpi slt, %select_n3A_1489, %lt3A_1495 : i32
        %ne3A_1497 = arith.xori %lt3A_1494, %lt3A_1496 : i1
        %and3A_1498 = arith.andi %ne3A_1497, %ne3A_1492 : i1
        %add3A_1499 = arith.addi %rem3A_1490, %select_n3A_1489 : i32
        %select_n3A_1500 = arith.select %and3A_1498, %add3A_1499, %rem3A_1490 : i32
        %broadcast_in_dim3A_1501 = vector.broadcast %select_n3A_1500 : i32 to vector<16xi32>
        %gather3A_1502 = tpu.vector_load_idx %run_scoped3A[%add3A_1484, %broadcast_in_dim3A_1501] : memref<256x128xi32, #tpu.memory_space<vmem>>[vector<16xi32>, vector<16xi32>], vector<16xi32>,
        %mul3A_1503 = arith.constant 128 : i32
        %mul3A_1504 = arith.muli %mul3A_1503, %scan3A_1049 : i32
        %add3A_1505 = arith.constant 48 : i32
        %add3A_1506 = arith.addi %mul3A_1504, %add3A_1505 : i32
        %swap3A_1507 = arith.index_cast %add3A_1506 : i32 to index
        %swap3A_1508 = tpu.vector_load %arg4[%swap3A_1507] {strides = array<i32>} : memref<2176xi32, #tpu.memory_space<vmem>>, vector<16xi32>,
        tpu.vector_store %arg4[%swap3A_1507], %gather3A_1502 {strides = array<i32>} : memref<2176xi32, #tpu.memory_space<vmem>>, vector<16xi32>,
        %mul3A_1509 = arith.constant 8 : i32
        %mul3A_1510 = arith.muli %scan3A_1049, %mul3A_1509 : i32
        %add3A_1511 = arith.constant 4 : i32
        %add3A_1512 = arith.addi %mul3A_1510, %add3A_1511 : i32
        %add3A_1513 = arith.addi %mul3A_2, %add3A_1512 : i32
        %min3A_1514 = arith.constant 4224 : i32
        %min3A_1515 = arith.minsi %add3A_1513, %min3A_1514 : i32
        %jit3A_1516 = arith.constant 65 : i32
        %div3A_1517 = arith.divsi %min3A_1515, %jit3A_1516 : i32
        %sign3A_1518 = arith.constant 0 : i32
        %sign3A_1519 = arith.cmpi sgt, %min3A_1515, %sign3A_1518 : i32
        %sign3A_1520 = arith.extui %sign3A_1519 : i1 to i32
        %sign3A_1521 = arith.constant 0 : i32
        %sign3A_1522 = arith.cmpi slt, %min3A_1515, %sign3A_1521 : i32
        %sign3A_1523 = arith.extui %sign3A_1522 : i1 to i32
        %sign3A_1524 = arith.subi %sign3A_1520, %sign3A_1523 : i32
        %sign3A_1525 = arith.constant 0 : i32
        %sign3A_1526 = arith.cmpi sgt, %jit3A_1516, %sign3A_1525 : i32
        %sign3A_1527 = arith.extui %sign3A_1526 : i1 to i32
        %sign3A_1528 = arith.constant 0 : i32
        %sign3A_1529 = arith.cmpi slt, %jit3A_1516, %sign3A_1528 : i32
        %sign3A_1530 = arith.extui %sign3A_1529 : i1 to i32
        %sign3A_1531 = arith.subi %sign3A_1527, %sign3A_1530 : i32
        %ne3A_1532 = arith.cmpi ne, %sign3A_1524, %sign3A_1531 : i32
        %rem3A_1533 = arith.remsi %min3A_1515, %jit3A_1516 : i32
        %ne3A_1534 = arith.constant 0 : i32
        %ne3A_1535 = arith.cmpi ne, %rem3A_1533, %ne3A_1534 : i32
        %and3A_1536 = arith.andi %ne3A_1532, %ne3A_1535 : i1
        %sub3A_1537 = arith.constant 1 : i32
        %sub3A_1538 = arith.subi %div3A_1517, %sub3A_1537 : i32
        %select_n3A_1539 = arith.select %and3A_1536, %sub3A_1538, %div3A_1517 : i32
        %mul3A_1540 = arith.constant 65 : i32
        %mul3A_1541 = arith.muli %select_n3A_1539, %mul3A_1540 : i32
        %sub3A_1542 = arith.subi %min3A_1515, %mul3A_1541 : i32
        %mul3A_1543 = arith.constant 513 : i32
        %mul3A_1544 = arith.muli %sub3A_1542, %mul3A_1543 : i32
        %jit3A_1545 = arith.constant 65 : i32
        %div3A_1546 = arith.divsi %mul3A_1544, %jit3A_1545 : i32
        %sign3A_1547 = arith.constant 0 : i32
        %sign3A_1548 = arith.cmpi sgt, %mul3A_1544, %sign3A_1547 : i32
        %sign3A_1549 = arith.extui %sign3A_1548 : i1 to i32
        %sign3A_1550 = arith.constant 0 : i32
        %sign3A_1551 = arith.cmpi slt, %mul3A_1544, %sign3A_1550 : i32
        %sign3A_1552 = arith.extui %sign3A_1551 : i1 to i32
        %sign3A_1553 = arith.subi %sign3A_1549, %sign3A_1552 : i32
        %sign3A_1554 = arith.constant 0 : i32
        %sign3A_1555 = arith.cmpi sgt, %jit3A_1545, %sign3A_1554 : i32
        %sign3A_1556 = arith.extui %sign3A_1555 : i1 to i32
        %sign3A_1557 = arith.constant 0 : i32
        %sign3A_1558 = arith.cmpi slt, %jit3A_1545, %sign3A_1557 : i32
        %sign3A_1559 = arith.extui %sign3A_1558 : i1 to i32
        %sign3A_1560 = arith.subi %sign3A_1556, %sign3A_1559 : i32
        %ne3A_1561 = arith.cmpi ne, %sign3A_1553, %sign3A_1560 : i32
        %rem3A_1562 = arith.remsi %mul3A_1544, %jit3A_1545 : i32
        %ne3A_1563 = arith.constant 0 : i32
        %ne3A_1564 = arith.cmpi ne, %rem3A_1562, %ne3A_1563 : i32
        %and3A_1565 = arith.andi %ne3A_1561, %ne3A_1564 : i1
        %sub3A_1566 = arith.constant 1 : i32
        %sub3A_1567 = arith.subi %div3A_1546, %sub3A_1566 : i32
        %select_n3A_1568 = arith.select %and3A_1565, %sub3A_1567, %div3A_1546 : i32
        %sub3A_1569 = arith.subi %select_n3A_1539, %select_n3A : i32
        %mul3A_1570 = arith.constant 64 : i32
        %mul3A_1571 = arith.muli %sub3A_1569, %mul3A_1570 : i32
        %jit3A_1572 = arith.constant 128 : i32
        %div3A_1573 = arith.divsi %select_n3A_1568, %jit3A_1572 : i32
        %sign3A_1574 = arith.constant 0 : i32
        %sign3A_1575 = arith.cmpi sgt, %select_n3A_1568, %sign3A_1574 : i32
        %sign3A_1576 = arith.extui %sign3A_1575 : i1 to i32
        %sign3A_1577 = arith.constant 0 : i32
        %sign3A_1578 = arith.cmpi slt, %select_n3A_1568, %sign3A_1577 : i32
        %sign3A_1579 = arith.extui %sign3A_1578 : i1 to i32
        %sign3A_1580 = arith.subi %sign3A_1576, %sign3A_1579 : i32
        %sign3A_1581 = arith.constant 0 : i32
        %sign3A_1582 = arith.cmpi sgt, %jit3A_1572, %sign3A_1581 : i32
        %sign3A_1583 = arith.extui %sign3A_1582 : i1 to i32
        %sign3A_1584 = arith.constant 0 : i32
        %sign3A_1585 = arith.cmpi slt, %jit3A_1572, %sign3A_1584 : i32
        %sign3A_1586 = arith.extui %sign3A_1585 : i1 to i32
        %sign3A_1587 = arith.subi %sign3A_1583, %sign3A_1586 : i32
        %ne3A_1588 = arith.cmpi ne, %sign3A_1580, %sign3A_1587 : i32
        %rem3A_1589 = arith.remsi %select_n3A_1568, %jit3A_1572 : i32
        %ne3A_1590 = arith.constant 0 : i32
        %ne3A_1591 = arith.cmpi ne, %rem3A_1589, %ne3A_1590 : i32
        %and3A_1592 = arith.andi %ne3A_1588, %ne3A_1591 : i1
        %sub3A_1593 = arith.constant 1 : i32
        %sub3A_1594 = arith.subi %div3A_1573, %sub3A_1593 : i32
        %select_n3A_1595 = arith.select %and3A_1592, %sub3A_1594, %div3A_1573 : i32
        %mul3A_1596 = arith.constant 8 : i32
        %mul3A_1597 = arith.muli %select_n3A_1595, %mul3A_1596 : i32
        %add3A_1598 = arith.addi %mul3A_1571, %mul3A_1597 : i32
        %add3A_1599 = vector.broadcast %add3A_1598 : i32 to vector<16xi32>
        %add3A_1600 = arith.addi %add3A_1041, %add3A_1599 : vector<16xi32>
        %jit3A_1601 = arith.constant 128 : i32
        %eq3A_1602 = arith.constant 0 : i32
        %eq3A_1603 = arith.cmpi eq, %jit3A_1601, %eq3A_1602 : i32
        %jit3A_1604 = arith.constant 1 : i32
        %select_n3A_1605 = arith.select %eq3A_1603, %jit3A_1604, %jit3A_1601 : i32
        %rem3A_1606 = arith.remsi %select_n3A_1568, %select_n3A_1605 : i32
        %ne3A_1607 = arith.constant 0 : i32
        %ne3A_1608 = arith.cmpi ne, %rem3A_1606, %ne3A_1607 : i32
        %lt3A_1609 = arith.constant 0 : i32
        %lt3A_1610 = arith.cmpi slt, %rem3A_1606, %lt3A_1609 : i32
        %lt3A_1611 = arith.constant 0 : i32
        %lt3A_1612 = arith.cmpi slt, %select_n3A_1605, %lt3A_1611 : i32
        %ne3A_1613 = arith.xori %lt3A_1610, %lt3A_1612 : i1
        %and3A_1614 = arith.andi %ne3A_1613, %ne3A_1608 : i1
        %add3A_1615 = arith.addi %rem3A_1606, %select_n3A_1605 : i32
        %select_n3A_1616 = arith.select %and3A_1614, %add3A_1615, %rem3A_1606 : i32
        %broadcast_in_dim3A_1617 = vector.broadcast %select_n3A_1616 : i32 to vector<16xi32>
        %gather3A_1618 = tpu.vector_load_idx %run_scoped3A[%add3A_1600, %broadcast_in_dim3A_1617] : memref<256x128xi32, #tpu.memory_space<vmem>>[vector<16xi32>, vector<16xi32>], vector<16xi32>,
        %mul3A_1619 = arith.constant 128 : i32
        %mul3A_1620 = arith.muli %mul3A_1619, %scan3A_1049 : i32
        %add3A_1621 = arith.constant 64 : i32
        %add3A_1622 = arith.addi %mul3A_1620, %add3A_1621 : i32
        %swap3A_1623 = arith.index_cast %add3A_1622 : i32 to index
        %swap3A_1624 = tpu.vector_load %arg4[%swap3A_1623] {strides = array<i32>} : memref<2176xi32, #tpu.memory_space<vmem>>, vector<16xi32>,
        tpu.vector_store %arg4[%swap3A_1623], %gather3A_1618 {strides = array<i32>} : memref<2176xi32, #tpu.memory_space<vmem>>, vector<16xi32>,
        %mul3A_1625 = arith.constant 8 : i32
        %mul3A_1626 = arith.muli %scan3A_1049, %mul3A_1625 : i32
        %add3A_1627 = arith.constant 5 : i32
        %add3A_1628 = arith.addi %mul3A_1626, %add3A_1627 : i32
        %add3A_1629 = arith.addi %mul3A_2, %add3A_1628 : i32
        %min3A_1630 = arith.constant 4224 : i32
        %min3A_1631 = arith.minsi %add3A_1629, %min3A_1630 : i32
        %jit3A_1632 = arith.constant 65 : i32
        %div3A_1633 = arith.divsi %min3A_1631, %jit3A_1632 : i32
        %sign3A_1634 = arith.constant 0 : i32
        %sign3A_1635 = arith.cmpi sgt, %min3A_1631, %sign3A_1634 : i32
        %sign3A_1636 = arith.extui %sign3A_1635 : i1 to i32
        %sign3A_1637 = arith.constant 0 : i32
        %sign3A_1638 = arith.cmpi slt, %min3A_1631, %sign3A_1637 : i32
        %sign3A_1639 = arith.extui %sign3A_1638 : i1 to i32
        %sign3A_1640 = arith.subi %sign3A_1636, %sign3A_1639 : i32
        %sign3A_1641 = arith.constant 0 : i32
        %sign3A_1642 = arith.cmpi sgt, %jit3A_1632, %sign3A_1641 : i32
        %sign3A_1643 = arith.extui %sign3A_1642 : i1 to i32
        %sign3A_1644 = arith.constant 0 : i32
        %sign3A_1645 = arith.cmpi slt, %jit3A_1632, %sign3A_1644 : i32
        %sign3A_1646 = arith.extui %sign3A_1645 : i1 to i32
        %sign3A_1647 = arith.subi %sign3A_1643, %sign3A_1646 : i32
        %ne3A_1648 = arith.cmpi ne, %sign3A_1640, %sign3A_1647 : i32
        %rem3A_1649 = arith.remsi %min3A_1631, %jit3A_1632 : i32
        %ne3A_1650 = arith.constant 0 : i32
        %ne3A_1651 = arith.cmpi ne, %rem3A_1649, %ne3A_1650 : i32
        %and3A_1652 = arith.andi %ne3A_1648, %ne3A_1651 : i1
        %sub3A_1653 = arith.constant 1 : i32
        %sub3A_1654 = arith.subi %div3A_1633, %sub3A_1653 : i32
        %select_n3A_1655 = arith.select %and3A_1652, %sub3A_1654, %div3A_1633 : i32
        %mul3A_1656 = arith.constant 65 : i32
        %mul3A_1657 = arith.muli %select_n3A_1655, %mul3A_1656 : i32
        %sub3A_1658 = arith.subi %min3A_1631, %mul3A_1657 : i32
        %mul3A_1659 = arith.constant 513 : i32
        %mul3A_1660 = arith.muli %sub3A_1658, %mul3A_1659 : i32
        %jit3A_1661 = arith.constant 65 : i32
        %div3A_1662 = arith.divsi %mul3A_1660, %jit3A_1661 : i32
        %sign3A_1663 = arith.constant 0 : i32
        %sign3A_1664 = arith.cmpi sgt, %mul3A_1660, %sign3A_1663 : i32
        %sign3A_1665 = arith.extui %sign3A_1664 : i1 to i32
        %sign3A_1666 = arith.constant 0 : i32
        %sign3A_1667 = arith.cmpi slt, %mul3A_1660, %sign3A_1666 : i32
        %sign3A_1668 = arith.extui %sign3A_1667 : i1 to i32
        %sign3A_1669 = arith.subi %sign3A_1665, %sign3A_1668 : i32
        %sign3A_1670 = arith.constant 0 : i32
        %sign3A_1671 = arith.cmpi sgt, %jit3A_1661, %sign3A_1670 : i32
        %sign3A_1672 = arith.extui %sign3A_1671 : i1 to i32
        %sign3A_1673 = arith.constant 0 : i32
        %sign3A_1674 = arith.cmpi slt, %jit3A_1661, %sign3A_1673 : i32
        %sign3A_1675 = arith.extui %sign3A_1674 : i1 to i32
        %sign3A_1676 = arith.subi %sign3A_1672, %sign3A_1675 : i32
        %ne3A_1677 = arith.cmpi ne, %sign3A_1669, %sign3A_1676 : i32
        %rem3A_1678 = arith.remsi %mul3A_1660, %jit3A_1661 : i32
        %ne3A_1679 = arith.constant 0 : i32
        %ne3A_1680 = arith.cmpi ne, %rem3A_1678, %ne3A_1679 : i32
        %and3A_1681 = arith.andi %ne3A_1677, %ne3A_1680 : i1
        %sub3A_1682 = arith.constant 1 : i32
        %sub3A_1683 = arith.subi %div3A_1662, %sub3A_1682 : i32
        %select_n3A_1684 = arith.select %and3A_1681, %sub3A_1683, %div3A_1662 : i32
        %sub3A_1685 = arith.subi %select_n3A_1655, %select_n3A : i32
        %mul3A_1686 = arith.constant 64 : i32
        %mul3A_1687 = arith.muli %sub3A_1685, %mul3A_1686 : i32
        %jit3A_1688 = arith.constant 128 : i32
        %div3A_1689 = arith.divsi %select_n3A_1684, %jit3A_1688 : i32
        %sign3A_1690 = arith.constant 0 : i32
        %sign3A_1691 = arith.cmpi sgt, %select_n3A_1684, %sign3A_1690 : i32
        %sign3A_1692 = arith.extui %sign3A_1691 : i1 to i32
        %sign3A_1693 = arith.constant 0 : i32
        %sign3A_1694 = arith.cmpi slt, %select_n3A_1684, %sign3A_1693 : i32
        %sign3A_1695 = arith.extui %sign3A_1694 : i1 to i32
        %sign3A_1696 = arith.subi %sign3A_1692, %sign3A_1695 : i32
        %sign3A_1697 = arith.constant 0 : i32
        %sign3A_1698 = arith.cmpi sgt, %jit3A_1688, %sign3A_1697 : i32
        %sign3A_1699 = arith.extui %sign3A_1698 : i1 to i32
        %sign3A_1700 = arith.constant 0 : i32
        %sign3A_1701 = arith.cmpi slt, %jit3A_1688, %sign3A_1700 : i32
        %sign3A_1702 = arith.extui %sign3A_1701 : i1 to i32
        %sign3A_1703 = arith.subi %sign3A_1699, %sign3A_1702 : i32
        %ne3A_1704 = arith.cmpi ne, %sign3A_1696, %sign3A_1703 : i32
        %rem3A_1705 = arith.remsi %select_n3A_1684, %jit3A_1688 : i32
        %ne3A_1706 = arith.constant 0 : i32
        %ne3A_1707 = arith.cmpi ne, %rem3A_1705, %ne3A_1706 : i32
        %and3A_1708 = arith.andi %ne3A_1704, %ne3A_1707 : i1
        %sub3A_1709 = arith.constant 1 : i32
        %sub3A_1710 = arith.subi %div3A_1689, %sub3A_1709 : i32
        %select_n3A_1711 = arith.select %and3A_1708, %sub3A_1710, %div3A_1689 : i32
        %mul3A_1712 = arith.constant 8 : i32
        %mul3A_1713 = arith.muli %select_n3A_1711, %mul3A_1712 : i32
        %add3A_1714 = arith.addi %mul3A_1687, %mul3A_1713 : i32
        %add3A_1715 = vector.broadcast %add3A_1714 : i32 to vector<16xi32>
        %add3A_1716 = arith.addi %add3A_1041, %add3A_1715 : vector<16xi32>
        %jit3A_1717 = arith.constant 128 : i32
        %eq3A_1718 = arith.constant 0 : i32
        %eq3A_1719 = arith.cmpi eq, %jit3A_1717, %eq3A_1718 : i32
        %jit3A_1720 = arith.constant 1 : i32
        %select_n3A_1721 = arith.select %eq3A_1719, %jit3A_1720, %jit3A_1717 : i32
        %rem3A_1722 = arith.remsi %select_n3A_1684, %select_n3A_1721 : i32
        %ne3A_1723 = arith.constant 0 : i32
        %ne3A_1724 = arith.cmpi ne, %rem3A_1722, %ne3A_1723 : i32
        %lt3A_1725 = arith.constant 0 : i32
        %lt3A_1726 = arith.cmpi slt, %rem3A_1722, %lt3A_1725 : i32
        %lt3A_1727 = arith.constant 0 : i32
        %lt3A_1728 = arith.cmpi slt, %select_n3A_1721, %lt3A_1727 : i32
        %ne3A_1729 = arith.xori %lt3A_1726, %lt3A_1728 : i1
        %and3A_1730 = arith.andi %ne3A_1729, %ne3A_1724 : i1
        %add3A_1731 = arith.addi %rem3A_1722, %select_n3A_1721 : i32
        %select_n3A_1732 = arith.select %and3A_1730, %add3A_1731, %rem3A_1722 : i32
        %broadcast_in_dim3A_1733 = vector.broadcast %select_n3A_1732 : i32 to vector<16xi32>
        %gather3A_1734 = tpu.vector_load_idx %run_scoped3A[%add3A_1716, %broadcast_in_dim3A_1733] : memref<256x128xi32, #tpu.memory_space<vmem>>[vector<16xi32>, vector<16xi32>], vector<16xi32>,
        %mul3A_1735 = arith.constant 128 : i32
        %mul3A_1736 = arith.muli %mul3A_1735, %scan3A_1049 : i32
        %add3A_1737 = arith.constant 80 : i32
        %add3A_1738 = arith.addi %mul3A_1736, %add3A_1737 : i32
        %swap3A_1739 = arith.index_cast %add3A_1738 : i32 to index
        %swap3A_1740 = tpu.vector_load %arg4[%swap3A_1739] {strides = array<i32>} : memref<2176xi32, #tpu.memory_space<vmem>>, vector<16xi32>,
        tpu.vector_store %arg4[%swap3A_1739], %gather3A_1734 {strides = array<i32>} : memref<2176xi32, #tpu.memory_space<vmem>>, vector<16xi32>,
        %mul3A_1741 = arith.constant 8 : i32
        %mul3A_1742 = arith.muli %scan3A_1049, %mul3A_1741 : i32
        %add3A_1743 = arith.constant 6 : i32
        %add3A_1744 = arith.addi %mul3A_1742, %add3A_1743 : i32
        %add3A_1745 = arith.addi %mul3A_2, %add3A_1744 : i32
        %min3A_1746 = arith.constant 4224 : i32
        %min3A_1747 = arith.minsi %add3A_1745, %min3A_1746 : i32
        %jit3A_1748 = arith.constant 65 : i32
        %div3A_1749 = arith.divsi %min3A_1747, %jit3A_1748 : i32
        %sign3A_1750 = arith.constant 0 : i32
        %sign3A_1751 = arith.cmpi sgt, %min3A_1747, %sign3A_1750 : i32
        %sign3A_1752 = arith.extui %sign3A_1751 : i1 to i32
        %sign3A_1753 = arith.constant 0 : i32
        %sign3A_1754 = arith.cmpi slt, %min3A_1747, %sign3A_1753 : i32
        %sign3A_1755 = arith.extui %sign3A_1754 : i1 to i32
        %sign3A_1756 = arith.subi %sign3A_1752, %sign3A_1755 : i32
        %sign3A_1757 = arith.constant 0 : i32
        %sign3A_1758 = arith.cmpi sgt, %jit3A_1748, %sign3A_1757 : i32
        %sign3A_1759 = arith.extui %sign3A_1758 : i1 to i32
        %sign3A_1760 = arith.constant 0 : i32
        %sign3A_1761 = arith.cmpi slt, %jit3A_1748, %sign3A_1760 : i32
        %sign3A_1762 = arith.extui %sign3A_1761 : i1 to i32
        %sign3A_1763 = arith.subi %sign3A_1759, %sign3A_1762 : i32
        %ne3A_1764 = arith.cmpi ne, %sign3A_1756, %sign3A_1763 : i32
        %rem3A_1765 = arith.remsi %min3A_1747, %jit3A_1748 : i32
        %ne3A_1766 = arith.constant 0 : i32
        %ne3A_1767 = arith.cmpi ne, %rem3A_1765, %ne3A_1766 : i32
        %and3A_1768 = arith.andi %ne3A_1764, %ne3A_1767 : i1
        %sub3A_1769 = arith.constant 1 : i32
        %sub3A_1770 = arith.subi %div3A_1749, %sub3A_1769 : i32
        %select_n3A_1771 = arith.select %and3A_1768, %sub3A_1770, %div3A_1749 : i32
        %mul3A_1772 = arith.constant 65 : i32
        %mul3A_1773 = arith.muli %select_n3A_1771, %mul3A_1772 : i32
        %sub3A_1774 = arith.subi %min3A_1747, %mul3A_1773 : i32
        %mul3A_1775 = arith.constant 513 : i32
        %mul3A_1776 = arith.muli %sub3A_1774, %mul3A_1775 : i32
        %jit3A_1777 = arith.constant 65 : i32
        %div3A_1778 = arith.divsi %mul3A_1776, %jit3A_1777 : i32
        %sign3A_1779 = arith.constant 0 : i32
        %sign3A_1780 = arith.cmpi sgt, %mul3A_1776, %sign3A_1779 : i32
        %sign3A_1781 = arith.extui %sign3A_1780 : i1 to i32
        %sign3A_1782 = arith.constant 0 : i32
        %sign3A_1783 = arith.cmpi slt, %mul3A_1776, %sign3A_1782 : i32
        %sign3A_1784 = arith.extui %sign3A_1783 : i1 to i32
        %sign3A_1785 = arith.subi %sign3A_1781, %sign3A_1784 : i32
        %sign3A_1786 = arith.constant 0 : i32
        %sign3A_1787 = arith.cmpi sgt, %jit3A_1777, %sign3A_1786 : i32
        %sign3A_1788 = arith.extui %sign3A_1787 : i1 to i32
        %sign3A_1789 = arith.constant 0 : i32
        %sign3A_1790 = arith.cmpi slt, %jit3A_1777, %sign3A_1789 : i32
        %sign3A_1791 = arith.extui %sign3A_1790 : i1 to i32
        %sign3A_1792 = arith.subi %sign3A_1788, %sign3A_1791 : i32
        %ne3A_1793 = arith.cmpi ne, %sign3A_1785, %sign3A_1792 : i32
        %rem3A_1794 = arith.remsi %mul3A_1776, %jit3A_1777 : i32
        %ne3A_1795 = arith.constant 0 : i32
        %ne3A_1796 = arith.cmpi ne, %rem3A_1794, %ne3A_1795 : i32
        %and3A_1797 = arith.andi %ne3A_1793, %ne3A_1796 : i1
        %sub3A_1798 = arith.constant 1 : i32
        %sub3A_1799 = arith.subi %div3A_1778, %sub3A_1798 : i32
        %select_n3A_1800 = arith.select %and3A_1797, %sub3A_1799, %div3A_1778 : i32
        %sub3A_1801 = arith.subi %select_n3A_1771, %select_n3A : i32
        %mul3A_1802 = arith.constant 64 : i32
        %mul3A_1803 = arith.muli %sub3A_1801, %mul3A_1802 : i32
        %jit3A_1804 = arith.constant 128 : i32
        %div3A_1805 = arith.divsi %select_n3A_1800, %jit3A_1804 : i32
        %sign3A_1806 = arith.constant 0 : i32
        %sign3A_1807 = arith.cmpi sgt, %select_n3A_1800, %sign3A_1806 : i32
        %sign3A_1808 = arith.extui %sign3A_1807 : i1 to i32
        %sign3A_1809 = arith.constant 0 : i32
        %sign3A_1810 = arith.cmpi slt, %select_n3A_1800, %sign3A_1809 : i32
        %sign3A_1811 = arith.extui %sign3A_1810 : i1 to i32
        %sign3A_1812 = arith.subi %sign3A_1808, %sign3A_1811 : i32
        %sign3A_1813 = arith.constant 0 : i32
        %sign3A_1814 = arith.cmpi sgt, %jit3A_1804, %sign3A_1813 : i32
        %sign3A_1815 = arith.extui %sign3A_1814 : i1 to i32
        %sign3A_1816 = arith.constant 0 : i32
        %sign3A_1817 = arith.cmpi slt, %jit3A_1804, %sign3A_1816 : i32
        %sign3A_1818 = arith.extui %sign3A_1817 : i1 to i32
        %sign3A_1819 = arith.subi %sign3A_1815, %sign3A_1818 : i32
        %ne3A_1820 = arith.cmpi ne, %sign3A_1812, %sign3A_1819 : i32
        %rem3A_1821 = arith.remsi %select_n3A_1800, %jit3A_1804 : i32
        %ne3A_1822 = arith.constant 0 : i32
        %ne3A_1823 = arith.cmpi ne, %rem3A_1821, %ne3A_1822 : i32
        %and3A_1824 = arith.andi %ne3A_1820, %ne3A_1823 : i1
        %sub3A_1825 = arith.constant 1 : i32
        %sub3A_1826 = arith.subi %div3A_1805, %sub3A_1825 : i32
        %select_n3A_1827 = arith.select %and3A_1824, %sub3A_1826, %div3A_1805 : i32
        %mul3A_1828 = arith.constant 8 : i32
        %mul3A_1829 = arith.muli %select_n3A_1827, %mul3A_1828 : i32
        %add3A_1830 = arith.addi %mul3A_1803, %mul3A_1829 : i32
        %add3A_1831 = vector.broadcast %add3A_1830 : i32 to vector<16xi32>
        %add3A_1832 = arith.addi %add3A_1041, %add3A_1831 : vector<16xi32>
        %jit3A_1833 = arith.constant 128 : i32
        %eq3A_1834 = arith.constant 0 : i32
        %eq3A_1835 = arith.cmpi eq, %jit3A_1833, %eq3A_1834 : i32
        %jit3A_1836 = arith.constant 1 : i32
        %select_n3A_1837 = arith.select %eq3A_1835, %jit3A_1836, %jit3A_1833 : i32
        %rem3A_1838 = arith.remsi %select_n3A_1800, %select_n3A_1837 : i32
        %ne3A_1839 = arith.constant 0 : i32
        %ne3A_1840 = arith.cmpi ne, %rem3A_1838, %ne3A_1839 : i32
        %lt3A_1841 = arith.constant 0 : i32
        %lt3A_1842 = arith.cmpi slt, %rem3A_1838, %lt3A_1841 : i32
        %lt3A_1843 = arith.constant 0 : i32
        %lt3A_1844 = arith.cmpi slt, %select_n3A_1837, %lt3A_1843 : i32
        %ne3A_1845 = arith.xori %lt3A_1842, %lt3A_1844 : i1
        %and3A_1846 = arith.andi %ne3A_1845, %ne3A_1840 : i1
        %add3A_1847 = arith.addi %rem3A_1838, %select_n3A_1837 : i32
        %select_n3A_1848 = arith.select %and3A_1846, %add3A_1847, %rem3A_1838 : i32
        %broadcast_in_dim3A_1849 = vector.broadcast %select_n3A_1848 : i32 to vector<16xi32>
        %gather3A_1850 = tpu.vector_load_idx %run_scoped3A[%add3A_1832, %broadcast_in_dim3A_1849] : memref<256x128xi32, #tpu.memory_space<vmem>>[vector<16xi32>, vector<16xi32>], vector<16xi32>,
        %mul3A_1851 = arith.constant 128 : i32
        %mul3A_1852 = arith.muli %mul3A_1851, %scan3A_1049 : i32
        %add3A_1853 = arith.constant 96 : i32
        %add3A_1854 = arith.addi %mul3A_1852, %add3A_1853 : i32
        %swap3A_1855 = arith.index_cast %add3A_1854 : i32 to index
        %swap3A_1856 = tpu.vector_load %arg4[%swap3A_1855] {strides = array<i32>} : memref<2176xi32, #tpu.memory_space<vmem>>, vector<16xi32>,
        tpu.vector_store %arg4[%swap3A_1855], %gather3A_1850 {strides = array<i32>} : memref<2176xi32, #tpu.memory_space<vmem>>, vector<16xi32>,
        %mul3A_1857 = arith.constant 8 : i32
        %mul3A_1858 = arith.muli %scan3A_1049, %mul3A_1857 : i32
        %add3A_1859 = arith.constant 7 : i32
        %add3A_1860 = arith.addi %mul3A_1858, %add3A_1859 : i32
        %add3A_1861 = arith.addi %mul3A_2, %add3A_1860 : i32
        %min3A_1862 = arith.constant 4224 : i32
        %min3A_1863 = arith.minsi %add3A_1861, %min3A_1862 : i32
        %jit3A_1864 = arith.constant 65 : i32
        %div3A_1865 = arith.divsi %min3A_1863, %jit3A_1864 : i32
        %sign3A_1866 = arith.constant 0 : i32
        %sign3A_1867 = arith.cmpi sgt, %min3A_1863, %sign3A_1866 : i32
        %sign3A_1868 = arith.extui %sign3A_1867 : i1 to i32
        %sign3A_1869 = arith.constant 0 : i32
        %sign3A_1870 = arith.cmpi slt, %min3A_1863, %sign3A_1869 : i32
        %sign3A_1871 = arith.extui %sign3A_1870 : i1 to i32
        %sign3A_1872 = arith.subi %sign3A_1868, %sign3A_1871 : i32
        %sign3A_1873 = arith.constant 0 : i32
        %sign3A_1874 = arith.cmpi sgt, %jit3A_1864, %sign3A_1873 : i32
        %sign3A_1875 = arith.extui %sign3A_1874 : i1 to i32
        %sign3A_1876 = arith.constant 0 : i32
        %sign3A_1877 = arith.cmpi slt, %jit3A_1864, %sign3A_1876 : i32
        %sign3A_1878 = arith.extui %sign3A_1877 : i1 to i32
        %sign3A_1879 = arith.subi %sign3A_1875, %sign3A_1878 : i32
        %ne3A_1880 = arith.cmpi ne, %sign3A_1872, %sign3A_1879 : i32
        %rem3A_1881 = arith.remsi %min3A_1863, %jit3A_1864 : i32
        %ne3A_1882 = arith.constant 0 : i32
        %ne3A_1883 = arith.cmpi ne, %rem3A_1881, %ne3A_1882 : i32
        %and3A_1884 = arith.andi %ne3A_1880, %ne3A_1883 : i1
        %sub3A_1885 = arith.constant 1 : i32
        %sub3A_1886 = arith.subi %div3A_1865, %sub3A_1885 : i32
        %select_n3A_1887 = arith.select %and3A_1884, %sub3A_1886, %div3A_1865 : i32
        %mul3A_1888 = arith.constant 65 : i32
        %mul3A_1889 = arith.muli %select_n3A_1887, %mul3A_1888 : i32
        %sub3A_1890 = arith.subi %min3A_1863, %mul3A_1889 : i32
        %mul3A_1891 = arith.constant 513 : i32
        %mul3A_1892 = arith.muli %sub3A_1890, %mul3A_1891 : i32
        %jit3A_1893 = arith.constant 65 : i32
        %div3A_1894 = arith.divsi %mul3A_1892, %jit3A_1893 : i32
        %sign3A_1895 = arith.constant 0 : i32
        %sign3A_1896 = arith.cmpi sgt, %mul3A_1892, %sign3A_1895 : i32
        %sign3A_1897 = arith.extui %sign3A_1896 : i1 to i32
        %sign3A_1898 = arith.constant 0 : i32
        %sign3A_1899 = arith.cmpi slt, %mul3A_1892, %sign3A_1898 : i32
        %sign3A_1900 = arith.extui %sign3A_1899 : i1 to i32
        %sign3A_1901 = arith.subi %sign3A_1897, %sign3A_1900 : i32
        %sign3A_1902 = arith.constant 0 : i32
        %sign3A_1903 = arith.cmpi sgt, %jit3A_1893, %sign3A_1902 : i32
        %sign3A_1904 = arith.extui %sign3A_1903 : i1 to i32
        %sign3A_1905 = arith.constant 0 : i32
        %sign3A_1906 = arith.cmpi slt, %jit3A_1893, %sign3A_1905 : i32
        %sign3A_1907 = arith.extui %sign3A_1906 : i1 to i32
        %sign3A_1908 = arith.subi %sign3A_1904, %sign3A_1907 : i32
        %ne3A_1909 = arith.cmpi ne, %sign3A_1901, %sign3A_1908 : i32
        %rem3A_1910 = arith.remsi %mul3A_1892, %jit3A_1893 : i32
        %ne3A_1911 = arith.constant 0 : i32
        %ne3A_1912 = arith.cmpi ne, %rem3A_1910, %ne3A_1911 : i32
        %and3A_1913 = arith.andi %ne3A_1909, %ne3A_1912 : i1
        %sub3A_1914 = arith.constant 1 : i32
        %sub3A_1915 = arith.subi %div3A_1894, %sub3A_1914 : i32
        %select_n3A_1916 = arith.select %and3A_1913, %sub3A_1915, %div3A_1894 : i32
        %sub3A_1917 = arith.subi %select_n3A_1887, %select_n3A : i32
        %mul3A_1918 = arith.constant 64 : i32
        %mul3A_1919 = arith.muli %sub3A_1917, %mul3A_1918 : i32
        %jit3A_1920 = arith.constant 128 : i32
        %div3A_1921 = arith.divsi %select_n3A_1916, %jit3A_1920 : i32
        %sign3A_1922 = arith.constant 0 : i32
        %sign3A_1923 = arith.cmpi sgt, %select_n3A_1916, %sign3A_1922 : i32
        %sign3A_1924 = arith.extui %sign3A_1923 : i1 to i32
        %sign3A_1925 = arith.constant 0 : i32
        %sign3A_1926 = arith.cmpi slt, %select_n3A_1916, %sign3A_1925 : i32
        %sign3A_1927 = arith.extui %sign3A_1926 : i1 to i32
        %sign3A_1928 = arith.subi %sign3A_1924, %sign3A_1927 : i32
        %sign3A_1929 = arith.constant 0 : i32
        %sign3A_1930 = arith.cmpi sgt, %jit3A_1920, %sign3A_1929 : i32
        %sign3A_1931 = arith.extui %sign3A_1930 : i1 to i32
        %sign3A_1932 = arith.constant 0 : i32
        %sign3A_1933 = arith.cmpi slt, %jit3A_1920, %sign3A_1932 : i32
        %sign3A_1934 = arith.extui %sign3A_1933 : i1 to i32
        %sign3A_1935 = arith.subi %sign3A_1931, %sign3A_1934 : i32
        %ne3A_1936 = arith.cmpi ne, %sign3A_1928, %sign3A_1935 : i32
        %rem3A_1937 = arith.remsi %select_n3A_1916, %jit3A_1920 : i32
        %ne3A_1938 = arith.constant 0 : i32
        %ne3A_1939 = arith.cmpi ne, %rem3A_1937, %ne3A_1938 : i32
        %and3A_1940 = arith.andi %ne3A_1936, %ne3A_1939 : i1
        %sub3A_1941 = arith.constant 1 : i32
        %sub3A_1942 = arith.subi %div3A_1921, %sub3A_1941 : i32
        %select_n3A_1943 = arith.select %and3A_1940, %sub3A_1942, %div3A_1921 : i32
        %mul3A_1944 = arith.constant 8 : i32
        %mul3A_1945 = arith.muli %select_n3A_1943, %mul3A_1944 : i32
        %add3A_1946 = arith.addi %mul3A_1919, %mul3A_1945 : i32
        %add3A_1947 = vector.broadcast %add3A_1946 : i32 to vector<16xi32>
        %add3A_1948 = arith.addi %add3A_1041, %add3A_1947 : vector<16xi32>
        %jit3A_1949 = arith.constant 128 : i32
        %eq3A_1950 = arith.constant 0 : i32
        %eq3A_1951 = arith.cmpi eq, %jit3A_1949, %eq3A_1950 : i32
        %jit3A_1952 = arith.constant 1 : i32
        %select_n3A_1953 = arith.select %eq3A_1951, %jit3A_1952, %jit3A_1949 : i32
        %rem3A_1954 = arith.remsi %select_n3A_1916, %select_n3A_1953 : i32
        %ne3A_1955 = arith.constant 0 : i32
        %ne3A_1956 = arith.cmpi ne, %rem3A_1954, %ne3A_1955 : i32
        %lt3A_1957 = arith.constant 0 : i32
        %lt3A_1958 = arith.cmpi slt, %rem3A_1954, %lt3A_1957 : i32
        %lt3A_1959 = arith.constant 0 : i32
        %lt3A_1960 = arith.cmpi slt, %select_n3A_1953, %lt3A_1959 : i32
        %ne3A_1961 = arith.xori %lt3A_1958, %lt3A_1960 : i1
        %and3A_1962 = arith.andi %ne3A_1961, %ne3A_1956 : i1
        %add3A_1963 = arith.addi %rem3A_1954, %select_n3A_1953 : i32
        %select_n3A_1964 = arith.select %and3A_1962, %add3A_1963, %rem3A_1954 : i32
        %broadcast_in_dim3A_1965 = vector.broadcast %select_n3A_1964 : i32 to vector<16xi32>
        %gather3A_1966 = tpu.vector_load_idx %run_scoped3A[%add3A_1948, %broadcast_in_dim3A_1965] : memref<256x128xi32, #tpu.memory_space<vmem>>[vector<16xi32>, vector<16xi32>], vector<16xi32>,
        %mul3A_1967 = arith.constant 128 : i32
        %mul3A_1968 = arith.muli %mul3A_1967, %scan3A_1049 : i32
        %add3A_1969 = arith.constant 112 : i32
        %add3A_1970 = arith.addi %mul3A_1968, %add3A_1969 : i32
        %swap3A_1971 = arith.index_cast %add3A_1970 : i32 to index
        %swap3A_1972 = tpu.vector_load %arg4[%swap3A_1971] {strides = array<i32>} : memref<2176xi32, #tpu.memory_space<vmem>>, vector<16xi32>,
        tpu.vector_store %arg4[%swap3A_1971], %gather3A_1966 {strides = array<i32>} : memref<2176xi32, #tpu.memory_space<vmem>>, vector<16xi32>,
      }
      %scan3A_1046 = arith.constant 17 : i32
      %mul3A_1047 = arith.constant 2176 : i32
      %mul3A_1048 = arith.muli %add3A, %mul3A_1047 : i32
      "tpu.region"() ({
        %run_scoped3A_1049 = tpu.sem_alloc : memref<!tpu.dma_semaphore, #tpu.memory_space<semaphore_mem>>
        %dma_start3A_1050 = tpu.memref_slice %arg3[%mul3A_1048] : memref<69632xi32, #tpu.memory_space<hbm>> -> memref<2176xi32, #tpu.memory_space<hbm>>
        %dma_start3A_1051 = tpu.memref_slice %arg3[%mul3A_1048] : memref<69632xi32, #tpu.memory_space<hbm>> -> memref<2176xi32, #tpu.memory_space<hbm>>
        tpu.enqueue_dma source(%arg4 : memref<2176xi32, #tpu.memory_space<vmem>>) target(%dma_start3A_1051 : memref<2176xi32, #tpu.memory_space<hbm>>) target_semaphore(%run_scoped3A_1049 : memref<!tpu.dma_semaphore, #tpu.memory_space<semaphore_mem>>)
        %dma_wait3A_1052 = tpu.memref_slice %arg3[%mul3A_1048] : memref<69632xi32, #tpu.memory_space<hbm>> -> memref<2176xi32, #tpu.memory_space<hbm>>
        %dma_wait3A_1053 = tpu.memref_slice %arg3[%mul3A_1048] : memref<69632xi32, #tpu.memory_space<hbm>> -> memref<2176xi32, #tpu.memory_space<hbm>>
        tpu.wait_dma2 semaphore(%run_scoped3A_1049 : memref<!tpu.dma_semaphore, #tpu.memory_space<semaphore_mem>>) src(%arg4 : memref<2176xi32, #tpu.memory_space<vmem>>) dst(%dma_wait3A_1053 : memref<2176xi32, #tpu.memory_space<hbm>>)
        tpu.yield
      }) : () -> ()
      tpu.yield
    }) : () -> ()
    return
  }
}

</mosaic_0001>

<sc_bundles>
// kernel: _sc_downsample.3.cloned.1.call-start
scs
__scs_entry_jumppad:
0x0: {  	(pc) =	sbr.rel $0x88, $3  }
0x1: {  	(tag) =	ssettag $0x0;
	lr =	simm.s32 $0x1  }
0x2: {  	[smem:$0x3FA0] =	sst lr;
	_ =	strace $0xD0000000  }
0x3: {  	_ = 	snop  }
0x4: {  	_ = 	snop  }
0x5: {  	_ = 	snop  }
0x6: {  	_ = 	snop  }
0x7: {  	_ = 	snop  }
__scs_overlays_trampoline_lowered:
0x8: {  	[smem:$0x3FAF] =	sst s0  }
0x9: {  	[smem:$0x3FB0] =	sst s1  }
0xa: {  	[smem:$0x3FB1] =	sst s2  }
0xb: {  	[smem:$0x3FB2] =	sst s3  }
0xc: {  	[smem:$0x3FB3] =	sst s4  }
0xd: {  	[smem:$0x3FB4] =	sst s5  }
0xe: {  	[smem:$0x3FB5] =	sst s6  }
0xf: {  	[smem:$0x3FB6] =	sst s7  }
0x10: {  	[smem:$0x3FB7] =	sst s8  }
0x11: {  	[smem:$0x3FB8] =	sst s9;
	s0 =	simm.s32 @!p0 $0x0  }
0x12: {  	s1 =	sld [smem:$0x3F9E];
	s0 =	simm.s32 @p0 $0x1  }
0x13: {  	[smem:$0x3FB9] =	sst s0;
	s0 =	simm.s32 @!p1 $0x0  }
0x14: {  	s2 =	sld [smem:$0x3F9D];
	s0 =	simm.s32 @p1 $0x1  }
0x15: {  	[smem:$0x3FBA] =	sst s0;
	s0 =	simm.s32 @!p2 $0x0  }
0x16: {  	s3 =	sld [smem:$0x3FDB];
	s0 =	simm.s32 @p2 $0x1  }
0x17: {  	s4 =	simm.s32 $0x1BF5;
	[smem:$0x3FBC] =	sst s0  }
0x18: {  	s0 =	sld [smem:$0x3F9F];
	_ =	swait.ge [sflag:s4], $0x0  }
0x19: {  	s7 =	sld [smem:$0x3FA0]  }
0x1a: {  	s8 =	sadd.s32 $0xFFFFE003, lr  }
0x1b: {  	s9 =	sadd.s32 $0xFFFFFEF7, lr;
	s5 =	simm.s32 $0xFFFFFFFF;
	p2 =	slt.u32 s8, $0xFFFFF086  }
0x1c: {  	p1 =	slt.u32 s9, $0xF7A;
	s5 =	simm.s32 @!p2 $0x0  }
0x1d: {  	s5 =	simm.s32 @p1 $0x1;
	p0 =	seq.s32 s7, s2  }
0x1e: {  	s7 =	smul.u32 @!p0 $0xF7A, s2;
	p2 =	seq.s32 @!p0 s5, $0x0  }
0x1f: {  	s9 =	smul.u32 $0xF7A, s1;
	s8 =	simm.s32 @!p0 $0x1BF5;
	p2 =	por !p2, p0  }
0x20: {  	[sflag:s8] =	ssyncset.s32 @!p0 $0xFFFFF086;
	s6 =	sadd.s32 @!p0 s3, s7;
	s7 =	simm.s32 @!p0 $0x108  }
0x21: {  	s3 =	sadd.s32 s3, s9;
	s6 =	sadd.s32 @!p0 $0x88, s6;
	s7 =	simm.s32 @p2 $0x1082  }
0x22: {  	[simem:s7], [sflag:s8] =	dma.local @!p0 [hbm:s6], $0xF7A  }
0x23: {  	s9 =	sor.u32 $0xD0000000, s2;
	s6 =	simm.s32 $0x108;
	_ =	swait.ge @!p0 [sflag:s8], $0x0  }
0x24: {  	s3 =	sadd.s32 $0x88, s3;
	s6 =	simm.s32 @!p1 $0x1082;
	[sflag:s4] =	ssyncset.s32 $0xFFFFF086  }
0x25: {  	[simem:s6], [sflag:s4] =	dma.local [hbm:s3], $0xF7A  }
0x26: {  	[smem:$0x3FA0] =	sst s1;
	(tag) =	ssettag s2;
	_ =	strace s9  }
0x27: {  	s1 =	sld [smem:$0x3FB0]  }
0x28: {  	s2 =	sld [smem:$0x3FB1]  }
0x29: {  	s4 =	sld [smem:$0x3FB3]  }
0x2a: {  	p0 =	seq.s32 s5, $0x0;
	s5 =	sld [smem:$0x3FB4]  }
0x2b: {  	s6 =	sld [smem:$0x3FB5]  }
0x2c: {  	s7 =	sld [smem:$0x3FB6]  }
0x2d: {  	s3 =	simm.s32 $0x108;
	s8 =	sld [smem:$0x3FB7]  }
0x2e: {  	s3 =	simm.s32 @!p0 $0x1082;
	s9 =	sld [smem:$0x3FB8]  }
0x2f: {  	lr =	sadd.s32 s0, s3;
	s0 =	sld [smem:$0x3FAF]  }
0x30: {  	s3 =	sld [smem:$0x3FB2]  }
0x31: {  	[smem:$0x3FBB] =	sst s10  }
0x32: {  	s10 =	sld [smem:$0x3FB9];
	_ =	sdelay $0x3  }
0x33: {  	p0 =	seq.s32 s10, $0x1;
	s10 =	sld [smem:$0x3FBB];
	_ =	sdelay $0x3  }
0x34: {  	[smem:$0x3FBB] =	sst s10  }
0x35: {  	s10 =	sld [smem:$0x3FBA];
	_ =	sdelay $0x3  }
0x36: {  	p1 =	seq.s32 s10, $0x1;
	s10 =	sld [smem:$0x3FBB];
	_ =	sdelay $0x3  }
0x37: {  	[smem:$0x3FBB] =	sst s10  }
0x38: {  	s10 =	sld [smem:$0x3FBC]  }
0x39: {  	_ = 	snop;
	(pc) =	sbr.ind lr, $3  }
0x3a: {  	_ = 	snop  }
0x3b: {  	_ = 	snop  }
0x3c: {  	p2 =	seq.s32 s10, $0x1;
	s10 =	sld [smem:$0x3FBB]  }
0x3d: {  	_ =	shalt  }
0x3e: {  	_ =	shalt  }
0x3f: {  	_ =	shalt  }
0x40: {  	_ =	shalt  }
0x41: {  	_ =	shalt  }
0x42: {  	_ =	shalt  }
0x43: {  	_ =	shalt  }
0x44: {  	_ =	shalt  }
0x45: {  	_ =	shalt  }
0x46: {  	_ =	shalt  }
0x47: {  	_ =	shalt  }
0x48: {  	_ =	shalt  }
0x49: {  	_ =	shalt  }
0x4a: {  	_ =	shalt  }
0x4b: {  	_ =	shalt  }
0x4c: {  	_ =	shalt  }
0x4d: {  	_ =	shalt  }
0x4e: {  	_ =	shalt  }
0x4f: {  	_ =	shalt  }
0x50: {  	_ =	shalt  }
0x51: {  	_ =	shalt  }
0x52: {  	_ =	shalt  }
0x53: {  	_ =	shalt  }
0x54: {  	_ =	shalt  }
0x55: {  	_ =	shalt  }
0x56: {  	_ =	shalt  }
0x57: {  	_ =	shalt  }
0x58: {  	_ =	shalt  }
0x59: {  	_ =	shalt  }
0x5a: {  	_ =	shalt  }
0x5b: {  	_ =	shalt  }
0x5c: {  	_ =	shalt  }
0x5d: {  	_ =	shalt  }
0x5e: {  	_ =	shalt  }
0x5f: {  	_ =	shalt  }
0x60: {  	_ =	shalt  }
0x61: {  	_ =	shalt  }
0x62: {  	_ =	shalt  }
0x63: {  	_ =	shalt  }
0x64: {  	_ =	shalt  }
0x65: {  	_ =	shalt  }
0x66: {  	_ =	shalt  }
0x67: {  	_ =	shalt  }
0x68: {  	_ =	shalt  }
0x69: {  	_ =	shalt  }
0x6a: {  	_ =	shalt  }
0x6b: {  	_ =	shalt  }
0x6c: {  	_ =	shalt  }
0x6d: {  	_ =	shalt  }
0x6e: {  	_ =	shalt  }
0x6f: {  	_ =	shalt  }
0x70: {  	_ =	shalt  }
0x71: {  	_ =	shalt  }
0x72: {  	_ =	shalt  }
0x73: {  	_ =	shalt  }
0x74: {  	_ =	shalt  }
0x75: {  	_ =	shalt  }
0x76: {  	_ =	shalt  }
0x77: {  	_ =	shalt  }
0x78: {  	_ =	shalt  }
0x79: {  	_ =	shalt  }
0x7a: {  	_ =	shalt  }
0x7b: {  	_ =	shalt  }
0x7c: {  	_ =	shalt  }
0x7d: {  	_ =	shalt  }
0x7e: {  	_ =	shalt  }
0x7f: {  	_ =	shalt  }
0x80: {  	_ =	shalt  }
0x81: {  	_ =	shalt  }
0x82: {  	_ =	shalt  }
0x83: {  	_ =	shalt  }
0x84: {  	_ =	shalt  }
0x85: {  	_ =	shalt  }
0x86: {  	_ =	shalt  }
0x87: {  	_ =	shalt  }
.Lfunc_end0:
.L_simem_size_0:
called_computation_lowered:
.L_overlay_start_0:
0x88: {  	s2 =	sld [smem:$0x3FD9]  }
0x89: {  	s3 =	sld [smem:$0x3FFE];
	_ =	sdelay $0x1  }
0x8a: {  	s1 =	srdreg.scid  }
0x8b: {  	s0 =	sand.u32 $0x1, s1  }
0x8c: {  	s18 =	sshll.u32 s0, $0xA;
	s2 =	sadd.s32 s3, s2  }
0x8d: {  	s2 =	sadd.s32 s2, s18  }
0x8e: {  	[smem:$0x3FC7] =	sst s2  }
0x8f: {  	_ = 	snop  }
0x90: {  	s2 =	sld [smem:$0x3FC9]  }
0x91: {  	s19 =	sld [smem:$0x3FD0];
	(tm) =	ssettm $0x1  }
0x92: {  	s4 =	sld [smem:$0x3FFB];
	_ =	sdelay $0x3  }
0x93: {  	_ =	strace s4  }
0x94: {  	s4 =	sld [smem:$0x3FFC];
	_ =	sdelay $0x3  }
0x95: {  	_ =	strace s4  }
0x96: {  	s4 =	sld [smem:$0x3FFD];
	_ =	sdelay $0x3  }
0x97: {  	_ =	strace s4  }
0x98: {  	_ =	strace $0x8FFFFFFF  }
0x99: {  	s20 =	sld [smem:$0x3FDB];
	_ =	sdelay $0x1  }
0x9a: {  	s5 =	simm.s32 $_scs_section_size  }
0x9b: {  	s6 =	simm.s32 $_size__tile_overlayer_lowered;
	s7 =	simm.s32 $_tile_overlayer_lowered  }
0x9c: {  	s23 =	simm.s32 $0x1BFF;
	s22 =	sshll.u32 s7, $0x1;
	s4 =	sadd.s32 s5, s20  }
0x9d: {  	s8 =	simm.s32 $0x0;
	s21 =	sshll.u32 s6, $0x1;
	s6 =	sadd.s32 s22, s4  }
0x9e: {  	[timem:s8], [sflag:s23] =	dma.local [hbm:s6], s21  }
0x9f: {  	_ =	swait.ge [sflag:s23], s21  }
0xa0: {  	s5 =	ssub.s32 $0x0, s21;
	[sflag:s23] =	ssyncset.done $0x0  }
0xa1: {  	[sflag:s23] =	ssyncadd.s32 s5;
	_ =	sdelay $0x1  }
0xa2: {  	s24 =	simm.s32 $0x1B8B  }
0xa3: {  	_ =	swait.ge [sflag:s24], $0x1  }
0xa4: {  	[sflag:s24] =	ssyncset.done $0x0  }
0xa5: {  	s25 =	simm.s32 $0x1B8E;
	[sflag:s24] =	ssyncadd.s32 $0xFFFFFFFF  }
0xa6: {  	s26 =	simm.s32 $execute0_lowered;
	[smem:$0x3FD2] =	sst s25  }
0xa7: {  	s5 =	sshll.u32 s26, $0x1;
	_ =	strace $0x80000046;
	[dreg:$0x1] =	wrdreg $0xFFFFFFFF  }
0xa8: {  	s28 =	simm.s32 $_size_execute0_lowered;
	s4 =	sadd.s32 s4, s5;
	[dreg:$0x0] =	wrdreg $0x0  }
0xa9: {  	s5 =	sshll.u32 s28, $0x1;
	[dreg:$0x2] =	wrdreg s4  }
0xaa: {  	[dreg:$0x3] =	wrdreg s5  }
0xab: {  	[dreg:$0x4] =	wrdreg $0xC0  }
0xac: {  	_ =	task [dreg:s8], $0x5FFFF  }
0xad: {  	[dreg:$0x1] =	wrdreg $0xFFFFFFFF  }
0xae: {  	[dreg:$0x0] =	wrdreg $0x60  }
0xaf: {  	[dreg:$0x2] =	wrdreg s2  }
0xb0: {  	[dreg:$0x3] =	wrdreg s19  }
0xb1: {  	[dreg:$0x4] =	wrdreg $0x9  }
0xb2: {  	_ =	task.clear_ibuf [dreg:s8], $0x5FFFF;
	_ =	strace $0x90000046  }
0xb3: {  	s29 =	simm.s32 $0x9;
	_ =	strace $0x80000048  }
0xb4: {  	_ =	swait.ge [sflag:s29], $0x1  }
0xb5: {  	[sflag:s29] =	ssyncadd.s32 $0xFFFFFFFF  }
0xb6: {  	_ =	strace $0x90000048  }
0xb7: {  	_ =	sfence  }
0xb8: {  	s30 =	sld [smem:$0x0];
	_ =	sdelay $0x2  }
0xb9: {  	s31 =	sshll.u32 s1, $0xD;
	s1 =	sshrl.u32 s1, $0x2  }
0xba: {  	s3 =	sand.u32 $0x4000, s31;
	s1 =	sadd.s32 s1, s30  }
0xbb: {  	s0 =	sor.u32 s3, s0;
	s1 =	sshll.u32 s1, $0x11  }
0xbc: {  	s0 =	sor.u32 s1, s0  }
0xbd: {  	s0 =	sadd.s32 $0x8F2B, s0  }
0xbe: {  	[sflag:s0] =	ssyncadd.remote.s32 $0x1  }
0xbf: {  	_ =	sfence.sel $0xFFFF  }
0xc0: {  	[dreg:$0x0] =	wrdreg $0xFFFFFFFF;
	(pc) =	sbr.abs _section_cstart, $3  }
0xc1: {  	[dreg:$0x1] =	wrdreg $0xFFFFFFFF  }
0xc2: {  	_ =	task.clear_ibuf [dreg:s8], $0x2FFFF;
	_ =	strace $0x9FFFFFFF  }
0xc3: {  	(tm) =	ssettm $0x7FFFFFFF  }
tec
execute0_lowered:
.L_overlay_start_1:
0x0: {  	(tag) =	ssettag $0x1  }
0x1: {  	s0 =	srdreg.scid;
	s12 =	stileid.u32  }
0x2: {  	s0 =	sand.u32 $0x1, s0;
	s1 =	sshll.u32 s12, $0x1  }
0x3: {  	s2 =	sor.u32 s0, s1  }
0x4: {  	s1 =	smul.u32 $0x85E88, s2;
	_ =	sdelay $0x1  }
0x5: {  	s1 =	sshrl.u32 s1, $0x12  }
0x6: {  	s4 =	rddreg [dreg:$0x1];
	s13 =	simm.s32 $0x0;
	s3 =	smul.u32 $0xFFFF91C1, s1  }
0x7: {  	s6 =	simm.s32 $0x1;
	[smem:$0x7FF] =	sst s13;
	s11 =	ssub.s32 $0x2, s0  }
0x8: {  	p0 =	seq.s32 s2, $0x0;
	s2 =	smul.u32 $0x110, s2;
	s3 =	sand.u32 $0xFFFF, s3  }
0x9: {  	s0 =	smul.u32 $0x88, s0;
	s7 =	sshrl.u32 s11, $0x1;
	p1 =	sgt.u32 s3, $0x3F0  }
0xa: {  	s2 =	sadd.s32 s4, s2;
	s5 =	smul.u32 $0x1F91C1, s1;
	p0 =	por !p0, !p1  }
0xb: {  	s20 =	smin.u32 s1, $0x3F;
	s23 =	smin.u32 s1, $0x3E;
	p0 =	por !p0, !p0  }
0xc: {  	s5 =	sshrl.u32 s5, $0x12;
	s3 =	rddreg [dreg:$0x0];
	s6 =	simm.s32 @!p0 $0x0  }
0xd: {  	_ =	strace $0x80000047;
	[dreg:$0x4] =	wrdreg s1;
	s5 =	ssub.s32 s5, s6  }
0xe: {  	s6 =	ssub.s32 s11, s7;
	s11 =	smin.u32 s1, $0x3D;
	s5 =	smul.u32 $0x2800, s5  }
0xf: {  	[smem:$0x7EB] =	sst s2;
	s15 =	sadd.s32 $0x80, s3;
	s26 =	smul.u32 $0x1F91C1, s11  }
0x10: {  	s11 =	smul.u32 $0x110, s12;
	s14 =	sshrl.u32 s5, $0x3;
	s16 =	sadd.s32 $0x800, s5  }
0x11: {  	s9 =	sadd.s32 $0xC00, s5;
	s10 =	sadd.s32 $0x1400, s5;
	s19 =	sadd.s32 $0x1800, s5  }
0x12: {  	s21 =	sadd.s32 $0x1C00, s5;
	s5 =	sadd.s32 $0x2000, s5;
	s0 =	sadd.s32 s0, s11  }
0x13: {  	s8 =	sadd.s32 s3, s14;
	s7 =	sadd.s32 s14, s15;
	s9 =	sshrl.u32 s9, $0x3  }
0x14: {  	s18 =	sshrl.u32 s10, $0x3;
	s22 =	sshrl.u32 s21, $0x3;
	[dreg:$0x3] =	wrdreg s0  }
0x15: {  	s10 =	smul.u32 $0x1F91C1, s23;
	s5 =	sshrl.u32 s5, $0x3;
	[dreg:$0x14] =	wrdreg s8  }
0x16: {  	[dreg:$0x15] =	wrdreg s7;
	s7 =	sshrl.u32 s16, $0x3;
	s17 =	sadd.s32 s3, s9  }
0x17: {  	s9 =	smul.u32 $0x1F91C1, s20;
	s7 =	sadd.s32 s3, s7;
	[dreg:$0x17] =	wrdreg s17  }
0x18: {  	s24 =	sadd.s32 s3, s22;
	[dreg:$0x16] =	wrdreg s7;
	s7 =	sadd.s32 s3, s18  }
0x19: {  	s9 =	sadd.s32 $0x1F91C1, s9;
	[dreg:$0x18] =	wrdreg s7;
	s7 =	sshrl.u32 s19, $0x3  }
0x1a: {  	[dreg:$0x1a] =	wrdreg s24;
	s25 =	sshrl.u32 s9, $0x12;
	s7 =	sadd.s32 s3, s7  }
0x1b: {  	s28 =	sadd.s32 s3, s5;
	[dreg:$0x19] =	wrdreg s7;
	s7 =	smul.u32 $0x2800, s25  }
0x1c: {  	s10 =	sadd.s32 $0x3F2382, s10;
	[dreg:$0x1b] =	wrdreg s28;
	s17 =	smax.u32 s6, $0x1  }
0x1d: {  	s10 =	sshrl.u32 s10, $0x12;
	[smem:$0x7EF] =	sst s17;
	s7 =	sshrl.u32 s7, $0x3  }
0x1e: {  	s10 =	smul.u32 $0x2800, s10;
	s29 =	sadd.s32 s3, s7;
	s7 =	sadd.s32 s7, s15  }
0x1f: {  	s9 =	sadd.s32 $0x5EB543, s26;
	[dreg:$0x1d] =	wrdreg s7  }
0x20: {  	s31 =	sshrl.u32 s10, $0x3;
	s10 =	sadd.s32 $0x100, s29;
	[dreg:$0x1c] =	wrdreg s29  }
0x21: {  	s9 =	sshrl.u32 s9, $0x12;
	s7 =	sadd.s32 s31, s15;
	[dreg:$0x1e] =	wrdreg s10  }
0x22: {  	s30 =	smul.u32 $0x2800, s9;
	s12 =	sadd.s32 $0x180, s29;
	[smem:$0x7E8] =	sst s7  }
0x23: {  	s14 =	sadd.s32 $0x280, s29;
	[smem:$0x7EA] =	sst s12  }
0x24: {  	s5 =	sshrl.u32 s30, $0x3;
	s16 =	sadd.s32 $0x380, s29;
	[smem:$0x7EC] =	sst s14  }
0x25: {  	s18 =	sadd.s32 $0x400, s29;
	s10 =	sadd.s32 s3, s31;
	[smem:$0x7EE] =	sst s16  }
0x26: {  	s3 =	sadd.s32 s3, s5;
	s5 =	sadd.s32 s5, s15;
	[smem:$0x7F0] =	sst s18  }
0x27: {  	v0 =	vimm.s32 $0x1380;
	vm0 =	vcmask $0x300;
	s15 =	sadd.s32 $0x300, s29;
	[smem:$0x7E9] =	sst s5  }
0x28: {  	vm14 =	vcmask $0x704;
	v0 =	vsel vm0, $0x0, v0;
	[smem:$0x7ED] =	sst s15  }
0x29: {  	vm15 =	vcmask $0xB08;
	v0 =	vsel vm14, $0x80, v0;
	[dreg:$0x1f] =	wrdreg s10  }
0x2a: {  	vm4 =	vcmask $0xF0C;
	v0 =	vsel vm15, $0x100, v0;
	s19 =	sadd.s32 $0x100, s10;
	[smem:$0x7FC] =	sst s3  }
0x2b: {  	vm5 =	vcmask $0x1310;
	v0 =	vsel vm4, $0x180, v0;
	s20 =	sadd.s32 $0x180, s10;
	[smem:$0x7F1] =	sst s19  }
0x2c: {  	vm6 =	vcmask $0x1714;
	v0 =	vsel vm5, $0x200, v0;
	s21 =	sadd.s32 $0x280, s10;
	[smem:$0x7F2] =	sst s20  }
0x2d: {  	vm7 =	vcmask $0x1B18;
	v0 =	vsel vm6, $0x280, v0;
	s22 =	sadd.s32 $0x300, s10;
	[smem:$0x7F3] =	sst s21  }
0x2e: {  	vm8 =	vcmask $0x1F1C;
	v0 =	vsel vm7, $0x300, v0;
	s23 =	sadd.s32 $0x380, s10;
	[smem:$0x7F4] =	sst s22  }
0x2f: {  	vm9 =	vcmask $0x2320;
	v0 =	vsel vm8, $0x380, v0;
	s24 =	sadd.s32 $0x400, s10;
	[smem:$0x7F5] =	sst s23  }
0x30: {  	vm10 =	vcmask $0x2724;
	v0 =	vsel vm9, $0x1000, v0;
	s25 =	sadd.s32 $0x100, s3;
	[smem:$0x7F6] =	sst s24  }
0x31: {  	vm11 =	vcmask $0x2B28;
	v0 =	vsel vm10, $0x1080, v0;
	s26 =	sadd.s32 $0x180, s3;
	[smem:$0x7F7] =	sst s25  }
0x32: {  	vm12 =	vcmask $0x2F2C;
	v0 =	vsel vm11, $0x1100, v0;
	s28 =	sadd.s32 $0x280, s3;
	[smem:$0x7F8] =	sst s26  }
0x33: {  	vm13 =	vcmask $0x3330;
	v0 =	vsel vm12, $0x1180, v0;
	s29 =	sadd.s32 $0x300, s3;
	[smem:$0x7F9] =	sst s28  }
0x34: {  	vm14 =	vcmask $0x3734;
	v0 =	vsel vm13, $0x1200, v0;
	s30 =	sadd.s32 $0x380, s3;
	[smem:$0x7FA] =	sst s29  }
0x35: {  	vm15 =	vcmask $0x3B38;
	v0 =	vsel vm14, $0x1280, v0;
	s31 =	sadd.s32 $0x400, s3;
	[smem:$0x7FB] =	sst s30  }
0x36: {  	s1 =	simm.s32 $0x880;
	v0 =	vsel vm15, $0x1300, v0;
	s3 =	simm.s32 $0x0;
	[smem:$0x7FD] =	sst s31  }
.LBB2_1:
0x37: {  	[smem:$0x7E7] =	sst s3  }
0x38: {  	s0 =	rddreg [dreg:$0x14]  }
0x39: {  	s4 =	rddreg [dreg:$0x15]  }
0x3a: {  	[tilespmem:s1], [sflag:$0x1] =	stream.linear.gather [hbm4b:s0+s13], $0x400, $0x38;
	[tilespmem:$0x8880] =	vst v63  }
0x3b: {  	s5 =	simm.s32 $0xC80;
	s6 =	rddreg [dreg:$0x16]  }
0x3c: {  	[tilespmem:s5], [sflag:$0x1] =	stream.linear.gather [hbm4b:s4+s13], $0x400, $0x38;
	[tilespmem:$0x8880] =	vst v63  }
0x3d: {  	s7 =	simm.s32 $0x1080;
	s8 =	rddreg [dreg:$0x17]  }
0x3e: {  	[tilespmem:s7], [sflag:$0x1] =	stream.linear.gather [hbm4b:s6+s13], $0x400, $0x38;
	[tilespmem:$0x8880] =	vst v63  }
0x3f: {  	s9 =	simm.s32 $0x1480;
	s10 =	rddreg [dreg:$0x18]  }
0x40: {  	[tilespmem:s9], [sflag:$0x1] =	stream.linear.gather [hbm4b:s8+s13], $0x400, $0x38;
	[tilespmem:$0x8880] =	vst v63  }
0x41: {  	s11 =	simm.s32 $0x1880;
	s12 =	rddreg [dreg:$0x19]  }
0x42: {  	[tilespmem:s11], [sflag:$0x1] =	stream.linear.gather [hbm4b:s10+s13], $0x400, $0x38;
	[tilespmem:$0x8880] =	vst v63  }
0x43: {  	s14 =	simm.s32 $0x1C80;
	s15 =	rddreg [dreg:$0x1a]  }
0x44: {  	[tilespmem:s14], [sflag:$0x1] =	stream.linear.gather [hbm4b:s12+s13], $0x400, $0x38;
	[tilespmem:$0x8880] =	vst v63  }
0x45: {  	s16 =	simm.s32 $0x2080;
	s17 =	rddreg [dreg:$0x1b]  }
0x46: {  	[tilespmem:s16], [sflag:$0x1] =	stream.linear.gather [hbm4b:s15+s13], $0x400, $0x38;
	[tilespmem:$0x8880] =	vst v63  }
0x47: {  	s18 =	simm.s32 $0x2480;
	s19 =	rddreg [dreg:$0x1c]  }
0x48: {  	[tilespmem:s18], [sflag:$0x1] =	stream.linear.gather [hbm4b:s17+s13], $0x400, $0x38;
	[tilespmem:$0x8880] =	vst v63  }
0x49: {  	s20 =	simm.s32 $0x2880;
	s21 =	rddreg [dreg:$0x1d]  }
0x4a: {  	[tilespmem:s20], [sflag:$0x1] =	stream.linear.gather [hbm4b:s19+s13], $0x400, $0x38;
	[tilespmem:$0x8880] =	vst v63  }
0x4b: {  	s22 =	simm.s32 $0x2C80;
	s23 =	rddreg [dreg:$0x1e]  }
0x4c: {  	[tilespmem:s22], [sflag:$0x1] =	stream.linear.gather [hbm4b:s21+s13], $0x400, $0x38;
	[tilespmem:$0x8880] =	vst v63  }
0x4d: {  	s24 =	simm.s32 $0x3080;
	s25 =	sld [smem:$0x7EA]  }
0x4e: {  	[tilespmem:s24], [sflag:$0x1] =	stream.linear.gather [hbm4b:s23+s13], $0x400, $0x38;
	[tilespmem:$0x8880] =	vst v63  }
0x4f: {  	s26 =	simm.s32 $0x3480;
	s2 =	sld [smem:$0x7EC]  }
0x50: {  	[tilespmem:s26], [sflag:$0x1] =	stream.linear.gather [hbm4b:s25+s13], $0x400, $0x38;
	[tilespmem:$0x8880] =	vst v63  }
0x51: {  	s3 =	simm.s32 $0x3880;
	s4 =	sld [smem:$0x7ED]  }
0x52: {  	[tilespmem:s3], [sflag:$0x1] =	stream.linear.gather [hbm4b:s2+s13], $0x400, $0x38;
	[tilespmem:$0x8880] =	vst v63  }
0x53: {  	s5 =	simm.s32 $0x3C80;
	s6 =	sld [smem:$0x7EE]  }
0x54: {  	[tilespmem:s5], [sflag:$0x1] =	stream.linear.gather [hbm4b:s4+s13], $0x400, $0x38;
	[tilespmem:$0x8880] =	vst v63  }
0x55: {  	s7 =	simm.s32 $0x4080;
	s8 =	sld [smem:$0x7F0]  }
0x56: {  	[tilespmem:s7], [sflag:$0x1] =	stream.linear.gather [hbm4b:s6+s13], $0x400, $0x38;
	[tilespmem:$0x8880] =	vst v63  }
0x57: {  	s9 =	simm.s32 $0x4480;
	s10 =	rddreg [dreg:$0x1f]  }
0x58: {  	[tilespmem:s9], [sflag:$0x1] =	stream.linear.gather [hbm4b:s8+s13], $0x400, $0x38;
	[tilespmem:$0x8880] =	vst v63  }
0x59: {  	s11 =	simm.s32 $0x4880;
	s12 =	sld [smem:$0x7E8]  }
0x5a: {  	[tilespmem:s11], [sflag:$0x1] =	stream.linear.gather [hbm4b:s10+s13], $0x400, $0x38;
	[tilespmem:$0x8880] =	vst v63  }
0x5b: {  	s14 =	simm.s32 $0x4C80;
	s15 =	sld [smem:$0x7F1]  }
0x5c: {  	[tilespmem:s14], [sflag:$0x1] =	stream.linear.gather [hbm4b:s12+s13], $0x400, $0x38;
	[tilespmem:$0x8880] =	vst v63  }
0x5d: {  	s16 =	simm.s32 $0x5080;
	s17 =	sld [smem:$0x7F2]  }
0x5e: {  	[tilespmem:s16], [sflag:$0x1] =	stream.linear.gather [hbm4b:s15+s13], $0x400, $0x38;
	[tilespmem:$0x8880] =	vst v63  }
0x5f: {  	s18 =	simm.s32 $0x5480;
	s19 =	sld [smem:$0x7F3]  }
0x60: {  	[tilespmem:s18], [sflag:$0x1] =	stream.linear.gather [hbm4b:s17+s13], $0x400, $0x38;
	[tilespmem:$0x8880] =	vst v63  }
0x61: {  	s20 =	simm.s32 $0x5880;
	s21 =	sld [smem:$0x7F4]  }
0x62: {  	[tilespmem:s20], [sflag:$0x1] =	stream.linear.gather [hbm4b:s19+s13], $0x400, $0x38;
	[tilespmem:$0x8880] =	vst v63  }
0x63: {  	s22 =	simm.s32 $0x5C80;
	s23 =	sld [smem:$0x7F5]  }
0x64: {  	[tilespmem:s22], [sflag:$0x1] =	stream.linear.gather [hbm4b:s21+s13], $0x400, $0x38;
	[tilespmem:$0x8880] =	vst v63  }
0x65: {  	s24 =	simm.s32 $0x6080;
	s25 =	sld [smem:$0x7F6]  }
0x66: {  	[tilespmem:s24], [sflag:$0x1] =	stream.linear.gather [hbm4b:s23+s13], $0x400, $0x38;
	[tilespmem:$0x8880] =	vst v63  }
0x67: {  	s1 =	sld [smem:$0x7FC];
	s26 =	simm.s32 $0x6480  }
0x68: {  	[tilespmem:s26], [sflag:$0x1] =	stream.linear.gather [hbm4b:s25+s13], $0x400, $0x38;
	[tilespmem:$0x8880] =	vst v63  }
0x69: {  	s2 =	simm.s32 $0x6880;
	s3 =	sld [smem:$0x7E9]  }
0x6a: {  	[tilespmem:s2], [sflag:$0x1] =	stream.linear.gather [hbm4b:s1+s13], $0x400, $0x38;
	[tilespmem:$0x8880] =	vst v63  }
0x6b: {  	s4 =	simm.s32 $0x6C80;
	s5 =	sld [smem:$0x7F7]  }
0x6c: {  	[tilespmem:s4], [sflag:$0x1] =	stream.linear.gather [hbm4b:s3+s13], $0x400, $0x38;
	[tilespmem:$0x8880] =	vst v63  }
0x6d: {  	s6 =	simm.s32 $0x7080;
	s7 =	sld [smem:$0x7F8]  }
0x6e: {  	[tilespmem:s6], [sflag:$0x1] =	stream.linear.gather [hbm4b:s5+s13], $0x400, $0x38;
	[tilespmem:$0x8880] =	vst v63  }
0x6f: {  	s8 =	simm.s32 $0x7480;
	s9 =	sld [smem:$0x7F9]  }
0x70: {  	[tilespmem:s8], [sflag:$0x1] =	stream.linear.gather [hbm4b:s7+s13], $0x400, $0x38;
	[tilespmem:$0x8880] =	vst v63  }
0x71: {  	s10 =	simm.s32 $0x7880;
	s11 =	sld [smem:$0x7FA]  }
0x72: {  	[tilespmem:s10], [sflag:$0x1] =	stream.linear.gather [hbm4b:s9+s13], $0x400, $0x38;
	[tilespmem:$0x8880] =	vst v63  }
0x73: {  	s12 =	simm.s32 $0x7C80;
	s14 =	sld [smem:$0x7FB]  }
0x74: {  	[tilespmem:s12], [sflag:$0x1] =	stream.linear.gather [hbm4b:s11+s13], $0x400, $0x38;
	[tilespmem:$0x8880] =	vst v63  }
0x75: {  	s15 =	simm.s32 $0x8080;
	s16 =	sld [smem:$0x7FD]  }
0x76: {  	[tilespmem:s15], [sflag:$0x1] =	stream.linear.gather [hbm4b:s14+s13], $0x400, $0x38;
	[tilespmem:$0x8880] =	vst v63  }
0x77: {  	s17 =	simm.s32 $0x8480;
	s18 =	simm.s32 $0x1  }
0x78: {  	[tilespmem:s17], [sflag:$0x1] =	stream.linear.gather [hbm4b:s16+s13], $0x400, $0x38;
	[tilespmem:$0x8880] =	vst v63  }
0x79: {  	_ =	swait.ge [sflag:s18], $0x400  }
0x7a: {  	[sflag:s18] =	ssyncset.done $0x0  }
0x7b: {  	[sflag:s18] =	ssyncadd.s32 $0xFFFFFC00  }
0x7c: {  	_ =	swait.ge [sflag:s18], $0x400  }
0x7d: {  	[sflag:s18] =	ssyncset.done $0x0  }
0x7e: {  	[sflag:s18] =	ssyncadd.s32 $0xFFFFFC00  }
0x7f: {  	_ =	swait.ge [sflag:s18], $0x400  }
0x80: {  	[sflag:s18] =	ssyncset.done $0x0  }
0x81: {  	[sflag:s18] =	ssyncadd.s32 $0xFFFFFC00  }
0x82: {  	_ =	swait.ge [sflag:s18], $0x400  }
0x83: {  	[sflag:s18] =	ssyncset.done $0x0  }
0x84: {  	[sflag:s18] =	ssyncadd.s32 $0xFFFFFC00  }
0x85: {  	_ =	swait.ge [sflag:s18], $0x400  }
0x86: {  	[sflag:s18] =	ssyncset.done $0x0  }
0x87: {  	[sflag:s18] =	ssyncadd.s32 $0xFFFFFC00  }
0x88: {  	_ =	swait.ge [sflag:s18], $0x400  }
0x89: {  	[sflag:s18] =	ssyncset.done $0x0  }
0x8a: {  	[sflag:s18] =	ssyncadd.s32 $0xFFFFFC00  }
0x8b: {  	_ =	swait.ge [sflag:s18], $0x400  }
0x8c: {  	[sflag:s18] =	ssyncset.done $0x0  }
0x8d: {  	[sflag:s18] =	ssyncadd.s32 $0xFFFFFC00  }
0x8e: {  	_ =	swait.ge [sflag:s18], $0x400  }
0x8f: {  	[sflag:s18] =	ssyncset.done $0x0  }
0x90: {  	[sflag:s18] =	ssyncadd.s32 $0xFFFFFC00  }
0x91: {  	_ =	swait.ge [sflag:s18], $0x400  }
0x92: {  	[sflag:s18] =	ssyncset.done $0x0  }
0x93: {  	[sflag:s18] =	ssyncadd.s32 $0xFFFFFC00  }
0x94: {  	_ =	swait.ge [sflag:s18], $0x400  }
0x95: {  	[sflag:s18] =	ssyncset.done $0x0  }
0x96: {  	[sflag:s18] =	ssyncadd.s32 $0xFFFFFC00  }
0x97: {  	_ =	swait.ge [sflag:s18], $0x400  }
0x98: {  	[sflag:s18] =	ssyncset.done $0x0  }
0x99: {  	[sflag:s18] =	ssyncadd.s32 $0xFFFFFC00  }
0x9a: {  	_ =	swait.ge [sflag:s18], $0x400  }
0x9b: {  	[sflag:s18] =	ssyncset.done $0x0  }
0x9c: {  	[sflag:s18] =	ssyncadd.s32 $0xFFFFFC00  }
0x9d: {  	_ =	swait.ge [sflag:s18], $0x400  }
0x9e: {  	[sflag:s18] =	ssyncset.done $0x0  }
0x9f: {  	[sflag:s18] =	ssyncadd.s32 $0xFFFFFC00  }
0xa0: {  	_ =	swait.ge [sflag:s18], $0x400  }
0xa1: {  	[sflag:s18] =	ssyncset.done $0x0  }
0xa2: {  	[sflag:s18] =	ssyncadd.s32 $0xFFFFFC00  }
0xa3: {  	_ =	swait.ge [sflag:s18], $0x400  }
0xa4: {  	[sflag:s18] =	ssyncset.done $0x0  }
0xa5: {  	[sflag:s18] =	ssyncadd.s32 $0xFFFFFC00  }
0xa6: {  	_ =	swait.ge [sflag:s18], $0x400  }
0xa7: {  	[sflag:s18] =	ssyncset.done $0x0  }
0xa8: {  	[sflag:s18] =	ssyncadd.s32 $0xFFFFFC00  }
0xa9: {  	_ =	swait.ge [sflag:s18], $0x400  }
0xaa: {  	[sflag:s18] =	ssyncset.done $0x0  }
0xab: {  	[sflag:s18] =	ssyncadd.s32 $0xFFFFFC00  }
0xac: {  	_ =	swait.ge [sflag:s18], $0x400  }
0xad: {  	[sflag:s18] =	ssyncset.done $0x0  }
0xae: {  	[sflag:s18] =	ssyncadd.s32 $0xFFFFFC00  }
0xaf: {  	_ =	swait.ge [sflag:s18], $0x400  }
0xb0: {  	[sflag:s18] =	ssyncset.done $0x0  }
0xb1: {  	[sflag:s18] =	ssyncadd.s32 $0xFFFFFC00  }
0xb2: {  	_ =	swait.ge [sflag:s18], $0x400  }
0xb3: {  	[sflag:s18] =	ssyncset.done $0x0  }
0xb4: {  	[sflag:s18] =	ssyncadd.s32 $0xFFFFFC00  }
0xb5: {  	_ =	swait.ge [sflag:s18], $0x400  }
0xb6: {  	[sflag:s18] =	ssyncset.done $0x0  }
0xb7: {  	[sflag:s18] =	ssyncadd.s32 $0xFFFFFC00  }
0xb8: {  	_ =	swait.ge [sflag:s18], $0x400  }
0xb9: {  	[sflag:s18] =	ssyncset.done $0x0  }
0xba: {  	[sflag:s18] =	ssyncadd.s32 $0xFFFFFC00  }
0xbb: {  	_ =	swait.ge [sflag:s18], $0x400  }
0xbc: {  	[sflag:s18] =	ssyncset.done $0x0  }
0xbd: {  	[sflag:s18] =	ssyncadd.s32 $0xFFFFFC00  }
0xbe: {  	_ =	swait.ge [sflag:s18], $0x400  }
0xbf: {  	[sflag:s18] =	ssyncset.done $0x0  }
0xc0: {  	[sflag:s18] =	ssyncadd.s32 $0xFFFFFC00  }
0xc1: {  	_ =	swait.ge [sflag:s18], $0x400  }
0xc2: {  	[sflag:s18] =	ssyncset.done $0x0  }
0xc3: {  	[sflag:s18] =	ssyncadd.s32 $0xFFFFFC00  }
0xc4: {  	_ =	swait.ge [sflag:s18], $0x400  }
0xc5: {  	[sflag:s18] =	ssyncset.done $0x0  }
0xc6: {  	[sflag:s18] =	ssyncadd.s32 $0xFFFFFC00  }
0xc7: {  	_ =	swait.ge [sflag:s18], $0x400  }
0xc8: {  	[sflag:s18] =	ssyncset.done $0x0  }
0xc9: {  	[sflag:s18] =	ssyncadd.s32 $0xFFFFFC00  }
0xca: {  	_ =	swait.ge [sflag:s18], $0x400  }
0xcb: {  	[sflag:s18] =	ssyncset.done $0x0  }
0xcc: {  	[sflag:s18] =	ssyncadd.s32 $0xFFFFFC00  }
0xcd: {  	_ =	swait.ge [sflag:s18], $0x400  }
0xce: {  	[sflag:s18] =	ssyncset.done $0x0  }
0xcf: {  	[sflag:s18] =	ssyncadd.s32 $0xFFFFFC00  }
0xd0: {  	_ =	swait.ge [sflag:s18], $0x400  }
0xd1: {  	[sflag:s18] =	ssyncset.done $0x0  }
0xd2: {  	[sflag:s18] =	ssyncadd.s32 $0xFFFFFC00  }
0xd3: {  	_ =	swait.ge [sflag:s18], $0x400  }
0xd4: {  	[sflag:s18] =	ssyncset.done $0x0  }
0xd5: {  	[sflag:s18] =	ssyncadd.s32 $0xFFFFFC00  }
0xd6: {  	_ =	swait.ge [sflag:s18], $0x400  }
0xd7: {  	s19 =	rddreg [dreg:$0x3]  }
0xd8: {  	s2 =	sadd.s32 $0x0, s19  }
0xd9: {  	s24 =	simm.s32 $0x40;
	s5 =	sadd.s32 $0x6, s2  }
0xda: {  	s8 =	sadd.s32 $0x7, s2;
	s6 =	sadd.s32 $0x5, s2;
	s3 =	sadd.s32 $0x4, s2  }
0xdb: {  	s7 =	sadd.s32 $0x3, s2;
	s0 =	sadd.s32 $0x2, s2;
	p0 =	slt.s32 s2, $0x1080  }
0xdc: {  	s4 =	sadd.s32 $0x1, s2;
	s2 =	simm.s32 @!p0 $0x1080;
	p0 =	slt.s32 s8, $0x1080  }
0xdd: {  	p1 =	slt.s32 s5, $0x1080;
	s9 =	smulhi.u32 $0xFC0FC0FD, s2;
	s8 =	simm.s32 @!p0 $0x1080  }
0xde: {  	p0 =	slt.s32 s6, $0x1080;
	s5 =	simm.s32 @!p1 $0x1080;
	s10 =	smulhi.u32 $0xFC0FC0FD, s8  }
0xdf: {  	p1 =	slt.s32 s3, $0x1080;
	s6 =	simm.s32 @!p0 $0x1080;
	s11 =	smulhi.u32 $0xFC0FC0FD, s5  }
0xe0: {  	p0 =	slt.s32 s7, $0x1080;
	s3 =	simm.s32 @!p1 $0x1080;
	s12 =	smulhi.u32 $0xFC0FC0FD, s6  }
0xe1: {  	p1 =	slt.s32 s0, $0x1080;
	s7 =	simm.s32 @!p0 $0x1080;
	s20 =	smulhi.u32 $0xFC0FC0FD, s3  }
0xe2: {  	[sflag:s18] =	ssyncset.done $0x0;
	s0 =	simm.s32 @!p1 $0x1080;
	s14 =	smulhi.u32 $0xFC0FC0FD, s7  }
0xe3: {  	p0 =	slt.s32 s4, $0x1080;
	s9 =	sshrl.u32 s9, $0x6;
	s16 =	smulhi.u32 $0xFC0FC0FD, s0  }
0xe4: {  	[sflag:s18] =	ssyncadd.s32 $0xFFFFFC00;
	s4 =	simm.s32 @!p0 $0x1080;
	s18 =	smul.u32 $0xFFFFFFBF, s9  }
0xe5: {  	s1 =	simm.s32 $0x8;
	s25 =	sshrl.u32 s10, $0x6;
	s17 =	smulhi.u32 $0xFC0FC0FD, s4  }
0xe6: {  	s22 =	rddreg [dreg:$0x4];
	s26 =	sshrl.u32 s11, $0x6;
	s11 =	smul.u32 $0xFFFFFFBF, s25  }
0xe7: {  	s9 =	ssub.s32 s9, s22;
	s12 =	sshrl.u32 s12, $0x6;
	s13 =	smul.u32 $0xFFFFFFBF, s26  }
0xe8: {  	s21 =	sshrl.u32 s20, $0x6;
	s9 =	sshll.u32 s9, $0x6;
	s19 =	smul.u32 $0xFFFFFFBF, s12  }
0xe9: {  	s14 =	sshrl.u32 s14, $0x6;
	s16 =	sshrl.u32 s16, $0x6;
	s20 =	smul.u32 $0xFFFFFFBF, s21  }
0xea: {  	s10 =	ssub.s32 s21, s22;
	s12 =	ssub.s32 s12, s22;
	[dreg:$0x8] =	wrdreg s9  }
0xeb: {  	s17 =	sshrl.u32 s17, $0x6;
	s21 =	ssub.s32 s16, s22;
	s23 =	smul.u32 $0xFFFFFFBF, s14  }
0xec: {  	s14 =	ssub.s32 s14, s22;
	s9 =	smul.u32 $0xFFFFFFBF, s16;
	s28 =	sshll.u32 s10, $0x6  }
0xed: {  	s8 =	sadd.s32 s8, s11;
	s16 =	ssub.s32 s17, s22;
	s17 =	smul.u32 $0xFFFFFFBF, s17  }
0xee: {  	s22 =	sshll.u32 s12, $0x6;
	s12 =	sadd.s32 s2, s18;
	s15 =	sshll.u32 s21, $0x6  }
0xef: {  	s30 =	sshll.u32 s14, $0x6;
	s18 =	sadd.s32 s5, s13;
	s29 =	smul.u32 $0x201, s8  }
0xf0: {  	s19 =	sadd.s32 s6, s19;
	s3 =	sadd.s32 s3, s20;
	p1 =	sne.s32 s8, $0x0  }
0xf1: {  	s14 =	simm.s32 $0x1;
	[dreg:$0x6] =	wrdreg s15;
	s2 =	smul.u32 $0x201, s12  }
0xf2: {  	s16 =	sshll.u32 s16, $0x6;
	s21 =	sadd.s32 s7, s23;
	s31 =	smul.u32 $0x201, s18  }
0xf3: {  	p0 =	sne.s32 s12, $0x0;
	s5 =	smul.u32 $0x201, s19;
	s23 =	sadd.s32 s0, s9  }
0xf4: {  	s6 =	smul.u32 $0x201, s3;
	p3 =	sne.s32 s19, $0x0;
	p4 =	sne.s32 s18, $0x0  }
0xf5: {  	s0 =	simm.s32 $0x1;
	s12 =	simm.s32 $0x1;
	s18 =	simm.s32 $0x1  }
0xf6: {  	[dreg:$0x7] =	wrdreg s16;
	s4 =	sadd.s32 s4, s17;
	s7 =	smul.u32 $0x201, s21  }
0xf7: {  	s16 =	simm.s32 $0x1;
	s9 =	smul.u32 $0x201, s23;
	p2 =	sne.s32 s21, $0x0  }
0xf8: {  	s0 =	simm.s32 @!p1 $0x0;
	p1 =	sne.s32 s23, $0x0;
	s12 =	simm.s32 @!p3 $0x0  }
0xf9: {  	s16 =	simm.s32 @!p0 $0x0;
	p0 =	sne.s32 s3, $0x0;
	s10 =	smul.u32 $0x201, s4  }
0xfa: {  	s18 =	simm.s32 @!p4 $0x0;
	s3 =	smulhi.u32 $0x7E07E07F, s2;
	s14 =	simm.s32 @!p0 $0x0  }
.LBB2_2:
0xfb: {  	[dreg:$0xf] =	wrdreg s30  }
0xfc: {  	[dreg:$0xd] =	wrdreg s28  }
0xfd: {  	[dreg:$0xb] =	wrdreg s22  }
0xfe: {  	[dreg:$0xa] =	wrdreg s26  }
0xff: {  	[dreg:$0x9] =	wrdreg s25  }
0x100: {  	[dreg:$0x5] =	wrdreg s1  }
0x101: {  	p0 =	sne.s32 s1, $0x80;
	s20 =	smulhi.u32 $0x7E07E07F, s29;
	s22 =	simm.s32 $0x1  }
0x102: {  	s21 =	smulhi.u32 $0x7E07E07F, s31;
	s13 =	ssub.s32 $0x0, s2;
	s30 =	simm.s32 $0x1  }
0x103: {  	s11 =	smov.u32 s24;
	s24 =	sshra.s32 s2, $0x1F;
	s23 =	ssub.s32 $0x0, s29  }
0x104: {  	s28 =	smulhi.u32 $0x7E07E07F, s7;
	s25 =	ssub.s32 $0x0, s31;
	s29 =	sshra.s32 s29, $0x1F  }
0x105: {  	s15 =	ssub.s32 $0x0, s7;
	s7 =	sshra.s32 s7, $0x1F;
	s17 =	smulhi.u32 $0x7E07E07F, s5  }
0x106: {  	s1 =	simm.s32 @!p0 $0x0;
	s19 =	smulhi.u32 $0x7E07E07F, s6;
	[dreg:$0xc] =	wrdreg s23  }
0x107: {  	s22 =	simm.s32 @!p1 $0x0;
	[dreg:$0xe] =	wrdreg s25;
	s8 =	smulhi.u32 $0x7E07E07F, s9  }
0x108: {  	s26 =	ssub.s32 $0x0, s5;
	s25 =	sshra.s32 s31, $0x1F;
	s23 =	smul.u32 $0x7E07E07F, s24  }
0x109: {  	s5 =	sshra.s32 s5, $0x1F;
	[dreg:$0x12] =	wrdreg s15;
	s15 =	smul.u32 $0x7E07E07F, s29  }
0x10a: {  	s31 =	ssub.s32 $0x0, s10;
	s16 =	sor.u32 s16, s24;
	s29 =	sor.u32 s0, s29  }
0x10b: {  	s0 =	smul.u32 $0x7E07E07F, s7;
	s1 =	simm.s32 @p0 $0x1;
	p0 =	sne.s32 s4, $0x0  }
0x10c: {  	[dreg:$0x10] =	wrdreg s26;
	s26 =	smulhi.u32 $0x7E07E07F, s10;
	s4 =	ssub.s32 $0x0, s6  }
0x10d: {  	s6 =	sshra.s32 s6, $0x1F;
	s10 =	sshra.s32 s10, $0x1F;
	s24 =	smul.u32 $0x7E07E07F, s5  }
0x10e: {  	s18 =	sor.u32 s18, s25;
	s5 =	sor.u32 s12, s5;
	p1 =	sne.s32 s16, $0x1  }
0x10f: {  	[smem:$0x7E6] =	sst s1;
	s1 =	simm.s32 $0x1;
	s30 =	simm.s32 @!p0 $0x0  }
0x110: {  	[dreg:$0x11] =	wrdreg s4;
	s4 =	ssub.s32 $0x0, s9;
	s2 =	smul.u32 $0x7E07E07F, s6  }
0x111: {  	s9 =	sshra.s32 s9, $0x1F;
	s6 =	sor.u32 s14, s6;
	s14 =	smul.u32 $0x7E07E07F, s10  }
0x112: {  	p0 =	sne.s32 s18, $0x1;
	[dreg:$0x13] =	wrdreg s4;
	s4 =	smul.u32 $0x7E07E07F, s25  }
0x113: {  	s3 =	sadd.s32 s23, s3;
	s1 =	simm.s32 @!p2 $0x0;
	s12 =	smul.u32 $0x7E07E07F, s9  }
0x114: {  	s9 =	sor.u32 s22, s9;
	s10 =	sor.u32 s30, s10;
	p3 =	sne.s32 s6, $0x1  }
0x115: {  	p2 =	sne.s32 s5, $0x1;
	s5 =	simm.s32 @!p0 $0x0;
	s16 =	sshrl.u32 s3, $0x1F  }
0x116: {  	s3 =	sshra.s32 s3, $0x5;
	s23 =	sadd.s32 s24, s17;
	s24 =	smov.u32 s11  }
0x117: {  	s1 =	sor.u32 s1, s7;
	s5 =	simm.s32 @p0 $0x1;
	p5 =	sne.s32 s9, $0x1  }
0x118: {  	p6 =	sne.s32 s10, $0x1;
	s2 =	sadd.s32 s2, s19;
	s25 =	sadd.s32 s14, s26  }
0x119: {  	s26 =	sadd.s32 s0, s28;
	s9 =	sshrl.u32 s23, $0x1F;
	s10 =	sshra.s32 s23, $0x5  }
0x11a: {  	[smem:$0x7E5] =	sst s5;
	p4 =	sne.s32 s1, $0x1;
	s1 =	sadd.s32 s16, s3  }
0x11b: {  	s18 =	sadd.s32 s4, s21;
	s21 =	sadd.s32 s15, s20;
	s8 =	sadd.s32 s12, s8  }
0x11c: {  	s3 =	simm.s32 $0x1;
	s15 =	sshrl.u32 s25, $0x1F;
	s16 =	sshra.s32 s25, $0x5  }
0x11d: {  	s11 =	sshra.s32 s2, $0x5;
	s20 =	sshrl.u32 s26, $0x1F;
	s9 =	sadd.s32 s9, s10  }
0x11e: {  	s22 =	smul.u32 $0xFFFFFFBF, s1;
	s0 =	sshrl.u32 s21, $0x1F;
	s5 =	sshra.s32 s21, $0x5  }
0x11f: {  	s6 =	sshrl.u32 s18, $0x1F;
	s7 =	sshra.s32 s18, $0x5;
	s4 =	sadd.s32 s15, s16  }
0x120: {  	s21 =	sshra.s32 s26, $0x5;
	s16 =	rddreg [dreg:$0x11];
	s18 =	smul.u32 $0xFFFFFFBF, s4  }
0x121: {  	s14 =	sadd.s32 s20, s21;
	s6 =	sadd.s32 s6, s7;
	s0 =	sadd.s32 s0, s5  }
0x122: {  	p0 =	sne.s32 s22, s13;
	s22 =	sshrl.u32 s8, $0x1F;
	s8 =	sshra.s32 s8, $0x5  }
0x123: {  	s13 =	simm.s32 $0x1;
	s20 =	smul.u32 $0xFFFFFFBF, s14;
	p0 =	por !p0, !p1  }
0x124: {  	p1 =	sne.s32 s18, s31;
	s8 =	sadd.s32 s22, s8;
	p0 =	por !p0, !p0  }
0x125: {  	s18 =	rddreg [dreg:$0x8];
	s3 =	simm.s32 @!p0 $0x0;
	p0 =	por !p1, !p6  }
0x126: {  	s25 =	smul.u32 $0xFFFFFFBF, s8;
	s1 =	ssub.s32 s1, s3;
	p0 =	por !p0, !p0  }
0x127: {  	s3 =	sshrl.u32 s2, $0x1F;
	s17 =	sshra.s32 s1, $0x1F;
	s13 =	simm.s32 @!p0 $0x0  }
0x128: {  	p1 =	slt.s32 s1, $0x1;
	s19 =	sshrl.u32 s17, $0x19;
	s12 =	ssub.s32 s4, s13  }
0x129: {  	s13 =	simm.s32 $0x1;
	s17 =	rddreg [dreg:$0x13];
	s2 =	sadd.s32 s19, s1  }
0x12a: {  	s26 =	sshra.s32 s12, $0x1F;
	s23 =	sand.u32 $0xFFFFFF80, s2;
	s2 =	sshra.s32 s2, $0x7  }
0x12b: {  	s15 =	sshrl.u32 s26, $0x19;
	s26 =	rddreg [dreg:$0x7];
	p6 =	sne.s32 s1, s23  }
0x12c: {  	s1 =	sand.u32 $0x7F, s1;
	s23 =	sadd.s32 s3, s11;
	p1 =	por !p1, !p6  }
0x12d: {  	p0 =	por !p1, !p1;
	p1 =	sne.s32 s25, s17;
	s25 =	rddreg [dreg:$0x12]  }
0x12e: {  	s17 =	simm.s32 $0x880;
	s13 =	simm.s32 @!p0 $0x0;
	p0 =	por !p1, !p5  }
0x12f: {  	p5 =	slt.s32 s12, $0x1;
	s2 =	ssub.s32 s2, s13;
	s13 =	sadd.s32 s15, s12  }
0x130: {  	p0 =	por !p0, !p0;
	s2 =	sshll.u32 s2, $0x3;
	s19 =	sand.u32 $0xFFFFFF80, s13  }
0x131: {  	s21 =	sshra.s32 s13, $0x7;
	s2 =	sadd.s32 s18, s2;
	p6 =	sne.s32 s12, s19  }
0x132: {  	s12 =	sand.u32 $0x7F, s12;
	v1 =	vmov s2;
	p1 =	por !p5, !p6;
	s2 =	simm.s32 $0x1  }
0x133: {  	s18 =	rddreg [dreg:$0x6];
	s2 =	simm.s32 @!p0 $0x0;
	p0 =	por !p1, !p1  }
0x134: {  	v1 =	vshll.u32 v1, $0x7;
	p1 =	sne.s32 s20, s25;
	s4 =	ssub.s32 s8, s2;
	s2 =	simm.s32 $0x1  }
0x135: {  	s20 =	smul.u32 $0xFFFFFFBF, s9;
	v1 =	vadd.s32 v0, v1;
	s2 =	simm.s32 @!p0 $0x0;
	s8 =	sshra.s32 s4, $0x1F  }
0x136: {  	v1 =	vor.u32 s1, v1;
	p0 =	por !p1, !p4;
	p5 =	slt.s32 s4, $0x1;
	s1 =	ssub.s32 s21, s2  }
0x137: {  	s22 =	sshrl.u32 s8, $0x19;
	p0 =	por !p0, !p0;
	s1 =	sshll.u32 s1, $0x3  }
0x138: {  	s21 =	sand.u32 $0x7F, s4;
	s2 =	sadd.s32 s22, s4;
	s1 =	sadd.s32 s26, s1  }
0x139: {  	s11 =	sand.u32 $0xFFFFFF80, s2;
	s13 =	sshra.s32 s2, $0x7;
	s2 =	simm.s32 $0x1  }
0x13a: {  	v2 =	vmov s1;
	p6 =	sne.s32 s4, s11;
	s1 =	simm.s32 $0x1;
	s11 =	smul.u32 $0xFFFFFFBF, s23  }
0x13b: {  	s26 =	rddreg [dreg:$0x10];
	p1 =	por !p5, !p6;
	s1 =	simm.s32 @!p0 $0x0  }
0x13c: {  	p0 =	por !p1, !p1;
	s3 =	ssub.s32 s14, s1;
	p4 =	sne.s32 s11, s16  }
0x13d: {  	v1 =	vld.idx.msk [tilespmem:v1+s17+$0x0], $0xffff;
	s11 =	smul.u32 $0xFFFFFFBF, s6;
	s2 =	simm.s32 @!p0 $0x0;
	s14 =	sshra.s32 s3, $0x1F  }
0x13e: {  	v2 =	vshll.u32 v2, $0x7;
	p0 =	por !p4, !p3;
	p5 =	slt.s32 s3, $0x1;
	s1 =	ssub.s32 s13, s2  }
0x13f: {  	v2 =	vadd.s32 v0, v2;
	p4 =	sne.s32 s20, s26;
	s15 =	sshrl.u32 s14, $0x19;
	s1 =	sshll.u32 s1, $0x3  }
0x140: {  	v2 =	vor.u32 s12, v2;
	p0 =	por !p0, !p0;
	s2 =	sadd.s32 s15, s3;
	s1 =	sadd.s32 s18, s1  }
0x141: {  	s19 =	sand.u32 $0xFFFFFF80, s2;
	s22 =	sshra.s32 s2, $0x7;
	s2 =	simm.s32 $0x1  }
0x142: {  	[tilespmem:s24+$0xFFFFFFC0] =	vst v1;
	s18 =	rddreg [dreg:$0xe];
	v1 =	vmov s1;
	p6 =	sne.s32 s3, s19;
	s1 =	simm.s32 $0x1  }
0x143: {  	s3 =	sand.u32 $0x7F, s3;
	p1 =	por !p5, !p6;
	s1 =	simm.s32 @!p0 $0x0  }
0x144: {  	p3 =	sne.s32 s11, s18;
	v1 =	vshll.u32 v1, $0x7;
	p0 =	por !p1, !p1;
	s4 =	ssub.s32 s23, s1  }
0x145: {  	s19 =	rddreg [dreg:$0xd];
	v2 =	vld.idx.msk [tilespmem:v2+s17+$0x0], $0xffff;
	v1 =	vadd.s32 v0, v1;
	s2 =	simm.s32 @!p0 $0x0;
	s8 =	sshra.s32 s4, $0x1F  }
0x146: {  	v1 =	vor.u32 s21, v1;
	p0 =	por !p4, !p2;
	p5 =	slt.s32 s4, $0x1;
	s21 =	sld [smem:$0x7E5]  }
0x147: {  	s1 =	ssub.s32 s22, s2;
	s23 =	sshrl.u32 s8, $0x19;
	s8 =	rddreg [dreg:$0xf]  }
0x148: {  	p0 =	por !p0, !p0;
	s1 =	sshll.u32 s1, $0x3;
	s25 =	sadd.s32 s23, s4  }
0x149: {  	s22 =	smul.u32 $0xFFFFFFBF, s0;
	s1 =	sadd.s32 s8, s1;
	s10 =	sand.u32 $0xFFFFFF80, s25  }
0x14a: {  	[tilespmem:s24+$0xFFFFFFD0] =	vst v2;
	s13 =	sshra.s32 s25, $0x7;
	p4 =	seq.s32 s21, $0x1;
	s8 =	rddreg [dreg:$0xb];
	v2 =	vmov s1  }
0x14b: {  	p6 =	sne.s32 s4, s10;
	s1 =	simm.s32 $0x1;
	s4 =	sand.u32 $0x7F, s4;
	v2 =	vshll.u32 v2, $0x7  }
0x14c: {  	s10 =	rddreg [dreg:$0x3];
	p1 =	por !p5, !p6;
	s1 =	simm.s32 @!p0 $0x0;
	v2 =	vadd.s32 v0, v2  }
0x14d: {  	p0 =	por !p1, !p1;
	s12 =	ssub.s32 s9, s1;
	v2 =	vor.u32 s3, v2;
	s3 =	simm.s32 $0x1  }
0x14e: {  	v1 =	vld.idx.msk [tilespmem:v1+s17+$0x0], $0xffff;
	s14 =	sshra.s32 s12, $0x1F;
	p5 =	slt.s32 s12, $0x1;
	s2 =	sand.u32 $0x7F, s12  }
0x14f: {  	s3 =	simm.s32 @!p0 $0x0;
	s15 =	sshrl.u32 s14, $0x19;
	p0 =	por !p3, !p4  }
0x150: {  	s1 =	ssub.s32 s13, s3;
	s16 =	sadd.s32 s15, s12;
	p0 =	por !p0, !p0  }
0x151: {  	s13 =	rddreg [dreg:$0xa];
	s1 =	sshll.u32 s1, $0x3;
	s20 =	sand.u32 $0xFFFFFF80, s16  }
0x152: {  	s3 =	simm.s32 $0x1;
	s1 =	sadd.s32 s19, s1;
	p6 =	sne.s32 s12, s20  }
0x153: {  	[tilespmem:s24+$0xFFFFFFE0] =	vst v1;
	s25 =	sshra.s32 s16, $0x7;
	v1 =	vmov s1;
	p1 =	por !p5, !p6;
	s1 =	simm.s32 $0x1  }
0x154: {  	s19 =	rddreg [dreg:$0x5];
	v1 =	vshll.u32 v1, $0x7;
	s1 =	simm.s32 @!p0 $0x0;
	p0 =	por !p1, !p1  }
0x155: {  	p1 =	sne.s32 s29, $0x1;
	v1 =	vadd.s32 v0, v1;
	s23 =	ssub.s32 s6, s1;
	s6 =	rddreg [dreg:$0xc]  }
0x156: {  	v1 =	vor.u32 s4, v1;
	s4 =	simm.s32 $0x1;
	s26 =	sshra.s32 s23, $0x1F;
	p2 =	sne.s32 s22, s6  }
0x157: {  	p3 =	slt.s32 s23, $0x1;
	s22 =	rddreg [dreg:$0x4];
	s20 =	sand.u32 $0x7F, s23  }
0x158: {  	v2 =	vld.idx.msk [tilespmem:v2+s17+$0x0], $0xffff;
	s4 =	simm.s32 @!p0 $0x0;
	s5 =	sshrl.u32 s26, $0x19;
	p0 =	por !p2, !p1  }
0x159: {  	s6 =	ssub.s32 s13, s22;
	s1 =	ssub.s32 s25, s4;
	s5 =	sadd.s32 s5, s23  }
0x15a: {  	p0 =	por !p0, !p0;
	s4 =	simm.s32 $0x1;
	s15 =	sshll.u32 s6, $0x6  }
0x15b: {  	s1 =	sshll.u32 s1, $0x3;
	s9 =	sand.u32 $0xFFFFFF80, s5;
	s4 =	simm.s32 @!p0 $0x0  }
0x15c: {  	s11 =	sshra.s32 s5, $0x7;
	s1 =	sadd.s32 s8, s1;
	p4 =	sne.s32 s23, s9  }
0x15d: {  	[tilespmem:s24+$0xFFFFFFF0] =	vst v2;
	s4 =	ssub.s32 s0, s4;
	s8 =	smov.u32 s24;
	s23 =	rddreg [dreg:$0x9];
	v2 =	vmov s1  }
0x15e: {  	p1 =	por !p3, !p4;
	s12 =	sshra.s32 s4, $0x1F;
	p5 =	slt.s32 s4, $0x1;
	v2 =	vshll.u32 v2, $0x7  }
0x15f: {  	s25 =	ssub.s32 s23, s22;
	p0 =	por !p1, !p1;
	s14 =	sshrl.u32 s12, $0x19;
	v2 =	vadd.s32 v0, v2  }
0x160: {  	s26 =	sshll.u32 s25, $0x6;
	s16 =	sadd.s32 s14, s4;
	v2 =	vor.u32 s2, v2;
	s2 =	simm.s32 $0x1  }
0x161: {  	s18 =	sand.u32 $0xFFFFFF80, s16;
	s21 =	sshra.s32 s16, $0x7;
	s2 =	simm.s32 @!p0 $0x0  }
0x162: {  	p6 =	sne.s32 s4, s18;
	s4 =	sand.u32 $0x7F, s4;
	s0 =	ssub.s32 s11, s2  }
0x163: {  	v1 =	vld.idx.msk [tilespmem:v1+s17+$0x0], $0xffff;
	s2 =	sadd.s32 s19, s10;
	p0 =	por !p5, !p6;
	s0 =	sshll.u32 s0, $0x3  }
0x164: {  	s5 =	sadd.s32 $0x7, s2;
	s7 =	sadd.s32 $0x5, s2;
	p0 =	por !p0, !p0  }
0x165: {  	s6 =	sadd.s32 $0x4, s2;
	s10 =	sadd.s32 $0x3, s2;
	s9 =	sadd.s32 $0x2, s2  }
0x166: {  	s13 =	sadd.s32 $0x1, s2;
	s0 =	sadd.s32 s15, s0;
	s3 =	simm.s32 @!p0 $0x0  }
0x167: {  	p0 =	slt.s32 s2, $0x1080;
	p1 =	slt.s32 s5, $0x1080;
	p2 =	slt.s32 s7, $0x1080  }
0x168: {  	[tilespmem:s24+$0x0] =	vst v1;
	v1 =	vmov s0;
	s0 =	sadd.s32 $0x6, s2;
	s1 =	ssub.s32 s21, s3;
	s2 =	simm.s32 @!p0 $0x1080  }
0x169: {  	s5 =	simm.s32 @!p1 $0x1080;
	s7 =	simm.s32 @!p2 $0x1080;
	s11 =	smulhi.u32 $0xFC0FC0FD, s2  }
0x16a: {  	p1 =	slt.s32 s10, $0x1080;
	s1 =	sshll.u32 s1, $0x3;
	s12 =	smulhi.u32 $0xFC0FC0FD, s5  }
0x16b: {  	p0 =	slt.s32 s0, $0x1080;
	s15 =	smulhi.u32 $0xFC0FC0FD, s7;
	s10 =	simm.s32 @!p1 $0x1080  }
0x16c: {  	v2 =	vld.idx.msk [tilespmem:v2+s17+$0x0], $0xffff;
	v1 =	vshll.u32 v1, $0x7;
	p1 =	slt.s32 s13, $0x1080;
	s0 =	simm.s32 @!p0 $0x1080;
	s18 =	smulhi.u32 $0xFC0FC0FD, s10  }
0x16d: {  	v1 =	vadd.s32 v0, v1;
	p0 =	slt.s32 s6, $0x1080;
	s13 =	simm.s32 @!p1 $0x1080;
	s14 =	smulhi.u32 $0xFC0FC0FD, s0  }
0x16e: {  	v1 =	vor.u32 s20, v1;
	s6 =	simm.s32 @!p0 $0x1080;
	p0 =	slt.s32 s9, $0x1080;
	s20 =	smulhi.u32 $0xFC0FC0FD, s13  }
0x16f: {  	s1 =	sadd.s32 s26, s1;
	s16 =	smulhi.u32 $0xFC0FC0FD, s6;
	s9 =	simm.s32 @!p0 $0x1080  }
0x170: {  	s25 =	sshrl.u32 s12, $0x6;
	s23 =	sshrl.u32 s18, $0x6;
	s19 =	smulhi.u32 $0xFC0FC0FD, s9  }
0x171: {  	[tilespmem:s24+$0x10] =	vst v2;
	v2 =	vmov s1;
	s1 =	sshrl.u32 s11, $0x6;
	s26 =	sshrl.u32 s14, $0x6;
	s11 =	smul.u32 $0xFFFFFFBF, s25  }
0x172: {  	s12 =	ssub.s32 s23, s22;
	v2 =	vshll.u32 v2, $0x7;
	s21 =	sshrl.u32 s16, $0x6;
	s14 =	smul.u32 $0xFFFFFFBF, s26  }
0x173: {  	s16 =	sshrl.u32 s20, $0x6;
	s30 =	sshll.u32 s12, $0x6;
	v2 =	vadd.s32 v0, v2;
	s3 =	ssub.s32 s21, s22;
	v1 =	vld.idx.msk [tilespmem:v1+s17+$0x0], $0xffff  }
0x174: {  	v2 =	vor.u32 s4, v2;
	s4 =	sshrl.u32 s15, $0x6;
	s15 =	sshrl.u32 s19, $0x6;
	s19 =	smul.u32 $0xFFFFFFBF, s21  }
0x175: {  	s12 =	simm.s32 $0x1;
	s21 =	smul.u32 $0xFFFFFFBF, s23;
	s28 =	sshll.u32 s3, $0x6  }
0x176: {  	s0 =	sadd.s32 s0, s14;
	s14 =	simm.s32 $0x1;
	s18 =	smul.u32 $0xFFFFFFBF, s4  }
0x177: {  	s4 =	ssub.s32 s4, s22;
	s20 =	ssub.s32 s15, s22;
	s31 =	smul.u32 $0x201, s0  }
0x178: {  	p0 =	sne.s32 s0, $0x0;
	s0 =	simm.s32 $0x1;
	s19 =	sadd.s32 s6, s19;
	[tilespmem:s24+$0x20] =	vst v1  }
0x179: {  	p3 =	sne.s32 s19, $0x0;
	v1 =	vld.idx.msk [tilespmem:v2+s17+$0x0], $0xffff;
	s17 =	smul.u32 $0xFFFFFFBF, s1;
	s1 =	ssub.s32 s1, s22  }
0x17a: {  	s6 =	smul.u32 $0x201, s19;
	s14 =	simm.s32 @!p3 $0x0;
	s1 =	sshll.u32 s1, $0x6  }
0x17b: {  	[dreg:$0x8] =	wrdreg s1;
	s1 =	ssub.s32 s16, s22;
	s22 =	sshll.u32 s4, $0x6  }
0x17c: {  	s23 =	sadd.s32 s2, s17;
	s4 =	sshll.u32 s20, $0x6;
	s17 =	sadd.s32 s7, s18  }
0x17d: {  	s18 =	sadd.s32 s10, s21;
	s21 =	rddreg [dreg:$0x5];
	s2 =	smul.u32 $0x201, s23  }
0x17e: {  	s24 =	sadd.s32 $0x80, s24;
	[dreg:$0x6] =	wrdreg s4;
	s7 =	smul.u32 $0x201, s18  }
0x17f: {  	p1 =	sne.s32 s23, $0x0;
	s23 =	sld [smem:$0x7E6];
	[tilespmem:s8+$0x30] =	vst v1;
	s8 =	smul.u32 $0xFFFFFFBF, s15  }
0x180: {  	s1 =	sshll.u32 s1, $0x6;
	p2 =	sne.s32 s18, $0x0;
	s15 =	smul.u32 $0xFFFFFFBF, s16  }
0x181: {  	s18 =	simm.s32 $0x1;
	s16 =	sadd.s32 s5, s11;
	s5 =	smul.u32 $0x201, s17  }
0x182: {  	s18 =	simm.s32 @!p0 $0x0;
	s3 =	smulhi.u32 $0x7E07E07F, s2;
	p0 =	seq.s32 s23, $0x1  }
.Ltmp0:
0x183: {  	p4 =	sne.s32 s17, $0x0;
	[dreg:$0x7] =	wrdreg s1;
	(pc) =	sbr.rel @p0 .LBB2_2-.Ltmp0, $4  }
0x184: {  	s12 =	simm.s32 @!p4 $0x0;
	s1 =	sadd.s32 $0x8, s21;
	s29 =	smul.u32 $0x201, s16  }
0x185: {  	p5 =	sne.s32 s16, $0x0;
	s16 =	simm.s32 $0x1;
	s20 =	sadd.s32 s9, s8  }
0x186: {  	s4 =	sadd.s32 s13, s15;
	s16 =	simm.s32 @!p1 $0x0;
	s9 =	smul.u32 $0x201, s20  }
0x187: {  	s0 =	simm.s32 @!p5 $0x0;
	s10 =	smul.u32 $0x201, s4;
	p1 =	sne.s32 s20, $0x0  }
0x188: {  	s1 =	sshra.s32 s2, $0x1F;
	p0 =	sne.s32 s4, $0x0;
	s20 =	ssub.s32 $0x0, s2  }
0x189: {  	s2 =	simm.s32 $0x1;
	s4 =	simm.s32 $0x1;
	s21 =	sshra.s32 s5, $0x1F  }
0x18a: {  	s23 =	sshra.s32 s6, $0x1F;
	s17 =	sshra.s32 s9, $0x1F;
	s8 =	smul.u32 $0x7E07E07F, s1  }
0x18b: {  	s1 =	sor.u32 s16, s1;
	s15 =	sor.u32 s14, s23;
	s16 =	sshra.s32 s7, $0x1F  }
0x18c: {  	p5 =	sne.s32 s1, $0x1;
	s1 =	smul.u32 $0x7E07E07F, s23;
	s3 =	sadd.s32 s8, s3  }
0x18d: {  	s14 =	smul.u32 $0x7E07E07F, s16;
	s8 =	sshrl.u32 s3, $0x1F;
	s3 =	sshra.s32 s3, $0x5  }
0x18e: {  	s2 =	simm.s32 @!p1 $0x0;
	s23 =	smulhi.u32 $0x7E07E07F, s5;
	s3 =	sadd.s32 s8, s3  }
0x18f: {  	s4 =	simm.s32 @!p0 $0x0;
	s8 =	simm.s32 $0x1;
	s11 =	smul.u32 $0xFFFFFFBF, s3  }
0x190: {  	s8 =	simm.s32 @!p2 $0x0;
	p2 =	sne.s32 s15, $0x1;
	s15 =	smul.u32 $0x7E07E07F, s17  }
0x191: {  	s13 =	sor.u32 s12, s21;
	s2 =	sor.u32 s2, s17;
	s17 =	smulhi.u32 $0x7E07E07F, s10  }
0x192: {  	s19 =	sshra.s32 s10, $0x1F;
	p4 =	sne.s32 s11, s20;
	s11 =	smul.u32 $0x7E07E07F, s21  }
0x193: {  	s4 =	sor.u32 s4, s19;
	p1 =	sne.s32 s13, $0x1;
	s20 =	smul.u32 $0x7E07E07F, s19  }
0x194: {  	s12 =	sor.u32 s8, s16;
	s8 =	sshra.s32 s31, $0x1F;
	s19 =	smulhi.u32 $0x7E07E07F, s6  }
0x195: {  	p3 =	sne.s32 s2, $0x1;
	s21 =	sor.u32 s18, s8;
	s8 =	smul.u32 $0x7E07E07F, s8  }
0x196: {  	p6 =	sne.s32 s4, $0x1;
	p0 =	sne.s32 s21, $0x1;
	s21 =	smulhi.u32 $0x7E07E07F, s7  }
0x197: {  	p4 =	por !p4, !p5;
	s13 =	simm.s32 @!p0 $0x0;
	s18 =	sadd.s32 s20, s17  }
0x198: {  	s20 =	smulhi.u32 $0x7E07E07F, s9;
	s1 =	sadd.s32 s1, s19;
	s2 =	sadd.s32 s11, s23  }
0x199: {  	s17 =	ssub.s32 $0x0, s10;
	p4 =	por !p4, !p4;
	s10 =	simm.s32 $0x1  }
0x19a: {  	s19 =	ssub.s32 $0x0, s9;
	s13 =	simm.s32 @p0 $0x1;
	s16 =	sshrl.u32 s18, $0x1F  }
0x19b: {  	s4 =	sshra.s32 s18, $0x5;
	s10 =	simm.s32 @!p4 $0x0;
	[smem:$0x7E4] =	sst s13  }
0x19c: {  	s4 =	sadd.s32 s16, s4;
	s23 =	sadd.s32 s15, s20;
	s13 =	sadd.s32 s14, s21  }
0x19d: {  	s10 =	ssub.s32 s3, s10;
	s3 =	simm.s32 $0x1;
	s15 =	ssub.s32 $0x0, s6  }
0x19e: {  	s16 =	smul.u32 $0xFFFFFFBF, s4;
	s18 =	sshrl.u32 s23, $0x1F;
	s11 =	sshra.s32 s23, $0x5  }
0x19f: {  	s20 =	sshra.s32 s10, $0x1F;
	s23 =	sshrl.u32 s13, $0x1F;
	s11 =	sadd.s32 s18, s11  }
0x1a0: {  	s13 =	sshra.s32 s13, $0x5;
	p0 =	sne.s32 s16, s17;
	s14 =	smul.u32 $0xFFFFFFBF, s11  }
0x1a1: {  	s21 =	sshrl.u32 s20, $0x19;
	s18 =	sshrl.u32 s1, $0x1F;
	p6 =	por !p0, !p6  }
0x1a2: {  	s1 =	sshra.s32 s1, $0x5;
	p4 =	por !p6, !p6;
	p0 =	sne.s32 s14, s19  }
0x1a3: {  	s14 =	sadd.s32 s21, s10;
	s21 =	ssub.s32 $0x0, s7;
	s7 =	smulhi.u32 $0x7E07E07F, s29  }
0x1a4: {  	s3 =	simm.s32 @!p4 $0x0;
	s17 =	sand.u32 $0xFFFFFF80, s14;
	p3 =	por !p0, !p3  }
0x1a5: {  	p0 =	slt.s32 s10, $0x1;
	s9 =	ssub.s32 s4, s3;
	p5 =	sne.s32 s10, s17  }
0x1a6: {  	s4 =	sadd.s32 s23, s13;
	p3 =	por !p3, !p3;
	s10 =	sand.u32 $0x7F, s10  }
0x1a7: {  	s16 =	sshra.s32 s9, $0x1F;
	s20 =	smul.u32 $0xFFFFFFBF, s4;
	p0 =	por !p0, !p5  }
0x1a8: {  	p4 =	slt.s32 s9, $0x1;
	s3 =	sshrl.u32 s16, $0x19;
	s16 =	sshrl.u32 s2, $0x1F  }
0x1a9: {  	s2 =	sshra.s32 s2, $0x5;
	p0 =	por !p0, !p0;
	s13 =	sadd.s32 s3, s9  }
0x1aa: {  	s3 =	sadd.s32 s18, s1;
	p5 =	sne.s32 s20, s21;
	s1 =	simm.s32 $0x1  }
0x1ab: {  	s2 =	sadd.s32 s16, s2;
	s18 =	ssub.s32 $0x0, s5;
	s20 =	smulhi.u32 $0x7E07E07F, s31  }
0x1ac: {  	s21 =	sshra.s32 s14, $0x7;
	s19 =	sand.u32 $0xFFFFFF80, s13;
	s23 =	smul.u32 $0xFFFFFFBF, s3  }
0x1ad: {  	s1 =	simm.s32 @!p3 $0x0;
	s17 =	smul.u32 $0xFFFFFFBF, s2;
	p6 =	sne.s32 s9, s19  }
0x1ae: {  	s6 =	ssub.s32 s11, s1;
	s1 =	simm.s32 $0x1;
	s8 =	sadd.s32 s8, s20  }
0x1af: {  	s20 =	rddreg [dreg:$0x7];
	s9 =	sand.u32 $0x7F, s9;
	p6 =	por !p4, !p6  }
0x1b0: {  	p4 =	sne.s32 s23, s15;
	s15 =	simm.s32 $0x1;
	p3 =	sne.s32 s17, s18  }
0x1b1: {  	s19 =	sshra.s32 s6, $0x1F;
	s17 =	rddreg [dreg:$0x8];
	s18 =	sshra.s32 s13, $0x7  }
0x1b2: {  	s15 =	simm.s32 @!p0 $0x0;
	p0 =	por !p6, !p6;
	p6 =	sne.s32 s12, $0x1  }
0x1b3: {  	s5 =	sshrl.u32 s19, $0x19;
	s19 =	ssub.s32 $0x0, s31;
	s1 =	simm.s32 @!p0 $0x0  }
0x1b4: {  	s5 =	sadd.s32 s5, s6;
	s12 =	ssub.s32 s21, s15;
	p0 =	por !p5, !p6  }
0x1b5: {  	s15 =	sshra.s32 s29, $0x1F;
	p6 =	slt.s32 s6, $0x1;
	s21 =	sshrl.u32 s8, $0x1F  }
0x1b6: {  	s8 =	sshra.s32 s8, $0x5;
	s23 =	sand.u32 $0xFFFFFF80, s5;
	s0 =	sor.u32 s0, s15  }
0x1b7: {  	s14 =	smul.u32 $0x7E07E07F, s15;
	s16 =	sshll.u32 s12, $0x3;
	s1 =	ssub.s32 s18, s1  }
0x1b8: {  	p0 =	por !p0, !p0;
	s12 =	simm.s32 $0x1;
	s5 =	sshra.s32 s5, $0x7  }
0x1b9: {  	s15 =	sadd.s32 s21, s8;
	s18 =	rddreg [dreg:$0x6];
	s21 =	sand.u32 $0x7F, s6  }
0x1ba: {  	p5 =	sne.s32 s6, s23;
	s11 =	sadd.s32 s17, s16;
	s12 =	simm.s32 @!p0 $0x0  }
0x1bb: {  	s1 =	sshll.u32 s1, $0x3;
	s8 =	smul.u32 $0xFFFFFFBF, s15;
	p5 =	por !p6, !p5  }
0x1bc: {  	s7 =	sadd.s32 s14, s7;
	s1 =	sadd.s32 s20, s1;
	v1 =	vmov s11;
	s4 =	ssub.s32 s4, s12  }
0x1bd: {  	s11 =	simm.s32 $0x1;
	p6 =	por !p4, !p2;
	s14 =	simm.s32 $0x880;
	v1 =	vshll.u32 v1, $0x7  }
0x1be: {  	p0 =	por !p5, !p5;
	s23 =	sshra.s32 s4, $0x1F;
	p2 =	slt.s32 s4, $0x1;
	v1 =	vadd.s32 v0, v1  }
0x1bf: {  	s20 =	sshrl.u32 s7, $0x1F;
	s7 =	sshra.s32 s7, $0x5;
	s11 =	simm.s32 @!p0 $0x0;
	v1 =	vor.u32 s10, v1  }
0x1c0: {  	p0 =	por !p6, !p6;
	p6 =	por !p3, !p1;
	s11 =	ssub.s32 s5, s11  }
0x1c1: {  	v2 =	vmov s1;
	s5 =	sshrl.u32 s23, $0x19;
	s10 =	simm.s32 $0x1;
	s23 =	sadd.s32 s20, s7  }
0x1c2: {  	v2 =	vshll.u32 v2, $0x7;
	s7 =	simm.s32 $0x1;
	s20 =	rddreg [dreg:$0x4];
	s12 =	sadd.s32 s5, s4  }
0x1c3: {  	v2 =	vadd.s32 v0, v2;
	s10 =	simm.s32 @!p0 $0x0;
	s16 =	sshll.u32 s11, $0x3;
	s31 =	sand.u32 $0xFFFFFF80, s12  }
0x1c4: {  	v2 =	vor.u32 s9, v2;
	s9 =	smul.u32 $0xFFFFFFBF, s23;
	s5 =	ssub.s32 s3, s10;
	p4 =	sne.s32 s4, s31;
	v1 =	vld.idx.msk [tilespmem:v1+s14+$0x0], $0xffff  }
0x1c5: {  	s10 =	sshra.s32 s5, $0x1F;
	p3 =	slt.s32 s5, $0x1;
	s4 =	sand.u32 $0x7F, s4  }
0x1c6: {  	p0 =	por !p2, !p4;
	s1 =	sshrl.u32 s10, $0x19;
	p2 =	sne.s32 s8, s19  }
0x1c7: {  	s8 =	simm.s32 $0x1;
	s10 =	sadd.s32 s18, s16;
	s19 =	sshra.s32 s12, $0x7  }
0x1c8: {  	s12 =	sld [smem:$0x7E4];
	p0 =	por !p0, !p0;
	s1 =	sadd.s32 s1, s5;
	v3 =	vmov s10  }
0x1c9: {  	s17 =	sand.u32 $0xFFFFFF80, s1;
	s8 =	simm.s32 @!p0 $0x0;
	p0 =	por !p6, !p6;
	[tilespmem:s24+$0xFFFFFFC0] =	vst v1;
	v1 =	vshll.u32 v3, $0x7  }
0x1ca: {  	s1 =	sshra.s32 s1, $0x7;
	p5 =	sne.s32 s5, s17;
	s8 =	ssub.s32 s19, s8;
	v2 =	vld.idx.msk [tilespmem:v2+s14+$0x0], $0xffff;
	v1 =	vadd.s32 v0, v1  }
0x1cb: {  	s7 =	simm.s32 @!p0 $0x0;
	p4 =	seq.s32 s12, $0x1;
	s17 =	sand.u32 $0x7F, s5;
	v1 =	vor.u32 s21, v1  }
0x1cc: {  	s5 =	simm.s32 $0x1;
	p1 =	por !p3, !p5;
	s8 =	sshll.u32 s8, $0x3  }
0x1cd: {  	s2 =	ssub.s32 s2, s7;
	s7 =	simm.s32 $0x1;
	s8 =	sadd.s32 s30, s8  }
0x1ce: {  	s30 =	ssub.s32 $0x0, s29;
	p0 =	por !p1, !p1;
	s31 =	sshra.s32 s2, $0x1F;
	v3 =	vmov s8  }
0x1cf: {  	p5 =	slt.s32 s2, $0x1;
	p1 =	sne.s32 s9, s30;
	s10 =	sshrl.u32 s31, $0x19;
	[tilespmem:s24+$0xFFFFFFD0] =	vst v2;
	v2 =	vshll.u32 v3, $0x7  }
0x1d0: {  	s7 =	simm.s32 @!p0 $0x0;
	p0 =	por !p2, !p4;
	s11 =	sadd.s32 s10, s2;
	v1 =	vld.idx.msk [tilespmem:v1+s14+$0x0], $0xffff;
	v2 =	vadd.s32 v0, v2  }
0x1d1: {  	s1 =	ssub.s32 s1, s7;
	p0 =	por !p0, !p0;
	s8 =	sand.u32 $0xFFFFFF80, s11;
	v2 =	vor.u32 s4, v2  }
0x1d2: {  	s1 =	sshll.u32 s1, $0x3;
	p6 =	sne.s32 s2, s8;
	s4 =	simm.s32 $0x1  }
0x1d3: {  	s1 =	sadd.s32 s28, s1;
	p2 =	por !p5, !p6;
	s4 =	simm.s32 @!p0 $0x0  }
0x1d4: {  	s8 =	simm.s32 $0x1;
	v3 =	vmov s1;
	p0 =	por !p2, !p2;
	s13 =	ssub.s32 s15, s4  }
0x1d5: {  	p2 =	sne.s32 s0, $0x1;
	s15 =	sshra.s32 s11, $0x7;
	s16 =	sshra.s32 s13, $0x1F;
	[tilespmem:s24+$0xFFFFFFE0] =	vst v1;
	v1 =	vshll.u32 v3, $0x7  }
0x1d6: {  	s8 =	simm.s32 @!p0 $0x0;
	p0 =	por !p1, !p2;
	s0 =	sshrl.u32 s16, $0x19;
	v2 =	vld.idx.msk [tilespmem:v2+s14+$0x0], $0xffff;
	v1 =	vadd.s32 v0, v1  }
0x1d7: {  	s3 =	ssub.s32 s15, s8;
	p0 =	por !p0, !p0;
	s0 =	sadd.s32 s0, s13;
	v1 =	vor.u32 s17, v1  }
0x1d8: {  	p4 =	slt.s32 s13, $0x1;
	s3 =	sshll.u32 s3, $0x3;
	s18 =	sand.u32 $0xFFFFFF80, s0  }
0x1d9: {  	s5 =	simm.s32 @!p0 $0x0;
	s3 =	sadd.s32 s22, s3;
	p3 =	sne.s32 s13, s18  }
0x1da: {  	s2 =	sand.u32 $0x7F, s2;
	s19 =	ssub.s32 s23, s5;
	v3 =	vmov s3;
	p0 =	por !p4, !p3  }
0x1db: {  	s4 =	simm.s32 $0x1;
	s5 =	sshra.s32 s19, $0x1F;
	p0 =	por !p0, !p0;
	[tilespmem:s24+$0xFFFFFFF0] =	vst v2;
	v2 =	vshll.u32 v3, $0x7  }
0x1dc: {  	s0 =	sshra.s32 s0, $0x7;
	s5 =	sshrl.u32 s5, $0x19;
	s4 =	simm.s32 @!p0 $0x0;
	v1 =	vld.idx.msk [tilespmem:v1+s14+$0x0], $0xffff;
	v2 =	vadd.s32 v0, v2  }
0x1dd: {  	s21 =	ssub.s32 s26, s20;
	s22 =	sadd.s32 s5, s19;
	s0 =	ssub.s32 s0, s4;
	v2 =	vor.u32 s2, v2  }
0x1de: {  	s5 =	sand.u32 $0xFFFFFF80, s22;
	s2 =	sshll.u32 s21, $0x6;
	s0 =	sshll.u32 s0, $0x3  }
0x1df: {  	p6 =	slt.s32 s19, $0x1;
	p5 =	sne.s32 s19, s5;
	s0 =	sadd.s32 s2, s0  }
0x1e0: {  	p0 =	por !p6, !p5;
	v3 =	vmov s0  }
0x1e1: {  	p0 =	por !p0, !p0;
	s0 =	simm.s32 $0x1;
	[tilespmem:s24+$0x0] =	vst v1;
	v1 =	vshll.u32 v3, $0x7  }
0x1e2: {  	s1 =	sand.u32 $0x7F, s13;
	s23 =	sshra.s32 s22, $0x7;
	s0 =	simm.s32 @!p0 $0x0;
	v2 =	vld.idx.msk [tilespmem:v2+s14+$0x0], $0xffff;
	v1 =	vadd.s32 v0, v1  }
0x1e3: {  	s25 =	ssub.s32 s25, s20;
	s0 =	ssub.s32 s23, s0;
	v1 =	vor.u32 s1, v1  }
0x1e4: {  	s0 =	sshll.u32 s0, $0x3;
	s1 =	sshll.u32 s25, $0x6  }
0x1e5: {  	s0 =	sadd.s32 s1, s0  }
0x1e6: {  	v3 =	vmov s0  }
0x1e7: {  	[tilespmem:s24+$0x10] =	vst v2;
	v2 =	vshll.u32 v3, $0x7  }
0x1e8: {  	s26 =	sand.u32 $0x7F, s19;
	v1 =	vld.idx.msk [tilespmem:v1+s14+$0x0], $0xffff;
	v2 =	vadd.s32 v0, v2  }
0x1e9: {  	v2 =	vor.u32 s26, v2;
	_ =	sdelay $0x3  }
0x1ea: {  	[tilespmem:s24+$0x20] =	vst v1  }
0x1eb: {  	v1 =	vld.idx.msk [tilespmem:v2+s14+$0x0], $0xffff;
	_ =	sdelay $0x2  }
0x1ec: {  	s28 =	sld [smem:$0x7EB];
	_ =	sdelay $0x1  }
0x1ed: {  	s29 =	simm.s32 $0x2;
	s13 =	simm.s32 $0x0;
	[tilespmem:s24+$0x30] =	vst v1  }
0x1ee: {  	[hbm4b:s28+s13] =	stream.linear.scatter [tilespmem:s13], [sflag:$0x2], $0x880, $0x38;
	[tilespmem:$0x8880] =	vst v63  }
0x1ef: {  	_ =	swait.ge [sflag:s29], $0x880  }
0x1f0: {  	s30 =	sld [smem:$0x7E7]  }
0x1f1: {  	s31 =	sld [smem:$0x7EF];
	_ =	sdelay $0x1  }
0x1f2: {  	s3 =	sadd.s32 $0x1, s30  }
0x1f3: {  	p0 =	sne.s32 s3, s31  }
.Ltmp1:
0x1f4: {  	_ = 	snop;
	(pc) =	sbr.rel @p0 .LBB2_1-.Ltmp1, $3  }
0x1f5: {  	_ =	sdelay $0x1  }
0x1f6: {  	[sflag:s29] =	ssyncset.done $0x0  }
0x1f7: {  	s1 =	simm.s32 $0x880;
	[sflag:s29] =	ssyncadd.s32 $0xFFFFF780  }
0x1f8: {  	_ =	sfence.sel $0x180000  }
0x1f9: {  	[bflag:$0x0] =	sbarrier.arrive $0xFFFF  }
0x1fa: {  	_ =	strace $0x90000047  }
0x1fb: {  	s0 =	stileid.u32;
	[bflag:$0x2] =	sbarrier.arrive $0xFFFF  }
0x1fc: {  	p0 =	sne.s32 s0, $0x0;
	s0 =	rddreg [dreg:$0x2]  }
0x1fd: {  	s0 =	sadd.s32 @!p0 $0x100000, s0  }
0x1fe: {  	[sflag:s0] =	ssyncadd.tile.s32 @!p0 $0x1;
	_ =	shalt  }
.Lfunc_end2:
_tile_overlayer_lowered:
.L_overlay_start_2:
0x1ff: {  	(tag) =	ssettag $0x2  }
0x200: {  	s0 =	rddreg [dreg:$0x0];
	s2 =	stileid.u32  }
0x201: {  	s1 =	rddreg [dreg:$0x1];
	p0 =	sne.s32 s2, $0x0  }
0x202: {  	s3 =	rddreg [dreg:$0x2];
	[bflag:$0x3] =	sbarrier.arrive $0xFFFF;
	s2 =	simm.s32 @!p0 $0x1C02  }
0x203: {  	[timem:s3], [sflag:s2] =	dma.local @!p0 [hbm:s0], s1  }
0x204: {  	s0 =	simm.s32 @!p0 $0x2  }
0x205: {  	_ =	swait.ge @!p0 [sflag:s0], s1  }
0x206: {  	s1 =	ssub.s32 @!p0 $0x0, s1;
	[sflag:s0] =	ssyncset.done @!p0 $0x0  }
0x207: {  	[sflag:s0] =	ssyncadd.s32 @!p0 s1  }
0x208: {  	[bflag:$0x3] =	sbarrier.arrive $0xFFFF  }
0x209: {  	_ =	shalt  }

</sc_bundles>
